<compile_context>
chip_gen: v7x
topology: tpu7x:2x2x1
jax: 0.10.2.dev20260603
libtpu: 0.0.44.dev20260713+nightly
codegen_flags: <defaults>
</compile_context>

<pallas_src>
import functools

import jax
import jax.numpy as jnp
from jax import lax
from jax.experimental import pallas as pl
from jax.experimental.pallas import tpu as pltpu
from jax.experimental.pallas import tpu_sc as plsc

N = 10000
E = 320000
D = 128

NC = 2
NS = 16
NW = NC * NS
K = 128
EPT = 10240
CH = EPT // K
CH2 = CH // 2
EPAD = NW * EPT
NP = 10240
RPS = NP // NS
ZR = 128
DW = 16

_mesh = plsc.VectorSubcoreMesh(core_axis_name="c", subcore_axis_name="s")


def _deg_body(dst2, ones_h, zeros_h, out, dall, onesv, zbuf, acc):
    c = lax.axis_index("c")
    s = lax.axis_index("s")
    wid = c * NS + s
    pltpu.sync_copy(zeros_h, zbuf)
    for j in range(RPS // ZR):
        pltpu.sync_copy(zbuf, acc.at[pl.ds(s * RPS + j * ZR, ZR)])
    pltpu.sync_copy(ones_h, onesv)
    pltpu.sync_copy(dst2.at[pl.ds(wid * CH, CH)], dall)
    plsc.subcore_barrier()

    def step(i, carry):
        pltpu.sync_copy(onesv, acc.at[dall.at[i]], add=True)
        return carry

    lax.fori_loop(0, CH, step, 0)
    plsc.subcore_barrier()
    for j in range(RPS // ZR):
        r0 = s * RPS + j * ZR
        pltpu.sync_copy(acc.at[pl.ds(r0, ZR)], zbuf)
        pltpu.sync_copy(zbuf, out.at[pl.ds(c * NP + r0, ZR)])


_deg = functools.partial(
    pl.kernel,
    out_type=jax.ShapeDtypeStruct((NC * NP, D), jnp.float32),
    mesh=_mesh,
    scratch_types=[
        pltpu.VMEM((CH, K), jnp.int32),
        pltpu.VMEM((K, D), jnp.float32),
        pltpu.VMEM((ZR, D), jnp.float32),
        pltpu.VMEM_SHARED((NP, D), jnp.float32),
    ],
)(_deg_body)


def _scatter_body(hs, src2, dst2, zeros_h, out, sall, dall, rows0, rows1,
                  acc, sem0, sem1):
    c = lax.axis_index("c")
    s = lax.axis_index("s")
    wid = c * NS + s
    pltpu.sync_copy(zeros_h, rows0)
    for j in range(RPS // ZR):
        pltpu.sync_copy(rows0, acc.at[pl.ds(s * RPS + j * ZR, ZR)])
    plsc.subcore_barrier()

    for h in range(2):
        pltpu.sync_copy(src2.at[pl.ds(wid * CH + h * CH2, CH2)], sall)
        pltpu.sync_copy(dst2.at[pl.ds(wid * CH + h * CH2, CH2)], dall)
        pltpu.async_copy(hs.at[sall.at[0]], rows0, sem0)

        def step(i2, carry):
            c0 = i2 * 2
            pltpu.async_copy(hs.at[sall.at[c0 + 1]], rows1, sem1)
            pltpu.make_async_copy(hs.at[sall.at[0]], rows0, sem0).wait()
            pltpu.sync_copy(rows0, acc.at[dall.at[c0]], add=True)

            @pl.when(i2 < CH2 // 2 - 1)
            def _():
                pltpu.async_copy(hs.at[sall.at[c0 + 2]], rows0, sem0)

            pltpu.make_async_copy(hs.at[sall.at[0]], rows1, sem1).wait()
            pltpu.sync_copy(rows1, acc.at[dall.at[c0 + 1]], add=True)
            return carry

        lax.fori_loop(0, CH2 // 2, step, 0)
    plsc.subcore_barrier()
    for j in range(RPS // ZR):
        r0 = s * RPS + j * ZR
        pltpu.sync_copy(acc.at[pl.ds(r0, ZR)], rows0)
        pltpu.sync_copy(rows0, out.at[pl.ds(c * NP + r0, ZR)])


_scatter = functools.partial(
    pl.kernel,
    out_type=jax.ShapeDtypeStruct((NC * NP, D), jnp.float32),
    mesh=_mesh,
    scratch_types=[
        pltpu.VMEM((CH2, K), jnp.int32),
        pltpu.VMEM((CH2, K), jnp.int32),
        pltpu.VMEM((K, D), jnp.float32),
        pltpu.VMEM((K, D), jnp.float32),
        pltpu.VMEM_SHARED((NP, D), jnp.float32),
        pltpu.SemaphoreType.DMA,
        pltpu.SemaphoreType.DMA,
    ],
)(_scatter_body)


BR = 1000


def _tc1_body(dp_ref, x_ref, w_ref, hs_ref, dinv_ref):
    deg = 1.0 + dp_ref[0][:, :1] + dp_ref[1][:, :1]
    dinv = lax.rsqrt(deg)
    h = jnp.dot(x_ref[...], w_ref[...], preferred_element_type=jnp.float32)
    hs_ref[...] = h * dinv
    dinv_ref[...] = jnp.broadcast_to(dinv, (BR, DW))


def _tc1(degp, x, w):
    return pl.pallas_call(
        _tc1_body,
        grid=(N // BR,),
        in_specs=[
            pl.BlockSpec((NC, BR, D), lambda i: (0, i, 0)),
            pl.BlockSpec((BR, D), lambda i: (i, 0)),
            pl.BlockSpec((D, D), lambda i: (0, 0)),
        ],
        out_specs=[
            pl.BlockSpec((BR, D), lambda i: (i, 0)),
            pl.BlockSpec((BR, DW), lambda i: (i, 0)),
        ],
        out_shape=[
            jax.ShapeDtypeStruct((N, D), jnp.float32),
            jax.ShapeDtypeStruct((N, DW), jnp.float32),
        ],
    )(degp, x, w)


def _tc2_body(pp_ref, hs_ref, dinv_ref, b_ref, w_ref, out_ref):
    dinv = dinv_ref[...][:, :1]
    a = (pp_ref[0] + pp_ref[1] + hs_ref[...]) * dinv + b_ref[...]
    h = jnp.maximum(a, 0.0)
    out_ref[...] = jnp.dot(
        h, w_ref[...], preferred_element_type=jnp.float32) * dinv


def _tc2(pp, hs, dinv, b, w):
    return pl.pallas_call(
        _tc2_body,
        grid=(N // BR,),
        in_specs=[
            pl.BlockSpec((NC, BR, D), lambda i: (0, i, 0)),
            pl.BlockSpec((BR, D), lambda i: (i, 0)),
            pl.BlockSpec((BR, DW), lambda i: (i, 0)),
            pl.BlockSpec((1, D), lambda i: (0, 0)),
            pl.BlockSpec((D, D), lambda i: (0, 0)),
        ],
        out_specs=pl.BlockSpec((BR, D), lambda i: (i, 0)),
        out_shape=jax.ShapeDtypeStruct((N, D), jnp.float32),
    )(pp, hs, dinv, b, w)


def _tc3_body(pp_ref, hs_ref, dinv_ref, b_ref, wfc_ref, bfc_ref, out_ref):
    dinv = dinv_ref[...][:, :1]
    h = jnp.maximum(
        (pp_ref[0] + pp_ref[1] + hs_ref[...]) * dinv + b_ref[...], 0.0)
    out_ref[...] = jnp.dot(
        h, wfc_ref[...], preferred_element_type=jnp.float32) + bfc_ref[...]


def _tc3(pp, hs, dinv, b, wfc, bfc):
    return pl.pallas_call(
        _tc3_body,
        grid=(N // BR,),
        in_specs=[
            pl.BlockSpec((NC, BR, D), lambda i: (0, i, 0)),
            pl.BlockSpec((BR, D), lambda i: (i, 0)),
            pl.BlockSpec((BR, DW), lambda i: (i, 0)),
            pl.BlockSpec((1, D), lambda i: (0, 0)),
            pl.BlockSpec((D, D), lambda i: (0, 0)),
            pl.BlockSpec((1, D), lambda i: (0, 0)),
        ],
        out_specs=pl.BlockSpec((BR, D), lambda i: (i, 0)),
        out_shape=jax.ShapeDtypeStruct((N, D), jnp.float32),
    )(pp, hs, dinv, b, wfc, bfc)


def kernel(x, edge_index, batch, W1, b1, W2, b2, Wfc, bfc):
    ei = edge_index.astype(jnp.int32)
    ept_real = E // NW
    pad = EPT - ept_real
    pad_dst = N + (jnp.arange(pad, dtype=jnp.int32)[None, :]
                   + (jnp.arange(NW, dtype=jnp.int32)[:, None] % NS) * 15
                   ) % pad
    pad_src = ((pad_dst - N) * 37 + 13) % N
    src2 = jnp.concatenate(
        [ei[0].reshape(NW, ept_real), pad_src], axis=1).reshape(NW * CH, K)
    dst2 = jnp.concatenate(
        [ei[1].reshape(NW, ept_real), pad_dst], axis=1).reshape(NW * CH, K)
    zeros_rows = jnp.zeros((ZR, D), jnp.float32)
    ones_k = jnp.ones((K, D), jnp.float32)

    degp = _deg(dst2, ones_k, zeros_rows).reshape(NC, NP, D)
    hs1, dinv = _tc1(degp, x, W1)
    p1 = _scatter(hs1, src2, dst2, zeros_rows).reshape(NC, NP, D)
    hs2 = _tc2(p1, hs1, dinv, b1.reshape(1, D), W2)
    p2 = _scatter(hs2, src2, dst2, zeros_rows).reshape(NC, NP, D)
    out = _tc3(p2, hs2, dinv, b2.reshape(1, D), Wfc, bfc.reshape(1, D))
    return out

# --- scband reference (transcript-rebuilt; emitter-appended) ---
"""Pipeline reference for scband-gcn-19997367730646 (READ-ONLY COPY).

The authoritative reference and input builder live on the scoring server;
editing this copy changes nothing except your own understanding.
"""

import jax, jax.numpy as jnp
import numpy as np

N = 10000
E = 320000
D_IN = 128
D_HID = 128
D_OUT = 128


def setup_inputs(seed: int = 0) -> dict:
    key = jax.random.key(seed)
    ks = jax.random.split(key, 8)
    x = jax.random.normal(ks[0], (N, D_IN), dtype=jnp.float32)
    edge_index = jax.random.randint(ks[1], (2, E), 0, N, dtype=jnp.int64)
    batch = jnp.zeros((N,), dtype=jnp.int64)
    W1 = jax.random.normal(ks[2], (D_IN, D_HID), dtype=jnp.float32) * (1.0 / np.sqrt(D_IN))
    b1 = jnp.zeros((D_HID,), dtype=jnp.float32)
    W2 = jax.random.normal(ks[3], (D_HID, D_HID), dtype=jnp.float32) * (1.0 / np.sqrt(D_HID))
    b2 = jnp.zeros((D_HID,), dtype=jnp.float32)
    Wfc = jax.random.normal(ks[4], (D_HID, D_OUT), dtype=jnp.float32) * (1.0 / np.sqrt(D_HID))
    bfc = jnp.zeros((D_OUT,), dtype=jnp.float32)
    return {"x": x, "edge_index": edge_index, "batch": batch,
            "W1": W1, "b1": b1, "W2": W2, "b2": b2, "Wfc": Wfc, "bfc": bfc}


def _gcn_conv(x, edge_index, W, b):
    # PyG GCNConv: out = D^{-1/2} (A + I) D^{-1/2} (X W) + b
    n = x.shape[0]
    h = x @ W
    src = edge_index[0]
    dst = edge_index[1]
    loop = jnp.arange(n, dtype=src.dtype)
    src = jnp.concatenate([src, loop])
    dst = jnp.concatenate([dst, loop])
    deg = jnp.zeros((n,), dtype=h.dtype).at[dst].add(1.0)
    dinv = jnp.where(deg > 0, jax.lax.rsqrt(deg), 0.0)
    norm = dinv[src] * dinv[dst]
    msg = norm[:, None] * h[src]
    out = jnp.zeros_like(h).at[dst].add(msg)
    return out + b


def reference(x, edge_index, batch, W1, b1, W2, b2, Wfc, bfc):
    h = jax.nn.relu(_gcn_conv(x, edge_index, W1, b1))
    h = jax.nn.relu(_gcn_conv(h, edge_index, W2, b2))
    # adj_matrix is None (set_graph_matrices never called), so skip dense matmul
    out = h @ Wfc + bfc
    return out

if __name__ == "__main__":
    import jax
    _d = setup_inputs()
    print(jax.jit(kernel)(*tuple(_d.values())))

</pallas_src>

<mosaic_0001>
#map = affine_map<(d0, d1) -> (0, 0)>
module attributes {stable_mosaic.version = 14 : i64} {
  func.func @_scatter_body(%arg0: i32, %arg1: i32, %arg2: memref<10000x128xf32, #tpu.memory_space<hbm>>, %arg3: memref<2560x128xi32, #tpu.memory_space<hbm>>, %arg4: memref<2560x128xi32, #tpu.memory_space<hbm>>, %arg5: memref<128x128xf32, #tpu.memory_space<hbm>>, %arg6: memref<20480x128xf32, #tpu.memory_space<hbm>>, %arg7: memref<40x128xi32, #tpu.memory_space<vmem>>, %arg8: memref<40x128xi32, #tpu.memory_space<vmem>>, %arg9: memref<128x128xf32, #tpu.memory_space<vmem>>, %arg10: memref<128x128xf32, #tpu.memory_space<vmem>>, %arg11: memref<10240x128xf32, #tpu.memory_space<vmem_shared>>, %arg12: memref<!tpu.dma_semaphore, #tpu.memory_space<semaphore_mem>>, %arg13: memref<!tpu.dma_semaphore, #tpu.memory_space<semaphore_mem>>) attributes {dimension_semantics = [#tpu.dimension_semantics<core_parallel>, #tpu.dimension_semantics<subcore_parallel>], iteration_bounds = array<i64: 2, 16>, scalar_prefetch = 0 : i64, scratch_operands = 7 : i64, tpu.core_type = #tpu.core_type<sc_vector_subcore>, window_params = [{transform_indices = #map}, {transform_indices = #map}, {transform_indices = #map}, {transform_indices = #map}, {transform_indices = #map}]} {
    %mul3A = arith.constant 16 : i32
    %mul3A_0 = arith.muli %arg0, %mul3A : i32
    %add3A = arith.addi %mul3A_0, %arg1 : i32
    "tpu.region"() ({
      %run_scoped3A = tpu.sem_alloc : memref<!tpu.dma_semaphore, #tpu.memory_space<semaphore_mem>>
      tpu.enqueue_dma source(%arg5 : memref<128x128xf32, #tpu.memory_space<hbm>>) target(%arg9 : memref<128x128xf32, #tpu.memory_space<vmem>>) target_semaphore(%run_scoped3A : memref<!tpu.dma_semaphore, #tpu.memory_space<semaphore_mem>>)
      tpu.wait_dma2 semaphore(%run_scoped3A : memref<!tpu.dma_semaphore, #tpu.memory_space<semaphore_mem>>) src(%arg5 : memref<128x128xf32, #tpu.memory_space<hbm>>) dst(%arg9 : memref<128x128xf32, #tpu.memory_space<vmem>>)
      tpu.yield
    }) : () -> ()
    %mul3A_1 = arith.constant 640 : i32
    %mul3A_2 = arith.muli %arg1, %mul3A_1 : i32
    %add3A_3 = arith.constant 0 : i32
    %add3A_4 = arith.addi %mul3A_2, %add3A_3 : i32
    "tpu.region"() ({
      %run_scoped3A = tpu.sem_alloc : memref<!tpu.dma_semaphore, #tpu.memory_space<semaphore_mem>>
      %dma_start3A_97 = arith.constant 0 : i32
      %dma_start3A_98 = tpu.memref_slice %arg11[%add3A_4, %dma_start3A_97] : memref<10240x128xf32, #tpu.memory_space<vmem_shared>> -> memref<128x128xf32, #tpu.memory_space<vmem_shared>>
      %dma_start3A_99 = arith.constant 0 : i32
      %dma_start3A_100 = tpu.memref_slice %arg11[%add3A_4, %dma_start3A_99] : memref<10240x128xf32, #tpu.memory_space<vmem_shared>> -> memref<128x128xf32, #tpu.memory_space<vmem_shared>>
      tpu.enqueue_dma source(%arg9 : memref<128x128xf32, #tpu.memory_space<vmem>>) target(%dma_start3A_100 : memref<128x128xf32, #tpu.memory_space<vmem_shared>>) target_semaphore(%run_scoped3A : memref<!tpu.dma_semaphore, #tpu.memory_space<semaphore_mem>>)
      %dma_wait3A = arith.constant 0 : i32
      %dma_wait3A_101 = tpu.memref_slice %arg11[%add3A_4, %dma_wait3A] : memref<10240x128xf32, #tpu.memory_space<vmem_shared>> -> memref<128x128xf32, #tpu.memory_space<vmem_shared>>
      %dma_wait3A_102 = arith.constant 0 : i32
      %dma_wait3A_103 = tpu.memref_slice %arg11[%add3A_4, %dma_wait3A_102] : memref<10240x128xf32, #tpu.memory_space<vmem_shared>> -> memref<128x128xf32, #tpu.memory_space<vmem_shared>>
      tpu.wait_dma2 semaphore(%run_scoped3A : memref<!tpu.dma_semaphore, #tpu.memory_space<semaphore_mem>>) src(%arg9 : memref<128x128xf32, #tpu.memory_space<vmem>>) dst(%dma_wait3A_103 : memref<128x128xf32, #tpu.memory_space<vmem_shared>>)
      tpu.yield
    }) : () -> ()
    %mul3A_5 = arith.constant 640 : i32
    %mul3A_6 = arith.muli %arg1, %mul3A_5 : i32
    %add3A_7 = arith.constant 128 : i32
    %add3A_8 = arith.addi %mul3A_6, %add3A_7 : i32
    "tpu.region"() ({
      %run_scoped3A = tpu.sem_alloc : memref<!tpu.dma_semaphore, #tpu.memory_space<semaphore_mem>>
      %dma_start3A_97 = arith.constant 0 : i32
      %dma_start3A_98 = tpu.memref_slice %arg11[%add3A_8, %dma_start3A_97] : memref<10240x128xf32, #tpu.memory_space<vmem_shared>> -> memref<128x128xf32, #tpu.memory_space<vmem_shared>>
      %dma_start3A_99 = arith.constant 0 : i32
      %dma_start3A_100 = tpu.memref_slice %arg11[%add3A_8, %dma_start3A_99] : memref<10240x128xf32, #tpu.memory_space<vmem_shared>> -> memref<128x128xf32, #tpu.memory_space<vmem_shared>>
      tpu.enqueue_dma source(%arg9 : memref<128x128xf32, #tpu.memory_space<vmem>>) target(%dma_start3A_100 : memref<128x128xf32, #tpu.memory_space<vmem_shared>>) target_semaphore(%run_scoped3A : memref<!tpu.dma_semaphore, #tpu.memory_space<semaphore_mem>>)
      %dma_wait3A = arith.constant 0 : i32
      %dma_wait3A_101 = tpu.memref_slice %arg11[%add3A_8, %dma_wait3A] : memref<10240x128xf32, #tpu.memory_space<vmem_shared>> -> memref<128x128xf32, #tpu.memory_space<vmem_shared>>
      %dma_wait3A_102 = arith.constant 0 : i32
      %dma_wait3A_103 = tpu.memref_slice %arg11[%add3A_8, %dma_wait3A_102] : memref<10240x128xf32, #tpu.memory_space<vmem_shared>> -> memref<128x128xf32, #tpu.memory_space<vmem_shared>>
      tpu.wait_dma2 semaphore(%run_scoped3A : memref<!tpu.dma_semaphore, #tpu.memory_space<semaphore_mem>>) src(%arg9 : memref<128x128xf32, #tpu.memory_space<vmem>>) dst(%dma_wait3A_103 : memref<128x128xf32, #tpu.memory_space<vmem_shared>>)
      tpu.yield
    }) : () -> ()
    %mul3A_9 = arith.constant 640 : i32
    %mul3A_10 = arith.muli %arg1, %mul3A_9 : i32
    %add3A_11 = arith.constant 256 : i32
    %add3A_12 = arith.addi %mul3A_10, %add3A_11 : i32
    "tpu.region"() ({
      %run_scoped3A = tpu.sem_alloc : memref<!tpu.dma_semaphore, #tpu.memory_space<semaphore_mem>>
      %dma_start3A_97 = arith.constant 0 : i32
      %dma_start3A_98 = tpu.memref_slice %arg11[%add3A_12, %dma_start3A_97] : memref<10240x128xf32, #tpu.memory_space<vmem_shared>> -> memref<128x128xf32, #tpu.memory_space<vmem_shared>>
      %dma_start3A_99 = arith.constant 0 : i32
      %dma_start3A_100 = tpu.memref_slice %arg11[%add3A_12, %dma_start3A_99] : memref<10240x128xf32, #tpu.memory_space<vmem_shared>> -> memref<128x128xf32, #tpu.memory_space<vmem_shared>>
      tpu.enqueue_dma source(%arg9 : memref<128x128xf32, #tpu.memory_space<vmem>>) target(%dma_start3A_100 : memref<128x128xf32, #tpu.memory_space<vmem_shared>>) target_semaphore(%run_scoped3A : memref<!tpu.dma_semaphore, #tpu.memory_space<semaphore_mem>>)
      %dma_wait3A = arith.constant 0 : i32
      %dma_wait3A_101 = tpu.memref_slice %arg11[%add3A_12, %dma_wait3A] : memref<10240x128xf32, #tpu.memory_space<vmem_shared>> -> memref<128x128xf32, #tpu.memory_space<vmem_shared>>
      %dma_wait3A_102 = arith.constant 0 : i32
      %dma_wait3A_103 = tpu.memref_slice %arg11[%add3A_12, %dma_wait3A_102] : memref<10240x128xf32, #tpu.memory_space<vmem_shared>> -> memref<128x128xf32, #tpu.memory_space<vmem_shared>>
      tpu.wait_dma2 semaphore(%run_scoped3A : memref<!tpu.dma_semaphore, #tpu.memory_space<semaphore_mem>>) src(%arg9 : memref<128x128xf32, #tpu.memory_space<vmem>>) dst(%dma_wait3A_103 : memref<128x128xf32, #tpu.memory_space<vmem_shared>>)
      tpu.yield
    }) : () -> ()
    %mul3A_13 = arith.constant 640 : i32
    %mul3A_14 = arith.muli %arg1, %mul3A_13 : i32
    %add3A_15 = arith.constant 384 : i32
    %add3A_16 = arith.addi %mul3A_14, %add3A_15 : i32
    "tpu.region"() ({
      %run_scoped3A = tpu.sem_alloc : memref<!tpu.dma_semaphore, #tpu.memory_space<semaphore_mem>>
      %dma_start3A_97 = arith.constant 0 : i32
      %dma_start3A_98 = tpu.memref_slice %arg11[%add3A_16, %dma_start3A_97] : memref<10240x128xf32, #tpu.memory_space<vmem_shared>> -> memref<128x128xf32, #tpu.memory_space<vmem_shared>>
      %dma_start3A_99 = arith.constant 0 : i32
      %dma_start3A_100 = tpu.memref_slice %arg11[%add3A_16, %dma_start3A_99] : memref<10240x128xf32, #tpu.memory_space<vmem_shared>> -> memref<128x128xf32, #tpu.memory_space<vmem_shared>>
      tpu.enqueue_dma source(%arg9 : memref<128x128xf32, #tpu.memory_space<vmem>>) target(%dma_start3A_100 : memref<128x128xf32, #tpu.memory_space<vmem_shared>>) target_semaphore(%run_scoped3A : memref<!tpu.dma_semaphore, #tpu.memory_space<semaphore_mem>>)
      %dma_wait3A = arith.constant 0 : i32
      %dma_wait3A_101 = tpu.memref_slice %arg11[%add3A_16, %dma_wait3A] : memref<10240x128xf32, #tpu.memory_space<vmem_shared>> -> memref<128x128xf32, #tpu.memory_space<vmem_shared>>
      %dma_wait3A_102 = arith.constant 0 : i32
      %dma_wait3A_103 = tpu.memref_slice %arg11[%add3A_16, %dma_wait3A_102] : memref<10240x128xf32, #tpu.memory_space<vmem_shared>> -> memref<128x128xf32, #tpu.memory_space<vmem_shared>>
      tpu.wait_dma2 semaphore(%run_scoped3A : memref<!tpu.dma_semaphore, #tpu.memory_space<semaphore_mem>>) src(%arg9 : memref<128x128xf32, #tpu.memory_space<vmem>>) dst(%dma_wait3A_103 : memref<128x128xf32, #tpu.memory_space<vmem_shared>>)
      tpu.yield
    }) : () -> ()
    %mul3A_17 = arith.constant 640 : i32
    %mul3A_18 = arith.muli %arg1, %mul3A_17 : i32
    %add3A_19 = arith.constant 512 : i32
    %add3A_20 = arith.addi %mul3A_18, %add3A_19 : i32
    "tpu.region"() ({
      %run_scoped3A = tpu.sem_alloc : memref<!tpu.dma_semaphore, #tpu.memory_space<semaphore_mem>>
      %dma_start3A_97 = arith.constant 0 : i32
      %dma_start3A_98 = tpu.memref_slice %arg11[%add3A_20, %dma_start3A_97] : memref<10240x128xf32, #tpu.memory_space<vmem_shared>> -> memref<128x128xf32, #tpu.memory_space<vmem_shared>>
      %dma_start3A_99 = arith.constant 0 : i32
      %dma_start3A_100 = tpu.memref_slice %arg11[%add3A_20, %dma_start3A_99] : memref<10240x128xf32, #tpu.memory_space<vmem_shared>> -> memref<128x128xf32, #tpu.memory_space<vmem_shared>>
      tpu.enqueue_dma source(%arg9 : memref<128x128xf32, #tpu.memory_space<vmem>>) target(%dma_start3A_100 : memref<128x128xf32, #tpu.memory_space<vmem_shared>>) target_semaphore(%run_scoped3A : memref<!tpu.dma_semaphore, #tpu.memory_space<semaphore_mem>>)
      %dma_wait3A = arith.constant 0 : i32
      %dma_wait3A_101 = tpu.memref_slice %arg11[%add3A_20, %dma_wait3A] : memref<10240x128xf32, #tpu.memory_space<vmem_shared>> -> memref<128x128xf32, #tpu.memory_space<vmem_shared>>
      %dma_wait3A_102 = arith.constant 0 : i32
      %dma_wait3A_103 = tpu.memref_slice %arg11[%add3A_20, %dma_wait3A_102] : memref<10240x128xf32, #tpu.memory_space<vmem_shared>> -> memref<128x128xf32, #tpu.memory_space<vmem_shared>>
      tpu.wait_dma2 semaphore(%run_scoped3A : memref<!tpu.dma_semaphore, #tpu.memory_space<semaphore_mem>>) src(%arg9 : memref<128x128xf32, #tpu.memory_space<vmem>>) dst(%dma_wait3A_103 : memref<128x128xf32, #tpu.memory_space<vmem_shared>>)
      tpu.yield
    }) : () -> ()
    %barrier3A = arith.constant 0 : index
    tpu.barrier barrier_id(%barrier3A)
    %mul3A_21 = arith.constant 80 : i32
    %mul3A_22 = arith.muli %add3A, %mul3A_21 : i32
    %add3A_23 = arith.constant 0 : i32
    %add3A_24 = arith.addi %mul3A_22, %add3A_23 : i32
    "tpu.region"() ({
      %run_scoped3A = tpu.sem_alloc : memref<!tpu.dma_semaphore, #tpu.memory_space<semaphore_mem>>
      %dma_start3A_97 = arith.constant 0 : i32
      %dma_start3A_98 = tpu.memref_slice %arg3[%add3A_24, %dma_start3A_97] : memref<2560x128xi32, #tpu.memory_space<hbm>> -> memref<40x128xi32, #tpu.memory_space<hbm>>
      %dma_start3A_99 = arith.constant 0 : i32
      %dma_start3A_100 = tpu.memref_slice %arg3[%add3A_24, %dma_start3A_99] : memref<2560x128xi32, #tpu.memory_space<hbm>> -> memref<40x128xi32, #tpu.memory_space<hbm>>
      tpu.enqueue_dma source(%dma_start3A_100 : memref<40x128xi32, #tpu.memory_space<hbm>>) target(%arg7 : memref<40x128xi32, #tpu.memory_space<vmem>>) target_semaphore(%run_scoped3A : memref<!tpu.dma_semaphore, #tpu.memory_space<semaphore_mem>>)
      %dma_wait3A = arith.constant 0 : i32
      %dma_wait3A_101 = tpu.memref_slice %arg3[%add3A_24, %dma_wait3A] : memref<2560x128xi32, #tpu.memory_space<hbm>> -> memref<40x128xi32, #tpu.memory_space<hbm>>
      %dma_wait3A_102 = arith.constant 0 : i32
      %dma_wait3A_103 = tpu.memref_slice %arg3[%add3A_24, %dma_wait3A_102] : memref<2560x128xi32, #tpu.memory_space<hbm>> -> memref<40x128xi32, #tpu.memory_space<hbm>>
      tpu.wait_dma2 semaphore(%run_scoped3A : memref<!tpu.dma_semaphore, #tpu.memory_space<semaphore_mem>>) src(%dma_wait3A_103 : memref<40x128xi32, #tpu.memory_space<hbm>>) dst(%arg7 : memref<40x128xi32, #tpu.memory_space<vmem>>)
      tpu.yield
    }) : () -> ()
    %mul3A_25 = arith.constant 80 : i32
    %mul3A_26 = arith.muli %add3A, %mul3A_25 : i32
    %add3A_27 = arith.constant 0 : i32
    %add3A_28 = arith.addi %mul3A_26, %add3A_27 : i32
    "tpu.region"() ({
      %run_scoped3A = tpu.sem_alloc : memref<!tpu.dma_semaphore, #tpu.memory_space<semaphore_mem>>
      %dma_start3A_97 = arith.constant 0 : i32
      %dma_start3A_98 = tpu.memref_slice %arg4[%add3A_28, %dma_start3A_97] : memref<2560x128xi32, #tpu.memory_space<hbm>> -> memref<40x128xi32, #tpu.memory_space<hbm>>
      %dma_start3A_99 = arith.constant 0 : i32
      %dma_start3A_100 = tpu.memref_slice %arg4[%add3A_28, %dma_start3A_99] : memref<2560x128xi32, #tpu.memory_space<hbm>> -> memref<40x128xi32, #tpu.memory_space<hbm>>
      tpu.enqueue_dma source(%dma_start3A_100 : memref<40x128xi32, #tpu.memory_space<hbm>>) target(%arg8 : memref<40x128xi32, #tpu.memory_space<vmem>>) target_semaphore(%run_scoped3A : memref<!tpu.dma_semaphore, #tpu.memory_space<semaphore_mem>>)
      %dma_wait3A = arith.constant 0 : i32
      %dma_wait3A_101 = tpu.memref_slice %arg4[%add3A_28, %dma_wait3A] : memref<2560x128xi32, #tpu.memory_space<hbm>> -> memref<40x128xi32, #tpu.memory_space<hbm>>
      %dma_wait3A_102 = arith.constant 0 : i32
      %dma_wait3A_103 = tpu.memref_slice %arg4[%add3A_28, %dma_wait3A_102] : memref<2560x128xi32, #tpu.memory_space<hbm>> -> memref<40x128xi32, #tpu.memory_space<hbm>>
      tpu.wait_dma2 semaphore(%run_scoped3A : memref<!tpu.dma_semaphore, #tpu.memory_space<semaphore_mem>>) src(%dma_wait3A_103 : memref<40x128xi32, #tpu.memory_space<hbm>>) dst(%arg8 : memref<40x128xi32, #tpu.memory_space<vmem>>)
      tpu.yield
    }) : () -> ()
    %dma_start3A = arith.constant 0 : i32
    %dma_start3A_29 = arith.constant 0 : i32
    %dma_start3A_30 = tpu.memref_slice %arg7[%dma_start3A, %dma_start3A_29] : memref<40x128xi32, #tpu.memory_space<vmem>> -> memref<1x128xi32, #tpu.memory_space<vmem>>
    %dma_start3A_31 = tpu.memref_squeeze %dma_start3A_30 : memref<1x128xi32, #tpu.memory_space<vmem>> -> memref<128xi32, #tpu.memory_space<vmem>>
    %dma_start3A_32 = arith.constant 0 : i32
    %dma_start3A_33 = arith.constant 0 : i32
    %dma_start3A_34 = tpu.memref_slice %arg2[%dma_start3A_32, %dma_start3A_33] : memref<10000x128xf32, #tpu.memory_space<hbm>> -> memref<10000x128xf32, #tpu.memory_space<hbm>>
    tpu.enqueue_indirect_dma source(%dma_start3A_34 : memref<10000x128xf32, #tpu.memory_space<hbm>>) target(%arg9 : memref<128x128xf32, #tpu.memory_space<vmem>>) offsets(%dma_start3A_31 : memref<128xi32, #tpu.memory_space<vmem>>) semaphore(%arg12 : memref<!tpu.dma_semaphore, #tpu.memory_space<semaphore_mem>>)
    %scan3A = arith.constant 0 : i32
    %scan3A_35 = arith.constant 0 : i32
    %scan3A_36 = arith.constant 20 : i32
    %scan3A_37 = arith.addi %scan3A_35, %scan3A_36 : i32
    %scan3A_38 = arith.constant 1 : i32
    scf.for %scan3A_97 = %scan3A_35 to %scan3A_37 step %scan3A_38  : i32 {
      %mul3A_98 = arith.constant 2 : i32
      %mul3A_99 = arith.muli %scan3A_97, %mul3A_98 : i32
      %add3A_100 = arith.constant 1 : i32
      %add3A_101 = arith.addi %mul3A_99, %add3A_100 : i32
      %dma_start3A_102 = arith.constant 0 : i32
      %dma_start3A_103 = tpu.memref_slice %arg7[%add3A_101, %dma_start3A_102] : memref<40x128xi32, #tpu.memory_space<vmem>> -> memref<1x128xi32, #tpu.memory_space<vmem>>
      %dma_start3A_104 = tpu.memref_squeeze %dma_start3A_103 : memref<1x128xi32, #tpu.memory_space<vmem>> -> memref<128xi32, #tpu.memory_space<vmem>>
      %dma_start3A_105 = arith.constant 0 : i32
      %dma_start3A_106 = arith.constant 0 : i32
      %dma_start3A_107 = tpu.memref_slice %arg2[%dma_start3A_105, %dma_start3A_106] : memref<10000x128xf32, #tpu.memory_space<hbm>> -> memref<10000x128xf32, #tpu.memory_space<hbm>>
      tpu.enqueue_indirect_dma source(%dma_start3A_107 : memref<10000x128xf32, #tpu.memory_space<hbm>>) target(%arg10 : memref<128x128xf32, #tpu.memory_space<vmem>>) offsets(%dma_start3A_104 : memref<128xi32, #tpu.memory_space<vmem>>) semaphore(%arg13 : memref<!tpu.dma_semaphore, #tpu.memory_space<semaphore_mem>>)
      %dma_wait3A = arith.constant 0 : i32
      %dma_wait3A_108 = arith.constant 0 : i32
      %dma_wait3A_109 = tpu.memref_slice %arg7[%dma_wait3A, %dma_wait3A_108] : memref<40x128xi32, #tpu.memory_space<vmem>> -> memref<1x128xi32, #tpu.memory_space<vmem>>
      %dma_wait3A_110 = tpu.memref_squeeze %dma_wait3A_109 : memref<1x128xi32, #tpu.memory_space<vmem>> -> memref<128xi32, #tpu.memory_space<vmem>>
      %dma_wait3A_111 = arith.constant 0 : i32
      %dma_wait3A_112 = arith.constant 0 : i32
      %dma_wait3A_113 = tpu.memref_slice %arg2[%dma_wait3A_111, %dma_wait3A_112] : memref<10000x128xf32, #tpu.memory_space<hbm>> -> memref<10000x128xf32, #tpu.memory_space<hbm>>
      tpu.wait_indirect_dma semaphore(%arg12 : memref<!tpu.dma_semaphore, #tpu.memory_space<semaphore_mem>>) src(%dma_wait3A_113 : memref<10000x128xf32, #tpu.memory_space<hbm>>) dst(%arg9 : memref<128x128xf32, #tpu.memory_space<vmem>>)
      "tpu.region"() ({
        %run_scoped3A = tpu.sem_alloc : memref<!tpu.dma_semaphore, #tpu.memory_space<semaphore_mem>>
        %dma_start3A_125 = arith.constant 0 : i32
        %dma_start3A_126 = tpu.memref_slice %arg8[%mul3A_99, %dma_start3A_125] : memref<40x128xi32, #tpu.memory_space<vmem>> -> memref<1x128xi32, #tpu.memory_space<vmem>>
        %dma_start3A_127 = tpu.memref_squeeze %dma_start3A_126 : memref<1x128xi32, #tpu.memory_space<vmem>> -> memref<128xi32, #tpu.memory_space<vmem>>
        %dma_start3A_128 = arith.constant 0 : i32
        %dma_start3A_129 = arith.constant 0 : i32
        %dma_start3A_130 = tpu.memref_slice %arg11[%dma_start3A_128, %dma_start3A_129] : memref<10240x128xf32, #tpu.memory_space<vmem_shared>> -> memref<10240x128xf32, #tpu.memory_space<vmem_shared>>
        tpu.enqueue_indirect_dma source(%arg9 : memref<128x128xf32, #tpu.memory_space<vmem>>) target(%dma_start3A_130 : memref<10240x128xf32, #tpu.memory_space<vmem_shared>>) offsets(%dma_start3A_127 : memref<128xi32, #tpu.memory_space<vmem>>) semaphore(%run_scoped3A : memref<!tpu.dma_semaphore, #tpu.memory_space<semaphore_mem>>) {add = true}
        %dma_wait3A_131 = arith.constant 0 : i32
        %dma_wait3A_132 = tpu.memref_slice %arg8[%mul3A_99, %dma_wait3A_131] : memref<40x128xi32, #tpu.memory_space<vmem>> -> memref<1x128xi32, #tpu.memory_space<vmem>>
        %dma_wait3A_133 = tpu.memref_squeeze %dma_wait3A_132 : memref<1x128xi32, #tpu.memory_space<vmem>> -> memref<128xi32, #tpu.memory_space<vmem>>
        %dma_wait3A_134 = arith.constant 0 : i32
        %dma_wait3A_135 = arith.constant 0 : i32
        %dma_wait3A_136 = tpu.memref_slice %arg11[%dma_wait3A_134, %dma_wait3A_135] : memref<10240x128xf32, #tpu.memory_space<vmem_shared>> -> memref<10240x128xf32, #tpu.memory_space<vmem_shared>>
        tpu.wait_indirect_dma semaphore(%run_scoped3A : memref<!tpu.dma_semaphore, #tpu.memory_space<semaphore_mem>>) src(%arg9 : memref<128x128xf32, #tpu.memory_space<vmem>>) dst(%dma_wait3A_136 : memref<10240x128xf32, #tpu.memory_space<vmem_shared>>)
        tpu.yield
      }) : () -> ()
      %lt3A = arith.constant 19 : i32
      %lt3A_114 = arith.cmpi slt, %scan3A_97, %lt3A : i32
      %convert_element_type3A = arith.extui %lt3A_114 : i1 to i32
      %cond3A = arith.constant 0 : i32
      %cond3A_115 = arith.cmpi ne, %convert_element_type3A, %cond3A : i32
      scf.if %cond3A_115 {
        %add3A_125 = arith.constant 2 : i32
        %add3A_126 = arith.addi %mul3A_99, %add3A_125 : i32
        %dma_start3A_127 = arith.constant 0 : i32
        %dma_start3A_128 = tpu.memref_slice %arg7[%add3A_126, %dma_start3A_127] : memref<40x128xi32, #tpu.memory_space<vmem>> -> memref<1x128xi32, #tpu.memory_space<vmem>>
        %dma_start3A_129 = tpu.memref_squeeze %dma_start3A_128 : memref<1x128xi32, #tpu.memory_space<vmem>> -> memref<128xi32, #tpu.memory_space<vmem>>
        %dma_start3A_130 = arith.constant 0 : i32
        %dma_start3A_131 = arith.constant 0 : i32
        %dma_start3A_132 = tpu.memref_slice %arg2[%dma_start3A_130, %dma_start3A_131] : memref<10000x128xf32, #tpu.memory_space<hbm>> -> memref<10000x128xf32, #tpu.memory_space<hbm>>
        tpu.enqueue_indirect_dma source(%dma_start3A_132 : memref<10000x128xf32, #tpu.memory_space<hbm>>) target(%arg9 : memref<128x128xf32, #tpu.memory_space<vmem>>) offsets(%dma_start3A_129 : memref<128xi32, #tpu.memory_space<vmem>>) semaphore(%arg12 : memref<!tpu.dma_semaphore, #tpu.memory_space<semaphore_mem>>)
      } else {
      }
      %dma_wait3A_116 = arith.constant 0 : i32
      %dma_wait3A_117 = arith.constant 0 : i32
      %dma_wait3A_118 = tpu.memref_slice %arg7[%dma_wait3A_116, %dma_wait3A_117] : memref<40x128xi32, #tpu.memory_space<vmem>> -> memref<1x128xi32, #tpu.memory_space<vmem>>
      %dma_wait3A_119 = tpu.memref_squeeze %dma_wait3A_118 : memref<1x128xi32, #tpu.memory_space<vmem>> -> memref<128xi32, #tpu.memory_space<vmem>>
      %dma_wait3A_120 = arith.constant 0 : i32
      %dma_wait3A_121 = arith.constant 0 : i32
      %dma_wait3A_122 = tpu.memref_slice %arg2[%dma_wait3A_120, %dma_wait3A_121] : memref<10000x128xf32, #tpu.memory_space<hbm>> -> memref<10000x128xf32, #tpu.memory_space<hbm>>
      tpu.wait_indirect_dma semaphore(%arg13 : memref<!tpu.dma_semaphore, #tpu.memory_space<semaphore_mem>>) src(%dma_wait3A_122 : memref<10000x128xf32, #tpu.memory_space<hbm>>) dst(%arg10 : memref<128x128xf32, #tpu.memory_space<vmem>>)
      %add3A_123 = arith.constant 1 : i32
      %add3A_124 = arith.addi %mul3A_99, %add3A_123 : i32
      "tpu.region"() ({
        %run_scoped3A = tpu.sem_alloc : memref<!tpu.dma_semaphore, #tpu.memory_space<semaphore_mem>>
        %dma_start3A_125 = arith.constant 0 : i32
        %dma_start3A_126 = tpu.memref_slice %arg8[%add3A_124, %dma_start3A_125] : memref<40x128xi32, #tpu.memory_space<vmem>> -> memref<1x128xi32, #tpu.memory_space<vmem>>
        %dma_start3A_127 = tpu.memref_squeeze %dma_start3A_126 : memref<1x128xi32, #tpu.memory_space<vmem>> -> memref<128xi32, #tpu.memory_space<vmem>>
        %dma_start3A_128 = arith.constant 0 : i32
        %dma_start3A_129 = arith.constant 0 : i32
        %dma_start3A_130 = tpu.memref_slice %arg11[%dma_start3A_128, %dma_start3A_129] : memref<10240x128xf32, #tpu.memory_space<vmem_shared>> -> memref<10240x128xf32, #tpu.memory_space<vmem_shared>>
        tpu.enqueue_indirect_dma source(%arg10 : memref<128x128xf32, #tpu.memory_space<vmem>>) target(%dma_start3A_130 : memref<10240x128xf32, #tpu.memory_space<vmem_shared>>) offsets(%dma_start3A_127 : memref<128xi32, #tpu.memory_space<vmem>>) semaphore(%run_scoped3A : memref<!tpu.dma_semaphore, #tpu.memory_space<semaphore_mem>>) {add = true}
        %dma_wait3A_131 = arith.constant 0 : i32
        %dma_wait3A_132 = tpu.memref_slice %arg8[%add3A_124, %dma_wait3A_131] : memref<40x128xi32, #tpu.memory_space<vmem>> -> memref<1x128xi32, #tpu.memory_space<vmem>>
        %dma_wait3A_133 = tpu.memref_squeeze %dma_wait3A_132 : memref<1x128xi32, #tpu.memory_space<vmem>> -> memref<128xi32, #tpu.memory_space<vmem>>
        %dma_wait3A_134 = arith.constant 0 : i32
        %dma_wait3A_135 = arith.constant 0 : i32
        %dma_wait3A_136 = tpu.memref_slice %arg11[%dma_wait3A_134, %dma_wait3A_135] : memref<10240x128xf32, #tpu.memory_space<vmem_shared>> -> memref<10240x128xf32, #tpu.memory_space<vmem_shared>>
        tpu.wait_indirect_dma semaphore(%run_scoped3A : memref<!tpu.dma_semaphore, #tpu.memory_space<semaphore_mem>>) src(%arg10 : memref<128x128xf32, #tpu.memory_space<vmem>>) dst(%dma_wait3A_136 : memref<10240x128xf32, #tpu.memory_space<vmem_shared>>)
        tpu.yield
      }) : () -> ()
    }
    %scan3A_39 = arith.constant 20 : i32
    %mul3A_40 = arith.constant 80 : i32
    %mul3A_41 = arith.muli %add3A, %mul3A_40 : i32
    %add3A_42 = arith.constant 40 : i32
    %add3A_43 = arith.addi %mul3A_41, %add3A_42 : i32
    "tpu.region"() ({
      %run_scoped3A = tpu.sem_alloc : memref<!tpu.dma_semaphore, #tpu.memory_space<semaphore_mem>>
      %dma_start3A_97 = arith.constant 0 : i32
      %dma_start3A_98 = tpu.memref_slice %arg3[%add3A_43, %dma_start3A_97] : memref<2560x128xi32, #tpu.memory_space<hbm>> -> memref<40x128xi32, #tpu.memory_space<hbm>>
      %dma_start3A_99 = arith.constant 0 : i32
      %dma_start3A_100 = tpu.memref_slice %arg3[%add3A_43, %dma_start3A_99] : memref<2560x128xi32, #tpu.memory_space<hbm>> -> memref<40x128xi32, #tpu.memory_space<hbm>>
      tpu.enqueue_dma source(%dma_start3A_100 : memref<40x128xi32, #tpu.memory_space<hbm>>) target(%arg7 : memref<40x128xi32, #tpu.memory_space<vmem>>) target_semaphore(%run_scoped3A : memref<!tpu.dma_semaphore, #tpu.memory_space<semaphore_mem>>)
      %dma_wait3A = arith.constant 0 : i32
      %dma_wait3A_101 = tpu.memref_slice %arg3[%add3A_43, %dma_wait3A] : memref<2560x128xi32, #tpu.memory_space<hbm>> -> memref<40x128xi32, #tpu.memory_space<hbm>>
      %dma_wait3A_102 = arith.constant 0 : i32
      %dma_wait3A_103 = tpu.memref_slice %arg3[%add3A_43, %dma_wait3A_102] : memref<2560x128xi32, #tpu.memory_space<hbm>> -> memref<40x128xi32, #tpu.memory_space<hbm>>
      tpu.wait_dma2 semaphore(%run_scoped3A : memref<!tpu.dma_semaphore, #tpu.memory_space<semaphore_mem>>) src(%dma_wait3A_103 : memref<40x128xi32, #tpu.memory_space<hbm>>) dst(%arg7 : memref<40x128xi32, #tpu.memory_space<vmem>>)
      tpu.yield
    }) : () -> ()
    %mul3A_44 = arith.constant 80 : i32
    %mul3A_45 = arith.muli %add3A, %mul3A_44 : i32
    %add3A_46 = arith.constant 40 : i32
    %add3A_47 = arith.addi %mul3A_45, %add3A_46 : i32
    "tpu.region"() ({
      %run_scoped3A = tpu.sem_alloc : memref<!tpu.dma_semaphore, #tpu.memory_space<semaphore_mem>>
      %dma_start3A_97 = arith.constant 0 : i32
      %dma_start3A_98 = tpu.memref_slice %arg4[%add3A_47, %dma_start3A_97] : memref<2560x128xi32, #tpu.memory_space<hbm>> -> memref<40x128xi32, #tpu.memory_space<hbm>>
      %dma_start3A_99 = arith.constant 0 : i32
      %dma_start3A_100 = tpu.memref_slice %arg4[%add3A_47, %dma_start3A_99] : memref<2560x128xi32, #tpu.memory_space<hbm>> -> memref<40x128xi32, #tpu.memory_space<hbm>>
      tpu.enqueue_dma source(%dma_start3A_100 : memref<40x128xi32, #tpu.memory_space<hbm>>) target(%arg8 : memref<40x128xi32, #tpu.memory_space<vmem>>) target_semaphore(%run_scoped3A : memref<!tpu.dma_semaphore, #tpu.memory_space<semaphore_mem>>)
      %dma_wait3A = arith.constant 0 : i32
      %dma_wait3A_101 = tpu.memref_slice %arg4[%add3A_47, %dma_wait3A] : memref<2560x128xi32, #tpu.memory_space<hbm>> -> memref<40x128xi32, #tpu.memory_space<hbm>>
      %dma_wait3A_102 = arith.constant 0 : i32
      %dma_wait3A_103 = tpu.memref_slice %arg4[%add3A_47, %dma_wait3A_102] : memref<2560x128xi32, #tpu.memory_space<hbm>> -> memref<40x128xi32, #tpu.memory_space<hbm>>
      tpu.wait_dma2 semaphore(%run_scoped3A : memref<!tpu.dma_semaphore, #tpu.memory_space<semaphore_mem>>) src(%dma_wait3A_103 : memref<40x128xi32, #tpu.memory_space<hbm>>) dst(%arg8 : memref<40x128xi32, #tpu.memory_space<vmem>>)
      tpu.yield
    }) : () -> ()
    %dma_start3A_48 = arith.constant 0 : i32
    %dma_start3A_49 = arith.constant 0 : i32
    %dma_start3A_50 = tpu.memref_slice %arg7[%dma_start3A_48, %dma_start3A_49] : memref<40x128xi32, #tpu.memory_space<vmem>> -> memref<1x128xi32, #tpu.memory_space<vmem>>
    %dma_start3A_51 = tpu.memref_squeeze %dma_start3A_50 : memref<1x128xi32, #tpu.memory_space<vmem>> -> memref<128xi32, #tpu.memory_space<vmem>>
    %dma_start3A_52 = arith.constant 0 : i32
    %dma_start3A_53 = arith.constant 0 : i32
    %dma_start3A_54 = tpu.memref_slice %arg2[%dma_start3A_52, %dma_start3A_53] : memref<10000x128xf32, #tpu.memory_space<hbm>> -> memref<10000x128xf32, #tpu.memory_space<hbm>>
    tpu.enqueue_indirect_dma source(%dma_start3A_54 : memref<10000x128xf32, #tpu.memory_space<hbm>>) target(%arg9 : memref<128x128xf32, #tpu.memory_space<vmem>>) offsets(%dma_start3A_51 : memref<128xi32, #tpu.memory_space<vmem>>) semaphore(%arg12 : memref<!tpu.dma_semaphore, #tpu.memory_space<semaphore_mem>>)
    %scan3A_55 = arith.constant 0 : i32
    %scan3A_56 = arith.constant 0 : i32
    %scan3A_57 = arith.constant 20 : i32
    %scan3A_58 = arith.addi %scan3A_56, %scan3A_57 : i32
    %scan3A_59 = arith.constant 1 : i32
    scf.for %scan3A_97 = %scan3A_56 to %scan3A_58 step %scan3A_59  : i32 {
      %mul3A_98 = arith.constant 2 : i32
      %mul3A_99 = arith.muli %scan3A_97, %mul3A_98 : i32
      %add3A_100 = arith.constant 1 : i32
      %add3A_101 = arith.addi %mul3A_99, %add3A_100 : i32
      %dma_start3A_102 = arith.constant 0 : i32
      %dma_start3A_103 = tpu.memref_slice %arg7[%add3A_101, %dma_start3A_102] : memref<40x128xi32, #tpu.memory_space<vmem>> -> memref<1x128xi32, #tpu.memory_space<vmem>>
      %dma_start3A_104 = tpu.memref_squeeze %dma_start3A_103 : memref<1x128xi32, #tpu.memory_space<vmem>> -> memref<128xi32, #tpu.memory_space<vmem>>
      %dma_start3A_105 = arith.constant 0 : i32
      %dma_start3A_106 = arith.constant 0 : i32
      %dma_start3A_107 = tpu.memref_slice %arg2[%dma_start3A_105, %dma_start3A_106] : memref<10000x128xf32, #tpu.memory_space<hbm>> -> memref<10000x128xf32, #tpu.memory_space<hbm>>
      tpu.enqueue_indirect_dma source(%dma_start3A_107 : memref<10000x128xf32, #tpu.memory_space<hbm>>) target(%arg10 : memref<128x128xf32, #tpu.memory_space<vmem>>) offsets(%dma_start3A_104 : memref<128xi32, #tpu.memory_space<vmem>>) semaphore(%arg13 : memref<!tpu.dma_semaphore, #tpu.memory_space<semaphore_mem>>)
      %dma_wait3A = arith.constant 0 : i32
      %dma_wait3A_108 = arith.constant 0 : i32
      %dma_wait3A_109 = tpu.memref_slice %arg7[%dma_wait3A, %dma_wait3A_108] : memref<40x128xi32, #tpu.memory_space<vmem>> -> memref<1x128xi32, #tpu.memory_space<vmem>>
      %dma_wait3A_110 = tpu.memref_squeeze %dma_wait3A_109 : memref<1x128xi32, #tpu.memory_space<vmem>> -> memref<128xi32, #tpu.memory_space<vmem>>
      %dma_wait3A_111 = arith.constant 0 : i32
      %dma_wait3A_112 = arith.constant 0 : i32
      %dma_wait3A_113 = tpu.memref_slice %arg2[%dma_wait3A_111, %dma_wait3A_112] : memref<10000x128xf32, #tpu.memory_space<hbm>> -> memref<10000x128xf32, #tpu.memory_space<hbm>>
      tpu.wait_indirect_dma semaphore(%arg12 : memref<!tpu.dma_semaphore, #tpu.memory_space<semaphore_mem>>) src(%dma_wait3A_113 : memref<10000x128xf32, #tpu.memory_space<hbm>>) dst(%arg9 : memref<128x128xf32, #tpu.memory_space<vmem>>)
      "tpu.region"() ({
        %run_scoped3A = tpu.sem_alloc : memref<!tpu.dma_semaphore, #tpu.memory_space<semaphore_mem>>
        %dma_start3A_125 = arith.constant 0 : i32
        %dma_start3A_126 = tpu.memref_slice %arg8[%mul3A_99, %dma_start3A_125] : memref<40x128xi32, #tpu.memory_space<vmem>> -> memref<1x128xi32, #tpu.memory_space<vmem>>
        %dma_start3A_127 = tpu.memref_squeeze %dma_start3A_126 : memref<1x128xi32, #tpu.memory_space<vmem>> -> memref<128xi32, #tpu.memory_space<vmem>>
        %dma_start3A_128 = arith.constant 0 : i32
        %dma_start3A_129 = arith.constant 0 : i32
        %dma_start3A_130 = tpu.memref_slice %arg11[%dma_start3A_128, %dma_start3A_129] : memref<10240x128xf32, #tpu.memory_space<vmem_shared>> -> memref<10240x128xf32, #tpu.memory_space<vmem_shared>>
        tpu.enqueue_indirect_dma source(%arg9 : memref<128x128xf32, #tpu.memory_space<vmem>>) target(%dma_start3A_130 : memref<10240x128xf32, #tpu.memory_space<vmem_shared>>) offsets(%dma_start3A_127 : memref<128xi32, #tpu.memory_space<vmem>>) semaphore(%run_scoped3A : memref<!tpu.dma_semaphore, #tpu.memory_space<semaphore_mem>>) {add = true}
        %dma_wait3A_131 = arith.constant 0 : i32
        %dma_wait3A_132 = tpu.memref_slice %arg8[%mul3A_99, %dma_wait3A_131] : memref<40x128xi32, #tpu.memory_space<vmem>> -> memref<1x128xi32, #tpu.memory_space<vmem>>
        %dma_wait3A_133 = tpu.memref_squeeze %dma_wait3A_132 : memref<1x128xi32, #tpu.memory_space<vmem>> -> memref<128xi32, #tpu.memory_space<vmem>>
        %dma_wait3A_134 = arith.constant 0 : i32
        %dma_wait3A_135 = arith.constant 0 : i32
        %dma_wait3A_136 = tpu.memref_slice %arg11[%dma_wait3A_134, %dma_wait3A_135] : memref<10240x128xf32, #tpu.memory_space<vmem_shared>> -> memref<10240x128xf32, #tpu.memory_space<vmem_shared>>
        tpu.wait_indirect_dma semaphore(%run_scoped3A : memref<!tpu.dma_semaphore, #tpu.memory_space<semaphore_mem>>) src(%arg9 : memref<128x128xf32, #tpu.memory_space<vmem>>) dst(%dma_wait3A_136 : memref<10240x128xf32, #tpu.memory_space<vmem_shared>>)
        tpu.yield
      }) : () -> ()
      %lt3A = arith.constant 19 : i32
      %lt3A_114 = arith.cmpi slt, %scan3A_97, %lt3A : i32
      %convert_element_type3A = arith.extui %lt3A_114 : i1 to i32
      %cond3A = arith.constant 0 : i32
      %cond3A_115 = arith.cmpi ne, %convert_element_type3A, %cond3A : i32
      scf.if %cond3A_115 {
        %add3A_125 = arith.constant 2 : i32
        %add3A_126 = arith.addi %mul3A_99, %add3A_125 : i32
        %dma_start3A_127 = arith.constant 0 : i32
        %dma_start3A_128 = tpu.memref_slice %arg7[%add3A_126, %dma_start3A_127] : memref<40x128xi32, #tpu.memory_space<vmem>> -> memref<1x128xi32, #tpu.memory_space<vmem>>
        %dma_start3A_129 = tpu.memref_squeeze %dma_start3A_128 : memref<1x128xi32, #tpu.memory_space<vmem>> -> memref<128xi32, #tpu.memory_space<vmem>>
        %dma_start3A_130 = arith.constant 0 : i32
        %dma_start3A_131 = arith.constant 0 : i32
        %dma_start3A_132 = tpu.memref_slice %arg2[%dma_start3A_130, %dma_start3A_131] : memref<10000x128xf32, #tpu.memory_space<hbm>> -> memref<10000x128xf32, #tpu.memory_space<hbm>>
        tpu.enqueue_indirect_dma source(%dma_start3A_132 : memref<10000x128xf32, #tpu.memory_space<hbm>>) target(%arg9 : memref<128x128xf32, #tpu.memory_space<vmem>>) offsets(%dma_start3A_129 : memref<128xi32, #tpu.memory_space<vmem>>) semaphore(%arg12 : memref<!tpu.dma_semaphore, #tpu.memory_space<semaphore_mem>>)
      } else {
      }
      %dma_wait3A_116 = arith.constant 0 : i32
      %dma_wait3A_117 = arith.constant 0 : i32
      %dma_wait3A_118 = tpu.memref_slice %arg7[%dma_wait3A_116, %dma_wait3A_117] : memref<40x128xi32, #tpu.memory_space<vmem>> -> memref<1x128xi32, #tpu.memory_space<vmem>>
      %dma_wait3A_119 = tpu.memref_squeeze %dma_wait3A_118 : memref<1x128xi32, #tpu.memory_space<vmem>> -> memref<128xi32, #tpu.memory_space<vmem>>
      %dma_wait3A_120 = arith.constant 0 : i32
      %dma_wait3A_121 = arith.constant 0 : i32
      %dma_wait3A_122 = tpu.memref_slice %arg2[%dma_wait3A_120, %dma_wait3A_121] : memref<10000x128xf32, #tpu.memory_space<hbm>> -> memref<10000x128xf32, #tpu.memory_space<hbm>>
      tpu.wait_indirect_dma semaphore(%arg13 : memref<!tpu.dma_semaphore, #tpu.memory_space<semaphore_mem>>) src(%dma_wait3A_122 : memref<10000x128xf32, #tpu.memory_space<hbm>>) dst(%arg10 : memref<128x128xf32, #tpu.memory_space<vmem>>)
      %add3A_123 = arith.constant 1 : i32
      %add3A_124 = arith.addi %mul3A_99, %add3A_123 : i32
      "tpu.region"() ({
        %run_scoped3A = tpu.sem_alloc : memref<!tpu.dma_semaphore, #tpu.memory_space<semaphore_mem>>
        %dma_start3A_125 = arith.constant 0 : i32
        %dma_start3A_126 = tpu.memref_slice %arg8[%add3A_124, %dma_start3A_125] : memref<40x128xi32, #tpu.memory_space<vmem>> -> memref<1x128xi32, #tpu.memory_space<vmem>>
        %dma_start3A_127 = tpu.memref_squeeze %dma_start3A_126 : memref<1x128xi32, #tpu.memory_space<vmem>> -> memref<128xi32, #tpu.memory_space<vmem>>
        %dma_start3A_128 = arith.constant 0 : i32
        %dma_start3A_129 = arith.constant 0 : i32
        %dma_start3A_130 = tpu.memref_slice %arg11[%dma_start3A_128, %dma_start3A_129] : memref<10240x128xf32, #tpu.memory_space<vmem_shared>> -> memref<10240x128xf32, #tpu.memory_space<vmem_shared>>
        tpu.enqueue_indirect_dma source(%arg10 : memref<128x128xf32, #tpu.memory_space<vmem>>) target(%dma_start3A_130 : memref<10240x128xf32, #tpu.memory_space<vmem_shared>>) offsets(%dma_start3A_127 : memref<128xi32, #tpu.memory_space<vmem>>) semaphore(%run_scoped3A : memref<!tpu.dma_semaphore, #tpu.memory_space<semaphore_mem>>) {add = true}
        %dma_wait3A_131 = arith.constant 0 : i32
        %dma_wait3A_132 = tpu.memref_slice %arg8[%add3A_124, %dma_wait3A_131] : memref<40x128xi32, #tpu.memory_space<vmem>> -> memref<1x128xi32, #tpu.memory_space<vmem>>
        %dma_wait3A_133 = tpu.memref_squeeze %dma_wait3A_132 : memref<1x128xi32, #tpu.memory_space<vmem>> -> memref<128xi32, #tpu.memory_space<vmem>>
        %dma_wait3A_134 = arith.constant 0 : i32
        %dma_wait3A_135 = arith.constant 0 : i32
        %dma_wait3A_136 = tpu.memref_slice %arg11[%dma_wait3A_134, %dma_wait3A_135] : memref<10240x128xf32, #tpu.memory_space<vmem_shared>> -> memref<10240x128xf32, #tpu.memory_space<vmem_shared>>
        tpu.wait_indirect_dma semaphore(%run_scoped3A : memref<!tpu.dma_semaphore, #tpu.memory_space<semaphore_mem>>) src(%arg10 : memref<128x128xf32, #tpu.memory_space<vmem>>) dst(%dma_wait3A_136 : memref<10240x128xf32, #tpu.memory_space<vmem_shared>>)
        tpu.yield
      }) : () -> ()
    }
    %scan3A_60 = arith.constant 20 : i32
    %barrier3A_61 = arith.constant 0 : index
    tpu.barrier barrier_id(%barrier3A_61)
    %mul3A_62 = arith.constant 640 : i32
    %mul3A_63 = arith.muli %arg1, %mul3A_62 : i32
    %add3A_64 = arith.constant 0 : i32
    %add3A_65 = arith.addi %mul3A_63, %add3A_64 : i32
    "tpu.region"() ({
      %run_scoped3A = tpu.sem_alloc : memref<!tpu.dma_semaphore, #tpu.memory_space<semaphore_mem>>
      %dma_start3A_97 = arith.constant 0 : i32
      %dma_start3A_98 = tpu.memref_slice %arg11[%add3A_65, %dma_start3A_97] : memref<10240x128xf32, #tpu.memory_space<vmem_shared>> -> memref<128x128xf32, #tpu.memory_space<vmem_shared>>
      %dma_start3A_99 = arith.constant 0 : i32
      %dma_start3A_100 = tpu.memref_slice %arg11[%add3A_65, %dma_start3A_99] : memref<10240x128xf32, #tpu.memory_space<vmem_shared>> -> memref<128x128xf32, #tpu.memory_space<vmem_shared>>
      tpu.enqueue_dma source(%dma_start3A_100 : memref<128x128xf32, #tpu.memory_space<vmem_shared>>) target(%arg9 : memref<128x128xf32, #tpu.memory_space<vmem>>) target_semaphore(%run_scoped3A : memref<!tpu.dma_semaphore, #tpu.memory_space<semaphore_mem>>)
      %dma_wait3A = arith.constant 0 : i32
      %dma_wait3A_101 = tpu.memref_slice %arg11[%add3A_65, %dma_wait3A] : memref<10240x128xf32, #tpu.memory_space<vmem_shared>> -> memref<128x128xf32, #tpu.memory_space<vmem_shared>>
      %dma_wait3A_102 = arith.constant 0 : i32
      %dma_wait3A_103 = tpu.memref_slice %arg11[%add3A_65, %dma_wait3A_102] : memref<10240x128xf32, #tpu.memory_space<vmem_shared>> -> memref<128x128xf32, #tpu.memory_space<vmem_shared>>
      tpu.wait_dma2 semaphore(%run_scoped3A : memref<!tpu.dma_semaphore, #tpu.memory_space<semaphore_mem>>) src(%dma_wait3A_103 : memref<128x128xf32, #tpu.memory_space<vmem_shared>>) dst(%arg9 : memref<128x128xf32, #tpu.memory_space<vmem>>)
      tpu.yield
    }) : () -> ()
    %mul3A_66 = arith.constant 10240 : i32
    %mul3A_67 = arith.muli %arg0, %mul3A_66 : i32
    %add3A_68 = arith.addi %mul3A_67, %add3A_65 : i32
    "tpu.region"() ({
      %run_scoped3A = tpu.sem_alloc : memref<!tpu.dma_semaphore, #tpu.memory_space<semaphore_mem>>
      %dma_start3A_97 = arith.constant 0 : i32
      %dma_start3A_98 = tpu.memref_slice %arg6[%add3A_68, %dma_start3A_97] : memref<20480x128xf32, #tpu.memory_space<hbm>> -> memref<128x128xf32, #tpu.memory_space<hbm>>
      %dma_start3A_99 = arith.constant 0 : i32
      %dma_start3A_100 = tpu.memref_slice %arg6[%add3A_68, %dma_start3A_99] : memref<20480x128xf32, #tpu.memory_space<hbm>> -> memref<128x128xf32, #tpu.memory_space<hbm>>
      tpu.enqueue_dma source(%arg9 : memref<128x128xf32, #tpu.memory_space<vmem>>) target(%dma_start3A_100 : memref<128x128xf32, #tpu.memory_space<hbm>>) target_semaphore(%run_scoped3A : memref<!tpu.dma_semaphore, #tpu.memory_space<semaphore_mem>>)
      %dma_wait3A = arith.constant 0 : i32
      %dma_wait3A_101 = tpu.memref_slice %arg6[%add3A_68, %dma_wait3A] : memref<20480x128xf32, #tpu.memory_space<hbm>> -> memref<128x128xf32, #tpu.memory_space<hbm>>
      %dma_wait3A_102 = arith.constant 0 : i32
      %dma_wait3A_103 = tpu.memref_slice %arg6[%add3A_68, %dma_wait3A_102] : memref<20480x128xf32, #tpu.memory_space<hbm>> -> memref<128x128xf32, #tpu.memory_space<hbm>>
      tpu.wait_dma2 semaphore(%run_scoped3A : memref<!tpu.dma_semaphore, #tpu.memory_space<semaphore_mem>>) src(%arg9 : memref<128x128xf32, #tpu.memory_space<vmem>>) dst(%dma_wait3A_103 : memref<128x128xf32, #tpu.memory_space<hbm>>)
      tpu.yield
    }) : () -> ()
    %mul3A_69 = arith.constant 640 : i32
    %mul3A_70 = arith.muli %arg1, %mul3A_69 : i32
    %add3A_71 = arith.constant 128 : i32
    %add3A_72 = arith.addi %mul3A_70, %add3A_71 : i32
    "tpu.region"() ({
      %run_scoped3A = tpu.sem_alloc : memref<!tpu.dma_semaphore, #tpu.memory_space<semaphore_mem>>
      %dma_start3A_97 = arith.constant 0 : i32
      %dma_start3A_98 = tpu.memref_slice %arg11[%add3A_72, %dma_start3A_97] : memref<10240x128xf32, #tpu.memory_space<vmem_shared>> -> memref<128x128xf32, #tpu.memory_space<vmem_shared>>
      %dma_start3A_99 = arith.constant 0 : i32
      %dma_start3A_100 = tpu.memref_slice %arg11[%add3A_72, %dma_start3A_99] : memref<10240x128xf32, #tpu.memory_space<vmem_shared>> -> memref<128x128xf32, #tpu.memory_space<vmem_shared>>
      tpu.enqueue_dma source(%dma_start3A_100 : memref<128x128xf32, #tpu.memory_space<vmem_shared>>) target(%arg9 : memref<128x128xf32, #tpu.memory_space<vmem>>) target_semaphore(%run_scoped3A : memref<!tpu.dma_semaphore, #tpu.memory_space<semaphore_mem>>)
      %dma_wait3A = arith.constant 0 : i32
      %dma_wait3A_101 = tpu.memref_slice %arg11[%add3A_72, %dma_wait3A] : memref<10240x128xf32, #tpu.memory_space<vmem_shared>> -> memref<128x128xf32, #tpu.memory_space<vmem_shared>>
      %dma_wait3A_102 = arith.constant 0 : i32
      %dma_wait3A_103 = tpu.memref_slice %arg11[%add3A_72, %dma_wait3A_102] : memref<10240x128xf32, #tpu.memory_space<vmem_shared>> -> memref<128x128xf32, #tpu.memory_space<vmem_shared>>
      tpu.wait_dma2 semaphore(%run_scoped3A : memref<!tpu.dma_semaphore, #tpu.memory_space<semaphore_mem>>) src(%dma_wait3A_103 : memref<128x128xf32, #tpu.memory_space<vmem_shared>>) dst(%arg9 : memref<128x128xf32, #tpu.memory_space<vmem>>)
      tpu.yield
    }) : () -> ()
    %mul3A_73 = arith.constant 10240 : i32
    %mul3A_74 = arith.muli %arg0, %mul3A_73 : i32
    %add3A_75 = arith.addi %mul3A_74, %add3A_72 : i32
    "tpu.region"() ({
      %run_scoped3A = tpu.sem_alloc : memref<!tpu.dma_semaphore, #tpu.memory_space<semaphore_mem>>
      %dma_start3A_97 = arith.constant 0 : i32
      %dma_start3A_98 = tpu.memref_slice %arg6[%add3A_75, %dma_start3A_97] : memref<20480x128xf32, #tpu.memory_space<hbm>> -> memref<128x128xf32, #tpu.memory_space<hbm>>
      %dma_start3A_99 = arith.constant 0 : i32
      %dma_start3A_100 = tpu.memref_slice %arg6[%add3A_75, %dma_start3A_99] : memref<20480x128xf32, #tpu.memory_space<hbm>> -> memref<128x128xf32, #tpu.memory_space<hbm>>
      tpu.enqueue_dma source(%arg9 : memref<128x128xf32, #tpu.memory_space<vmem>>) target(%dma_start3A_100 : memref<128x128xf32, #tpu.memory_space<hbm>>) target_semaphore(%run_scoped3A : memref<!tpu.dma_semaphore, #tpu.memory_space<semaphore_mem>>)
      %dma_wait3A = arith.constant 0 : i32
      %dma_wait3A_101 = tpu.memref_slice %arg6[%add3A_75, %dma_wait3A] : memref<20480x128xf32, #tpu.memory_space<hbm>> -> memref<128x128xf32, #tpu.memory_space<hbm>>
      %dma_wait3A_102 = arith.constant 0 : i32
      %dma_wait3A_103 = tpu.memref_slice %arg6[%add3A_75, %dma_wait3A_102] : memref<20480x128xf32, #tpu.memory_space<hbm>> -> memref<128x128xf32, #tpu.memory_space<hbm>>
      tpu.wait_dma2 semaphore(%run_scoped3A : memref<!tpu.dma_semaphore, #tpu.memory_space<semaphore_mem>>) src(%arg9 : memref<128x128xf32, #tpu.memory_space<vmem>>) dst(%dma_wait3A_103 : memref<128x128xf32, #tpu.memory_space<hbm>>)
      tpu.yield
    }) : () -> ()
    %mul3A_76 = arith.constant 640 : i32
    %mul3A_77 = arith.muli %arg1, %mul3A_76 : i32
    %add3A_78 = arith.constant 256 : i32
    %add3A_79 = arith.addi %mul3A_77, %add3A_78 : i32
    "tpu.region"() ({
      %run_scoped3A = tpu.sem_alloc : memref<!tpu.dma_semaphore, #tpu.memory_space<semaphore_mem>>
      %dma_start3A_97 = arith.constant 0 : i32
      %dma_start3A_98 = tpu.memref_slice %arg11[%add3A_79, %dma_start3A_97] : memref<10240x128xf32, #tpu.memory_space<vmem_shared>> -> memref<128x128xf32, #tpu.memory_space<vmem_shared>>
      %dma_start3A_99 = arith.constant 0 : i32
      %dma_start3A_100 = tpu.memref_slice %arg11[%add3A_79, %dma_start3A_99] : memref<10240x128xf32, #tpu.memory_space<vmem_shared>> -> memref<128x128xf32, #tpu.memory_space<vmem_shared>>
      tpu.enqueue_dma source(%dma_start3A_100 : memref<128x128xf32, #tpu.memory_space<vmem_shared>>) target(%arg9 : memref<128x128xf32, #tpu.memory_space<vmem>>) target_semaphore(%run_scoped3A : memref<!tpu.dma_semaphore, #tpu.memory_space<semaphore_mem>>)
      %dma_wait3A = arith.constant 0 : i32
      %dma_wait3A_101 = tpu.memref_slice %arg11[%add3A_79, %dma_wait3A] : memref<10240x128xf32, #tpu.memory_space<vmem_shared>> -> memref<128x128xf32, #tpu.memory_space<vmem_shared>>
      %dma_wait3A_102 = arith.constant 0 : i32
      %dma_wait3A_103 = tpu.memref_slice %arg11[%add3A_79, %dma_wait3A_102] : memref<10240x128xf32, #tpu.memory_space<vmem_shared>> -> memref<128x128xf32, #tpu.memory_space<vmem_shared>>
      tpu.wait_dma2 semaphore(%run_scoped3A : memref<!tpu.dma_semaphore, #tpu.memory_space<semaphore_mem>>) src(%dma_wait3A_103 : memref<128x128xf32, #tpu.memory_space<vmem_shared>>) dst(%arg9 : memref<128x128xf32, #tpu.memory_space<vmem>>)
      tpu.yield
    }) : () -> ()
    %mul3A_80 = arith.constant 10240 : i32
    %mul3A_81 = arith.muli %arg0, %mul3A_80 : i32
    %add3A_82 = arith.addi %mul3A_81, %add3A_79 : i32
    "tpu.region"() ({
      %run_scoped3A = tpu.sem_alloc : memref<!tpu.dma_semaphore, #tpu.memory_space<semaphore_mem>>
      %dma_start3A_97 = arith.constant 0 : i32
      %dma_start3A_98 = tpu.memref_slice %arg6[%add3A_82, %dma_start3A_97] : memref<20480x128xf32, #tpu.memory_space<hbm>> -> memref<128x128xf32, #tpu.memory_space<hbm>>
      %dma_start3A_99 = arith.constant 0 : i32
      %dma_start3A_100 = tpu.memref_slice %arg6[%add3A_82, %dma_start3A_99] : memref<20480x128xf32, #tpu.memory_space<hbm>> -> memref<128x128xf32, #tpu.memory_space<hbm>>
      tpu.enqueue_dma source(%arg9 : memref<128x128xf32, #tpu.memory_space<vmem>>) target(%dma_start3A_100 : memref<128x128xf32, #tpu.memory_space<hbm>>) target_semaphore(%run_scoped3A : memref<!tpu.dma_semaphore, #tpu.memory_space<semaphore_mem>>)
      %dma_wait3A = arith.constant 0 : i32
      %dma_wait3A_101 = tpu.memref_slice %arg6[%add3A_82, %dma_wait3A] : memref<20480x128xf32, #tpu.memory_space<hbm>> -> memref<128x128xf32, #tpu.memory_space<hbm>>
      %dma_wait3A_102 = arith.constant 0 : i32
      %dma_wait3A_103 = tpu.memref_slice %arg6[%add3A_82, %dma_wait3A_102] : memref<20480x128xf32, #tpu.memory_space<hbm>> -> memref<128x128xf32, #tpu.memory_space<hbm>>
      tpu.wait_dma2 semaphore(%run_scoped3A : memref<!tpu.dma_semaphore, #tpu.memory_space<semaphore_mem>>) src(%arg9 : memref<128x128xf32, #tpu.memory_space<vmem>>) dst(%dma_wait3A_103 : memref<128x128xf32, #tpu.memory_space<hbm>>)
      tpu.yield
    }) : () -> ()
    %mul3A_83 = arith.constant 640 : i32
    %mul3A_84 = arith.muli %arg1, %mul3A_83 : i32
    %add3A_85 = arith.constant 384 : i32
    %add3A_86 = arith.addi %mul3A_84, %add3A_85 : i32
    "tpu.region"() ({
      %run_scoped3A = tpu.sem_alloc : memref<!tpu.dma_semaphore, #tpu.memory_space<semaphore_mem>>
      %dma_start3A_97 = arith.constant 0 : i32
      %dma_start3A_98 = tpu.memref_slice %arg11[%add3A_86, %dma_start3A_97] : memref<10240x128xf32, #tpu.memory_space<vmem_shared>> -> memref<128x128xf32, #tpu.memory_space<vmem_shared>>
      %dma_start3A_99 = arith.constant 0 : i32
      %dma_start3A_100 = tpu.memref_slice %arg11[%add3A_86, %dma_start3A_99] : memref<10240x128xf32, #tpu.memory_space<vmem_shared>> -> memref<128x128xf32, #tpu.memory_space<vmem_shared>>
      tpu.enqueue_dma source(%dma_start3A_100 : memref<128x128xf32, #tpu.memory_space<vmem_shared>>) target(%arg9 : memref<128x128xf32, #tpu.memory_space<vmem>>) target_semaphore(%run_scoped3A : memref<!tpu.dma_semaphore, #tpu.memory_space<semaphore_mem>>)
      %dma_wait3A = arith.constant 0 : i32
      %dma_wait3A_101 = tpu.memref_slice %arg11[%add3A_86, %dma_wait3A] : memref<10240x128xf32, #tpu.memory_space<vmem_shared>> -> memref<128x128xf32, #tpu.memory_space<vmem_shared>>
      %dma_wait3A_102 = arith.constant 0 : i32
      %dma_wait3A_103 = tpu.memref_slice %arg11[%add3A_86, %dma_wait3A_102] : memref<10240x128xf32, #tpu.memory_space<vmem_shared>> -> memref<128x128xf32, #tpu.memory_space<vmem_shared>>
      tpu.wait_dma2 semaphore(%run_scoped3A : memref<!tpu.dma_semaphore, #tpu.memory_space<semaphore_mem>>) src(%dma_wait3A_103 : memref<128x128xf32, #tpu.memory_space<vmem_shared>>) dst(%arg9 : memref<128x128xf32, #tpu.memory_space<vmem>>)
      tpu.yield
    }) : () -> ()
    %mul3A_87 = arith.constant 10240 : i32
    %mul3A_88 = arith.muli %arg0, %mul3A_87 : i32
    %add3A_89 = arith.addi %mul3A_88, %add3A_86 : i32
    "tpu.region"() ({
      %run_scoped3A = tpu.sem_alloc : memref<!tpu.dma_semaphore, #tpu.memory_space<semaphore_mem>>
      %dma_start3A_97 = arith.constant 0 : i32
      %dma_start3A_98 = tpu.memref_slice %arg6[%add3A_89, %dma_start3A_97] : memref<20480x128xf32, #tpu.memory_space<hbm>> -> memref<128x128xf32, #tpu.memory_space<hbm>>
      %dma_start3A_99 = arith.constant 0 : i32
      %dma_start3A_100 = tpu.memref_slice %arg6[%add3A_89, %dma_start3A_99] : memref<20480x128xf32, #tpu.memory_space<hbm>> -> memref<128x128xf32, #tpu.memory_space<hbm>>
      tpu.enqueue_dma source(%arg9 : memref<128x128xf32, #tpu.memory_space<vmem>>) target(%dma_start3A_100 : memref<128x128xf32, #tpu.memory_space<hbm>>) target_semaphore(%run_scoped3A : memref<!tpu.dma_semaphore, #tpu.memory_space<semaphore_mem>>)
      %dma_wait3A = arith.constant 0 : i32
      %dma_wait3A_101 = tpu.memref_slice %arg6[%add3A_89, %dma_wait3A] : memref<20480x128xf32, #tpu.memory_space<hbm>> -> memref<128x128xf32, #tpu.memory_space<hbm>>
      %dma_wait3A_102 = arith.constant 0 : i32
      %dma_wait3A_103 = tpu.memref_slice %arg6[%add3A_89, %dma_wait3A_102] : memref<20480x128xf32, #tpu.memory_space<hbm>> -> memref<128x128xf32, #tpu.memory_space<hbm>>
      tpu.wait_dma2 semaphore(%run_scoped3A : memref<!tpu.dma_semaphore, #tpu.memory_space<semaphore_mem>>) src(%arg9 : memref<128x128xf32, #tpu.memory_space<vmem>>) dst(%dma_wait3A_103 : memref<128x128xf32, #tpu.memory_space<hbm>>)
      tpu.yield
    }) : () -> ()
    %mul3A_90 = arith.constant 640 : i32
    %mul3A_91 = arith.muli %arg1, %mul3A_90 : i32
    %add3A_92 = arith.constant 512 : i32
    %add3A_93 = arith.addi %mul3A_91, %add3A_92 : i32
    "tpu.region"() ({
      %run_scoped3A = tpu.sem_alloc : memref<!tpu.dma_semaphore, #tpu.memory_space<semaphore_mem>>
      %dma_start3A_97 = arith.constant 0 : i32
      %dma_start3A_98 = tpu.memref_slice %arg11[%add3A_93, %dma_start3A_97] : memref<10240x128xf32, #tpu.memory_space<vmem_shared>> -> memref<128x128xf32, #tpu.memory_space<vmem_shared>>
      %dma_start3A_99 = arith.constant 0 : i32
      %dma_start3A_100 = tpu.memref_slice %arg11[%add3A_93, %dma_start3A_99] : memref<10240x128xf32, #tpu.memory_space<vmem_shared>> -> memref<128x128xf32, #tpu.memory_space<vmem_shared>>
      tpu.enqueue_dma source(%dma_start3A_100 : memref<128x128xf32, #tpu.memory_space<vmem_shared>>) target(%arg9 : memref<128x128xf32, #tpu.memory_space<vmem>>) target_semaphore(%run_scoped3A : memref<!tpu.dma_semaphore, #tpu.memory_space<semaphore_mem>>)
      %dma_wait3A = arith.constant 0 : i32
      %dma_wait3A_101 = tpu.memref_slice %arg11[%add3A_93, %dma_wait3A] : memref<10240x128xf32, #tpu.memory_space<vmem_shared>> -> memref<128x128xf32, #tpu.memory_space<vmem_shared>>
      %dma_wait3A_102 = arith.constant 0 : i32
      %dma_wait3A_103 = tpu.memref_slice %arg11[%add3A_93, %dma_wait3A_102] : memref<10240x128xf32, #tpu.memory_space<vmem_shared>> -> memref<128x128xf32, #tpu.memory_space<vmem_shared>>
      tpu.wait_dma2 semaphore(%run_scoped3A : memref<!tpu.dma_semaphore, #tpu.memory_space<semaphore_mem>>) src(%dma_wait3A_103 : memref<128x128xf32, #tpu.memory_space<vmem_shared>>) dst(%arg9 : memref<128x128xf32, #tpu.memory_space<vmem>>)
      tpu.yield
    }) : () -> ()
    %mul3A_94 = arith.constant 10240 : i32
    %mul3A_95 = arith.muli %arg0, %mul3A_94 : i32
    %add3A_96 = arith.addi %mul3A_95, %add3A_93 : i32
    "tpu.region"() ({
      %run_scoped3A = tpu.sem_alloc : memref<!tpu.dma_semaphore, #tpu.memory_space<semaphore_mem>>
      %dma_start3A_97 = arith.constant 0 : i32
      %dma_start3A_98 = tpu.memref_slice %arg6[%add3A_96, %dma_start3A_97] : memref<20480x128xf32, #tpu.memory_space<hbm>> -> memref<128x128xf32, #tpu.memory_space<hbm>>
      %dma_start3A_99 = arith.constant 0 : i32
      %dma_start3A_100 = tpu.memref_slice %arg6[%add3A_96, %dma_start3A_99] : memref<20480x128xf32, #tpu.memory_space<hbm>> -> memref<128x128xf32, #tpu.memory_space<hbm>>
      tpu.enqueue_dma source(%arg9 : memref<128x128xf32, #tpu.memory_space<vmem>>) target(%dma_start3A_100 : memref<128x128xf32, #tpu.memory_space<hbm>>) target_semaphore(%run_scoped3A : memref<!tpu.dma_semaphore, #tpu.memory_space<semaphore_mem>>)
      %dma_wait3A = arith.constant 0 : i32
      %dma_wait3A_101 = tpu.memref_slice %arg6[%add3A_96, %dma_wait3A] : memref<20480x128xf32, #tpu.memory_space<hbm>> -> memref<128x128xf32, #tpu.memory_space<hbm>>
      %dma_wait3A_102 = arith.constant 0 : i32
      %dma_wait3A_103 = tpu.memref_slice %arg6[%add3A_96, %dma_wait3A_102] : memref<20480x128xf32, #tpu.memory_space<hbm>> -> memref<128x128xf32, #tpu.memory_space<hbm>>
      tpu.wait_dma2 semaphore(%run_scoped3A : memref<!tpu.dma_semaphore, #tpu.memory_space<semaphore_mem>>) src(%arg9 : memref<128x128xf32, #tpu.memory_space<vmem>>) dst(%dma_wait3A_103 : memref<128x128xf32, #tpu.memory_space<hbm>>)
      tpu.yield
    }) : () -> ()
    return
  }
}

#map = affine_map<(d0, d1) -> (0, 0)>
module attributes {stable_mosaic.version = 14 : i64} {
  func.func @_deg_body(%arg0: i32, %arg1: i32, %arg2: memref<2560x128xi32, #tpu.memory_space<hbm>>, %arg3: memref<128x128xf32, #tpu.memory_space<hbm>>, %arg4: memref<128x128xf32, #tpu.memory_space<hbm>>, %arg5: memref<20480x128xf32, #tpu.memory_space<hbm>>, %arg6: memref<80x128xi32, #tpu.memory_space<vmem>>, %arg7: memref<128x128xf32, #tpu.memory_space<vmem>>, %arg8: memref<128x128xf32, #tpu.memory_space<vmem>>, %arg9: memref<10240x128xf32, #tpu.memory_space<vmem_shared>>) attributes {dimension_semantics = [#tpu.dimension_semantics<core_parallel>, #tpu.dimension_semantics<subcore_parallel>], iteration_bounds = array<i64: 2, 16>, scalar_prefetch = 0 : i64, scratch_operands = 4 : i64, tpu.core_type = #tpu.core_type<sc_vector_subcore>, window_params = [{transform_indices = #map}, {transform_indices = #map}, {transform_indices = #map}, {transform_indices = #map}]} {
    %mul3A = arith.constant 16 : i32
    %mul3A_0 = arith.muli %arg0, %mul3A : i32
    %add3A = arith.addi %mul3A_0, %arg1 : i32
    "tpu.region"() ({
      %run_scoped3A = tpu.sem_alloc : memref<!tpu.dma_semaphore, #tpu.memory_space<semaphore_mem>>
      tpu.enqueue_dma source(%arg4 : memref<128x128xf32, #tpu.memory_space<hbm>>) target(%arg8 : memref<128x128xf32, #tpu.memory_space<vmem>>) target_semaphore(%run_scoped3A : memref<!tpu.dma_semaphore, #tpu.memory_space<semaphore_mem>>)
      tpu.wait_dma2 semaphore(%run_scoped3A : memref<!tpu.dma_semaphore, #tpu.memory_space<semaphore_mem>>) src(%arg4 : memref<128x128xf32, #tpu.memory_space<hbm>>) dst(%arg8 : memref<128x128xf32, #tpu.memory_space<vmem>>)
      tpu.yield
    }) : () -> ()
    %mul3A_1 = arith.constant 640 : i32
    %mul3A_2 = arith.muli %arg1, %mul3A_1 : i32
    %add3A_3 = arith.constant 0 : i32
    %add3A_4 = arith.addi %mul3A_2, %add3A_3 : i32
    "tpu.region"() ({
      %run_scoped3A = tpu.sem_alloc : memref<!tpu.dma_semaphore, #tpu.memory_space<semaphore_mem>>
      %dma_start3A = arith.constant 0 : i32
      %dma_start3A_64 = tpu.memref_slice %arg9[%add3A_4, %dma_start3A] : memref<10240x128xf32, #tpu.memory_space<vmem_shared>> -> memref<128x128xf32, #tpu.memory_space<vmem_shared>>
      %dma_start3A_65 = arith.constant 0 : i32
      %dma_start3A_66 = tpu.memref_slice %arg9[%add3A_4, %dma_start3A_65] : memref<10240x128xf32, #tpu.memory_space<vmem_shared>> -> memref<128x128xf32, #tpu.memory_space<vmem_shared>>
      tpu.enqueue_dma source(%arg8 : memref<128x128xf32, #tpu.memory_space<vmem>>) target(%dma_start3A_66 : memref<128x128xf32, #tpu.memory_space<vmem_shared>>) target_semaphore(%run_scoped3A : memref<!tpu.dma_semaphore, #tpu.memory_space<semaphore_mem>>)
      %dma_wait3A = arith.constant 0 : i32
      %dma_wait3A_67 = tpu.memref_slice %arg9[%add3A_4, %dma_wait3A] : memref<10240x128xf32, #tpu.memory_space<vmem_shared>> -> memref<128x128xf32, #tpu.memory_space<vmem_shared>>
      %dma_wait3A_68 = arith.constant 0 : i32
      %dma_wait3A_69 = tpu.memref_slice %arg9[%add3A_4, %dma_wait3A_68] : memref<10240x128xf32, #tpu.memory_space<vmem_shared>> -> memref<128x128xf32, #tpu.memory_space<vmem_shared>>
      tpu.wait_dma2 semaphore(%run_scoped3A : memref<!tpu.dma_semaphore, #tpu.memory_space<semaphore_mem>>) src(%arg8 : memref<128x128xf32, #tpu.memory_space<vmem>>) dst(%dma_wait3A_69 : memref<128x128xf32, #tpu.memory_space<vmem_shared>>)
      tpu.yield
    }) : () -> ()
    %mul3A_5 = arith.constant 640 : i32
    %mul3A_6 = arith.muli %arg1, %mul3A_5 : i32
    %add3A_7 = arith.constant 128 : i32
    %add3A_8 = arith.addi %mul3A_6, %add3A_7 : i32
    "tpu.region"() ({
      %run_scoped3A = tpu.sem_alloc : memref<!tpu.dma_semaphore, #tpu.memory_space<semaphore_mem>>
      %dma_start3A = arith.constant 0 : i32
      %dma_start3A_64 = tpu.memref_slice %arg9[%add3A_8, %dma_start3A] : memref<10240x128xf32, #tpu.memory_space<vmem_shared>> -> memref<128x128xf32, #tpu.memory_space<vmem_shared>>
      %dma_start3A_65 = arith.constant 0 : i32
      %dma_start3A_66 = tpu.memref_slice %arg9[%add3A_8, %dma_start3A_65] : memref<10240x128xf32, #tpu.memory_space<vmem_shared>> -> memref<128x128xf32, #tpu.memory_space<vmem_shared>>
      tpu.enqueue_dma source(%arg8 : memref<128x128xf32, #tpu.memory_space<vmem>>) target(%dma_start3A_66 : memref<128x128xf32, #tpu.memory_space<vmem_shared>>) target_semaphore(%run_scoped3A : memref<!tpu.dma_semaphore, #tpu.memory_space<semaphore_mem>>)
      %dma_wait3A = arith.constant 0 : i32
      %dma_wait3A_67 = tpu.memref_slice %arg9[%add3A_8, %dma_wait3A] : memref<10240x128xf32, #tpu.memory_space<vmem_shared>> -> memref<128x128xf32, #tpu.memory_space<vmem_shared>>
      %dma_wait3A_68 = arith.constant 0 : i32
      %dma_wait3A_69 = tpu.memref_slice %arg9[%add3A_8, %dma_wait3A_68] : memref<10240x128xf32, #tpu.memory_space<vmem_shared>> -> memref<128x128xf32, #tpu.memory_space<vmem_shared>>
      tpu.wait_dma2 semaphore(%run_scoped3A : memref<!tpu.dma_semaphore, #tpu.memory_space<semaphore_mem>>) src(%arg8 : memref<128x128xf32, #tpu.memory_space<vmem>>) dst(%dma_wait3A_69 : memref<128x128xf32, #tpu.memory_space<vmem_shared>>)
      tpu.yield
    }) : () -> ()
    %mul3A_9 = arith.constant 640 : i32
    %mul3A_10 = arith.muli %arg1, %mul3A_9 : i32
    %add3A_11 = arith.constant 256 : i32
    %add3A_12 = arith.addi %mul3A_10, %add3A_11 : i32
    "tpu.region"() ({
      %run_scoped3A = tpu.sem_alloc : memref<!tpu.dma_semaphore, #tpu.memory_space<semaphore_mem>>
      %dma_start3A = arith.constant 0 : i32
      %dma_start3A_64 = tpu.memref_slice %arg9[%add3A_12, %dma_start3A] : memref<10240x128xf32, #tpu.memory_space<vmem_shared>> -> memref<128x128xf32, #tpu.memory_space<vmem_shared>>
      %dma_start3A_65 = arith.constant 0 : i32
      %dma_start3A_66 = tpu.memref_slice %arg9[%add3A_12, %dma_start3A_65] : memref<10240x128xf32, #tpu.memory_space<vmem_shared>> -> memref<128x128xf32, #tpu.memory_space<vmem_shared>>
      tpu.enqueue_dma source(%arg8 : memref<128x128xf32, #tpu.memory_space<vmem>>) target(%dma_start3A_66 : memref<128x128xf32, #tpu.memory_space<vmem_shared>>) target_semaphore(%run_scoped3A : memref<!tpu.dma_semaphore, #tpu.memory_space<semaphore_mem>>)
      %dma_wait3A = arith.constant 0 : i32
      %dma_wait3A_67 = tpu.memref_slice %arg9[%add3A_12, %dma_wait3A] : memref<10240x128xf32, #tpu.memory_space<vmem_shared>> -> memref<128x128xf32, #tpu.memory_space<vmem_shared>>
      %dma_wait3A_68 = arith.constant 0 : i32
      %dma_wait3A_69 = tpu.memref_slice %arg9[%add3A_12, %dma_wait3A_68] : memref<10240x128xf32, #tpu.memory_space<vmem_shared>> -> memref<128x128xf32, #tpu.memory_space<vmem_shared>>
      tpu.wait_dma2 semaphore(%run_scoped3A : memref<!tpu.dma_semaphore, #tpu.memory_space<semaphore_mem>>) src(%arg8 : memref<128x128xf32, #tpu.memory_space<vmem>>) dst(%dma_wait3A_69 : memref<128x128xf32, #tpu.memory_space<vmem_shared>>)
      tpu.yield
    }) : () -> ()
    %mul3A_13 = arith.constant 640 : i32
    %mul3A_14 = arith.muli %arg1, %mul3A_13 : i32
    %add3A_15 = arith.constant 384 : i32
    %add3A_16 = arith.addi %mul3A_14, %add3A_15 : i32
    "tpu.region"() ({
      %run_scoped3A = tpu.sem_alloc : memref<!tpu.dma_semaphore, #tpu.memory_space<semaphore_mem>>
      %dma_start3A = arith.constant 0 : i32
      %dma_start3A_64 = tpu.memref_slice %arg9[%add3A_16, %dma_start3A] : memref<10240x128xf32, #tpu.memory_space<vmem_shared>> -> memref<128x128xf32, #tpu.memory_space<vmem_shared>>
      %dma_start3A_65 = arith.constant 0 : i32
      %dma_start3A_66 = tpu.memref_slice %arg9[%add3A_16, %dma_start3A_65] : memref<10240x128xf32, #tpu.memory_space<vmem_shared>> -> memref<128x128xf32, #tpu.memory_space<vmem_shared>>
      tpu.enqueue_dma source(%arg8 : memref<128x128xf32, #tpu.memory_space<vmem>>) target(%dma_start3A_66 : memref<128x128xf32, #tpu.memory_space<vmem_shared>>) target_semaphore(%run_scoped3A : memref<!tpu.dma_semaphore, #tpu.memory_space<semaphore_mem>>)
      %dma_wait3A = arith.constant 0 : i32
      %dma_wait3A_67 = tpu.memref_slice %arg9[%add3A_16, %dma_wait3A] : memref<10240x128xf32, #tpu.memory_space<vmem_shared>> -> memref<128x128xf32, #tpu.memory_space<vmem_shared>>
      %dma_wait3A_68 = arith.constant 0 : i32
      %dma_wait3A_69 = tpu.memref_slice %arg9[%add3A_16, %dma_wait3A_68] : memref<10240x128xf32, #tpu.memory_space<vmem_shared>> -> memref<128x128xf32, #tpu.memory_space<vmem_shared>>
      tpu.wait_dma2 semaphore(%run_scoped3A : memref<!tpu.dma_semaphore, #tpu.memory_space<semaphore_mem>>) src(%arg8 : memref<128x128xf32, #tpu.memory_space<vmem>>) dst(%dma_wait3A_69 : memref<128x128xf32, #tpu.memory_space<vmem_shared>>)
      tpu.yield
    }) : () -> ()
    %mul3A_17 = arith.constant 640 : i32
    %mul3A_18 = arith.muli %arg1, %mul3A_17 : i32
    %add3A_19 = arith.constant 512 : i32
    %add3A_20 = arith.addi %mul3A_18, %add3A_19 : i32
    "tpu.region"() ({
      %run_scoped3A = tpu.sem_alloc : memref<!tpu.dma_semaphore, #tpu.memory_space<semaphore_mem>>
      %dma_start3A = arith.constant 0 : i32
      %dma_start3A_64 = tpu.memref_slice %arg9[%add3A_20, %dma_start3A] : memref<10240x128xf32, #tpu.memory_space<vmem_shared>> -> memref<128x128xf32, #tpu.memory_space<vmem_shared>>
      %dma_start3A_65 = arith.constant 0 : i32
      %dma_start3A_66 = tpu.memref_slice %arg9[%add3A_20, %dma_start3A_65] : memref<10240x128xf32, #tpu.memory_space<vmem_shared>> -> memref<128x128xf32, #tpu.memory_space<vmem_shared>>
      tpu.enqueue_dma source(%arg8 : memref<128x128xf32, #tpu.memory_space<vmem>>) target(%dma_start3A_66 : memref<128x128xf32, #tpu.memory_space<vmem_shared>>) target_semaphore(%run_scoped3A : memref<!tpu.dma_semaphore, #tpu.memory_space<semaphore_mem>>)
      %dma_wait3A = arith.constant 0 : i32
      %dma_wait3A_67 = tpu.memref_slice %arg9[%add3A_20, %dma_wait3A] : memref<10240x128xf32, #tpu.memory_space<vmem_shared>> -> memref<128x128xf32, #tpu.memory_space<vmem_shared>>
      %dma_wait3A_68 = arith.constant 0 : i32
      %dma_wait3A_69 = tpu.memref_slice %arg9[%add3A_20, %dma_wait3A_68] : memref<10240x128xf32, #tpu.memory_space<vmem_shared>> -> memref<128x128xf32, #tpu.memory_space<vmem_shared>>
      tpu.wait_dma2 semaphore(%run_scoped3A : memref<!tpu.dma_semaphore, #tpu.memory_space<semaphore_mem>>) src(%arg8 : memref<128x128xf32, #tpu.memory_space<vmem>>) dst(%dma_wait3A_69 : memref<128x128xf32, #tpu.memory_space<vmem_shared>>)
      tpu.yield
    }) : () -> ()
    "tpu.region"() ({
      %run_scoped3A = tpu.sem_alloc : memref<!tpu.dma_semaphore, #tpu.memory_space<semaphore_mem>>
      tpu.enqueue_dma source(%arg3 : memref<128x128xf32, #tpu.memory_space<hbm>>) target(%arg7 : memref<128x128xf32, #tpu.memory_space<vmem>>) target_semaphore(%run_scoped3A : memref<!tpu.dma_semaphore, #tpu.memory_space<semaphore_mem>>)
      tpu.wait_dma2 semaphore(%run_scoped3A : memref<!tpu.dma_semaphore, #tpu.memory_space<semaphore_mem>>) src(%arg3 : memref<128x128xf32, #tpu.memory_space<hbm>>) dst(%arg7 : memref<128x128xf32, #tpu.memory_space<vmem>>)
      tpu.yield
    }) : () -> ()
    %mul3A_21 = arith.constant 80 : i32
    %mul3A_22 = arith.muli %add3A, %mul3A_21 : i32
    "tpu.region"() ({
      %run_scoped3A = tpu.sem_alloc : memref<!tpu.dma_semaphore, #tpu.memory_space<semaphore_mem>>
      %dma_start3A = arith.constant 0 : i32
      %dma_start3A_64 = tpu.memref_slice %arg2[%mul3A_22, %dma_start3A] : memref<2560x128xi32, #tpu.memory_space<hbm>> -> memref<80x128xi32, #tpu.memory_space<hbm>>
      %dma_start3A_65 = arith.constant 0 : i32
      %dma_start3A_66 = tpu.memref_slice %arg2[%mul3A_22, %dma_start3A_65] : memref<2560x128xi32, #tpu.memory_space<hbm>> -> memref<80x128xi32, #tpu.memory_space<hbm>>
      tpu.enqueue_dma source(%dma_start3A_66 : memref<80x128xi32, #tpu.memory_space<hbm>>) target(%arg6 : memref<80x128xi32, #tpu.memory_space<vmem>>) target_semaphore(%run_scoped3A : memref<!tpu.dma_semaphore, #tpu.memory_space<semaphore_mem>>)
      %dma_wait3A = arith.constant 0 : i32
      %dma_wait3A_67 = tpu.memref_slice %arg2[%mul3A_22, %dma_wait3A] : memref<2560x128xi32, #tpu.memory_space<hbm>> -> memref<80x128xi32, #tpu.memory_space<hbm>>
      %dma_wait3A_68 = arith.constant 0 : i32
      %dma_wait3A_69 = tpu.memref_slice %arg2[%mul3A_22, %dma_wait3A_68] : memref<2560x128xi32, #tpu.memory_space<hbm>> -> memref<80x128xi32, #tpu.memory_space<hbm>>
      tpu.wait_dma2 semaphore(%run_scoped3A : memref<!tpu.dma_semaphore, #tpu.memory_space<semaphore_mem>>) src(%dma_wait3A_69 : memref<80x128xi32, #tpu.memory_space<hbm>>) dst(%arg6 : memref<80x128xi32, #tpu.memory_space<vmem>>)
      tpu.yield
    }) : () -> ()
    %barrier3A = arith.constant 0 : index
    tpu.barrier barrier_id(%barrier3A)
    %scan3A = arith.constant 0 : i32
    %scan3A_23 = arith.constant 0 : i32
    %scan3A_24 = arith.constant 80 : i32
    %scan3A_25 = arith.addi %scan3A_23, %scan3A_24 : i32
    %scan3A_26 = arith.constant 1 : i32
    scf.for %scan3A_64 = %scan3A_23 to %scan3A_25 step %scan3A_26  : i32 {
      "tpu.region"() ({
        %run_scoped3A = tpu.sem_alloc : memref<!tpu.dma_semaphore, #tpu.memory_space<semaphore_mem>>
        %dma_start3A = arith.constant 0 : i32
        %dma_start3A_65 = tpu.memref_slice %arg6[%scan3A_64, %dma_start3A] : memref<80x128xi32, #tpu.memory_space<vmem>> -> memref<1x128xi32, #tpu.memory_space<vmem>>
        %dma_start3A_66 = tpu.memref_squeeze %dma_start3A_65 : memref<1x128xi32, #tpu.memory_space<vmem>> -> memref<128xi32, #tpu.memory_space<vmem>>
        %dma_start3A_67 = arith.constant 0 : i32
        %dma_start3A_68 = arith.constant 0 : i32
        %dma_start3A_69 = tpu.memref_slice %arg9[%dma_start3A_67, %dma_start3A_68] : memref<10240x128xf32, #tpu.memory_space<vmem_shared>> -> memref<10240x128xf32, #tpu.memory_space<vmem_shared>>
        tpu.enqueue_indirect_dma source(%arg7 : memref<128x128xf32, #tpu.memory_space<vmem>>) target(%dma_start3A_69 : memref<10240x128xf32, #tpu.memory_space<vmem_shared>>) offsets(%dma_start3A_66 : memref<128xi32, #tpu.memory_space<vmem>>) semaphore(%run_scoped3A : memref<!tpu.dma_semaphore, #tpu.memory_space<semaphore_mem>>) {add = true}
        %dma_wait3A = arith.constant 0 : i32
        %dma_wait3A_70 = tpu.memref_slice %arg6[%scan3A_64, %dma_wait3A] : memref<80x128xi32, #tpu.memory_space<vmem>> -> memref<1x128xi32, #tpu.memory_space<vmem>>
        %dma_wait3A_71 = tpu.memref_squeeze %dma_wait3A_70 : memref<1x128xi32, #tpu.memory_space<vmem>> -> memref<128xi32, #tpu.memory_space<vmem>>
        %dma_wait3A_72 = arith.constant 0 : i32
        %dma_wait3A_73 = arith.constant 0 : i32
        %dma_wait3A_74 = tpu.memref_slice %arg9[%dma_wait3A_72, %dma_wait3A_73] : memref<10240x128xf32, #tpu.memory_space<vmem_shared>> -> memref<10240x128xf32, #tpu.memory_space<vmem_shared>>
        tpu.wait_indirect_dma semaphore(%run_scoped3A : memref<!tpu.dma_semaphore, #tpu.memory_space<semaphore_mem>>) src(%arg7 : memref<128x128xf32, #tpu.memory_space<vmem>>) dst(%dma_wait3A_74 : memref<10240x128xf32, #tpu.memory_space<vmem_shared>>)
        tpu.yield
      }) : () -> ()
    }
    %scan3A_27 = arith.constant 80 : i32
    %barrier3A_28 = arith.constant 0 : index
    tpu.barrier barrier_id(%barrier3A_28)
    %mul3A_29 = arith.constant 640 : i32
    %mul3A_30 = arith.muli %arg1, %mul3A_29 : i32
    %add3A_31 = arith.constant 0 : i32
    %add3A_32 = arith.addi %mul3A_30, %add3A_31 : i32
    "tpu.region"() ({
      %run_scoped3A = tpu.sem_alloc : memref<!tpu.dma_semaphore, #tpu.memory_space<semaphore_mem>>
      %dma_start3A = arith.constant 0 : i32
      %dma_start3A_64 = tpu.memref_slice %arg9[%add3A_32, %dma_start3A] : memref<10240x128xf32, #tpu.memory_space<vmem_shared>> -> memref<128x128xf32, #tpu.memory_space<vmem_shared>>
      %dma_start3A_65 = arith.constant 0 : i32
      %dma_start3A_66 = tpu.memref_slice %arg9[%add3A_32, %dma_start3A_65] : memref<10240x128xf32, #tpu.memory_space<vmem_shared>> -> memref<128x128xf32, #tpu.memory_space<vmem_shared>>
      tpu.enqueue_dma source(%dma_start3A_66 : memref<128x128xf32, #tpu.memory_space<vmem_shared>>) target(%arg8 : memref<128x128xf32, #tpu.memory_space<vmem>>) target_semaphore(%run_scoped3A : memref<!tpu.dma_semaphore, #tpu.memory_space<semaphore_mem>>)
      %dma_wait3A = arith.constant 0 : i32
      %dma_wait3A_67 = tpu.memref_slice %arg9[%add3A_32, %dma_wait3A] : memref<10240x128xf32, #tpu.memory_space<vmem_shared>> -> memref<128x128xf32, #tpu.memory_space<vmem_shared>>
      %dma_wait3A_68 = arith.constant 0 : i32
      %dma_wait3A_69 = tpu.memref_slice %arg9[%add3A_32, %dma_wait3A_68] : memref<10240x128xf32, #tpu.memory_space<vmem_shared>> -> memref<128x128xf32, #tpu.memory_space<vmem_shared>>
      tpu.wait_dma2 semaphore(%run_scoped3A : memref<!tpu.dma_semaphore, #tpu.memory_space<semaphore_mem>>) src(%dma_wait3A_69 : memref<128x128xf32, #tpu.memory_space<vmem_shared>>) dst(%arg8 : memref<128x128xf32, #tpu.memory_space<vmem>>)
      tpu.yield
    }) : () -> ()
    %mul3A_33 = arith.constant 10240 : i32
    %mul3A_34 = arith.muli %arg0, %mul3A_33 : i32
    %add3A_35 = arith.addi %mul3A_34, %add3A_32 : i32
    "tpu.region"() ({
      %run_scoped3A = tpu.sem_alloc : memref<!tpu.dma_semaphore, #tpu.memory_space<semaphore_mem>>
      %dma_start3A = arith.constant 0 : i32
      %dma_start3A_64 = tpu.memref_slice %arg5[%add3A_35, %dma_start3A] : memref<20480x128xf32, #tpu.memory_space<hbm>> -> memref<128x128xf32, #tpu.memory_space<hbm>>
      %dma_start3A_65 = arith.constant 0 : i32
      %dma_start3A_66 = tpu.memref_slice %arg5[%add3A_35, %dma_start3A_65] : memref<20480x128xf32, #tpu.memory_space<hbm>> -> memref<128x128xf32, #tpu.memory_space<hbm>>
      tpu.enqueue_dma source(%arg8 : memref<128x128xf32, #tpu.memory_space<vmem>>) target(%dma_start3A_66 : memref<128x128xf32, #tpu.memory_space<hbm>>) target_semaphore(%run_scoped3A : memref<!tpu.dma_semaphore, #tpu.memory_space<semaphore_mem>>)
      %dma_wait3A = arith.constant 0 : i32
      %dma_wait3A_67 = tpu.memref_slice %arg5[%add3A_35, %dma_wait3A] : memref<20480x128xf32, #tpu.memory_space<hbm>> -> memref<128x128xf32, #tpu.memory_space<hbm>>
      %dma_wait3A_68 = arith.constant 0 : i32
      %dma_wait3A_69 = tpu.memref_slice %arg5[%add3A_35, %dma_wait3A_68] : memref<20480x128xf32, #tpu.memory_space<hbm>> -> memref<128x128xf32, #tpu.memory_space<hbm>>
      tpu.wait_dma2 semaphore(%run_scoped3A : memref<!tpu.dma_semaphore, #tpu.memory_space<semaphore_mem>>) src(%arg8 : memref<128x128xf32, #tpu.memory_space<vmem>>) dst(%dma_wait3A_69 : memref<128x128xf32, #tpu.memory_space<hbm>>)
      tpu.yield
    }) : () -> ()
    %mul3A_36 = arith.constant 640 : i32
    %mul3A_37 = arith.muli %arg1, %mul3A_36 : i32
    %add3A_38 = arith.constant 128 : i32
    %add3A_39 = arith.addi %mul3A_37, %add3A_38 : i32
    "tpu.region"() ({
      %run_scoped3A = tpu.sem_alloc : memref<!tpu.dma_semaphore, #tpu.memory_space<semaphore_mem>>
      %dma_start3A = arith.constant 0 : i32
      %dma_start3A_64 = tpu.memref_slice %arg9[%add3A_39, %dma_start3A] : memref<10240x128xf32, #tpu.memory_space<vmem_shared>> -> memref<128x128xf32, #tpu.memory_space<vmem_shared>>
      %dma_start3A_65 = arith.constant 0 : i32
      %dma_start3A_66 = tpu.memref_slice %arg9[%add3A_39, %dma_start3A_65] : memref<10240x128xf32, #tpu.memory_space<vmem_shared>> -> memref<128x128xf32, #tpu.memory_space<vmem_shared>>
      tpu.enqueue_dma source(%dma_start3A_66 : memref<128x128xf32, #tpu.memory_space<vmem_shared>>) target(%arg8 : memref<128x128xf32, #tpu.memory_space<vmem>>) target_semaphore(%run_scoped3A : memref<!tpu.dma_semaphore, #tpu.memory_space<semaphore_mem>>)
      %dma_wait3A = arith.constant 0 : i32
      %dma_wait3A_67 = tpu.memref_slice %arg9[%add3A_39, %dma_wait3A] : memref<10240x128xf32, #tpu.memory_space<vmem_shared>> -> memref<128x128xf32, #tpu.memory_space<vmem_shared>>
      %dma_wait3A_68 = arith.constant 0 : i32
      %dma_wait3A_69 = tpu.memref_slice %arg9[%add3A_39, %dma_wait3A_68] : memref<10240x128xf32, #tpu.memory_space<vmem_shared>> -> memref<128x128xf32, #tpu.memory_space<vmem_shared>>
      tpu.wait_dma2 semaphore(%run_scoped3A : memref<!tpu.dma_semaphore, #tpu.memory_space<semaphore_mem>>) src(%dma_wait3A_69 : memref<128x128xf32, #tpu.memory_space<vmem_shared>>) dst(%arg8 : memref<128x128xf32, #tpu.memory_space<vmem>>)
      tpu.yield
    }) : () -> ()
    %mul3A_40 = arith.constant 10240 : i32
    %mul3A_41 = arith.muli %arg0, %mul3A_40 : i32
    %add3A_42 = arith.addi %mul3A_41, %add3A_39 : i32
    "tpu.region"() ({
      %run_scoped3A = tpu.sem_alloc : memref<!tpu.dma_semaphore, #tpu.memory_space<semaphore_mem>>
      %dma_start3A = arith.constant 0 : i32
      %dma_start3A_64 = tpu.memref_slice %arg5[%add3A_42, %dma_start3A] : memref<20480x128xf32, #tpu.memory_space<hbm>> -> memref<128x128xf32, #tpu.memory_space<hbm>>
      %dma_start3A_65 = arith.constant 0 : i32
      %dma_start3A_66 = tpu.memref_slice %arg5[%add3A_42, %dma_start3A_65] : memref<20480x128xf32, #tpu.memory_space<hbm>> -> memref<128x128xf32, #tpu.memory_space<hbm>>
      tpu.enqueue_dma source(%arg8 : memref<128x128xf32, #tpu.memory_space<vmem>>) target(%dma_start3A_66 : memref<128x128xf32, #tpu.memory_space<hbm>>) target_semaphore(%run_scoped3A : memref<!tpu.dma_semaphore, #tpu.memory_space<semaphore_mem>>)
      %dma_wait3A = arith.constant 0 : i32
      %dma_wait3A_67 = tpu.memref_slice %arg5[%add3A_42, %dma_wait3A] : memref<20480x128xf32, #tpu.memory_space<hbm>> -> memref<128x128xf32, #tpu.memory_space<hbm>>
      %dma_wait3A_68 = arith.constant 0 : i32
      %dma_wait3A_69 = tpu.memref_slice %arg5[%add3A_42, %dma_wait3A_68] : memref<20480x128xf32, #tpu.memory_space<hbm>> -> memref<128x128xf32, #tpu.memory_space<hbm>>
      tpu.wait_dma2 semaphore(%run_scoped3A : memref<!tpu.dma_semaphore, #tpu.memory_space<semaphore_mem>>) src(%arg8 : memref<128x128xf32, #tpu.memory_space<vmem>>) dst(%dma_wait3A_69 : memref<128x128xf32, #tpu.memory_space<hbm>>)
      tpu.yield
    }) : () -> ()
    %mul3A_43 = arith.constant 640 : i32
    %mul3A_44 = arith.muli %arg1, %mul3A_43 : i32
    %add3A_45 = arith.constant 256 : i32
    %add3A_46 = arith.addi %mul3A_44, %add3A_45 : i32
    "tpu.region"() ({
      %run_scoped3A = tpu.sem_alloc : memref<!tpu.dma_semaphore, #tpu.memory_space<semaphore_mem>>
      %dma_start3A = arith.constant 0 : i32
      %dma_start3A_64 = tpu.memref_slice %arg9[%add3A_46, %dma_start3A] : memref<10240x128xf32, #tpu.memory_space<vmem_shared>> -> memref<128x128xf32, #tpu.memory_space<vmem_shared>>
      %dma_start3A_65 = arith.constant 0 : i32
      %dma_start3A_66 = tpu.memref_slice %arg9[%add3A_46, %dma_start3A_65] : memref<10240x128xf32, #tpu.memory_space<vmem_shared>> -> memref<128x128xf32, #tpu.memory_space<vmem_shared>>
      tpu.enqueue_dma source(%dma_start3A_66 : memref<128x128xf32, #tpu.memory_space<vmem_shared>>) target(%arg8 : memref<128x128xf32, #tpu.memory_space<vmem>>) target_semaphore(%run_scoped3A : memref<!tpu.dma_semaphore, #tpu.memory_space<semaphore_mem>>)
      %dma_wait3A = arith.constant 0 : i32
      %dma_wait3A_67 = tpu.memref_slice %arg9[%add3A_46, %dma_wait3A] : memref<10240x128xf32, #tpu.memory_space<vmem_shared>> -> memref<128x128xf32, #tpu.memory_space<vmem_shared>>
      %dma_wait3A_68 = arith.constant 0 : i32
      %dma_wait3A_69 = tpu.memref_slice %arg9[%add3A_46, %dma_wait3A_68] : memref<10240x128xf32, #tpu.memory_space<vmem_shared>> -> memref<128x128xf32, #tpu.memory_space<vmem_shared>>
      tpu.wait_dma2 semaphore(%run_scoped3A : memref<!tpu.dma_semaphore, #tpu.memory_space<semaphore_mem>>) src(%dma_wait3A_69 : memref<128x128xf32, #tpu.memory_space<vmem_shared>>) dst(%arg8 : memref<128x128xf32, #tpu.memory_space<vmem>>)
      tpu.yield
    }) : () -> ()
    %mul3A_47 = arith.constant 10240 : i32
    %mul3A_48 = arith.muli %arg0, %mul3A_47 : i32
    %add3A_49 = arith.addi %mul3A_48, %add3A_46 : i32
    "tpu.region"() ({
      %run_scoped3A = tpu.sem_alloc : memref<!tpu.dma_semaphore, #tpu.memory_space<semaphore_mem>>
      %dma_start3A = arith.constant 0 : i32
      %dma_start3A_64 = tpu.memref_slice %arg5[%add3A_49, %dma_start3A] : memref<20480x128xf32, #tpu.memory_space<hbm>> -> memref<128x128xf32, #tpu.memory_space<hbm>>
      %dma_start3A_65 = arith.constant 0 : i32
      %dma_start3A_66 = tpu.memref_slice %arg5[%add3A_49, %dma_start3A_65] : memref<20480x128xf32, #tpu.memory_space<hbm>> -> memref<128x128xf32, #tpu.memory_space<hbm>>
      tpu.enqueue_dma source(%arg8 : memref<128x128xf32, #tpu.memory_space<vmem>>) target(%dma_start3A_66 : memref<128x128xf32, #tpu.memory_space<hbm>>) target_semaphore(%run_scoped3A : memref<!tpu.dma_semaphore, #tpu.memory_space<semaphore_mem>>)
      %dma_wait3A = arith.constant 0 : i32
      %dma_wait3A_67 = tpu.memref_slice %arg5[%add3A_49, %dma_wait3A] : memref<20480x128xf32, #tpu.memory_space<hbm>> -> memref<128x128xf32, #tpu.memory_space<hbm>>
      %dma_wait3A_68 = arith.constant 0 : i32
      %dma_wait3A_69 = tpu.memref_slice %arg5[%add3A_49, %dma_wait3A_68] : memref<20480x128xf32, #tpu.memory_space<hbm>> -> memref<128x128xf32, #tpu.memory_space<hbm>>
      tpu.wait_dma2 semaphore(%run_scoped3A : memref<!tpu.dma_semaphore, #tpu.memory_space<semaphore_mem>>) src(%arg8 : memref<128x128xf32, #tpu.memory_space<vmem>>) dst(%dma_wait3A_69 : memref<128x128xf32, #tpu.memory_space<hbm>>)
      tpu.yield
    }) : () -> ()
    %mul3A_50 = arith.constant 640 : i32
    %mul3A_51 = arith.muli %arg1, %mul3A_50 : i32
    %add3A_52 = arith.constant 384 : i32
    %add3A_53 = arith.addi %mul3A_51, %add3A_52 : i32
    "tpu.region"() ({
      %run_scoped3A = tpu.sem_alloc : memref<!tpu.dma_semaphore, #tpu.memory_space<semaphore_mem>>
      %dma_start3A = arith.constant 0 : i32
      %dma_start3A_64 = tpu.memref_slice %arg9[%add3A_53, %dma_start3A] : memref<10240x128xf32, #tpu.memory_space<vmem_shared>> -> memref<128x128xf32, #tpu.memory_space<vmem_shared>>
      %dma_start3A_65 = arith.constant 0 : i32
      %dma_start3A_66 = tpu.memref_slice %arg9[%add3A_53, %dma_start3A_65] : memref<10240x128xf32, #tpu.memory_space<vmem_shared>> -> memref<128x128xf32, #tpu.memory_space<vmem_shared>>
      tpu.enqueue_dma source(%dma_start3A_66 : memref<128x128xf32, #tpu.memory_space<vmem_shared>>) target(%arg8 : memref<128x128xf32, #tpu.memory_space<vmem>>) target_semaphore(%run_scoped3A : memref<!tpu.dma_semaphore, #tpu.memory_space<semaphore_mem>>)
      %dma_wait3A = arith.constant 0 : i32
      %dma_wait3A_67 = tpu.memref_slice %arg9[%add3A_53, %dma_wait3A] : memref<10240x128xf32, #tpu.memory_space<vmem_shared>> -> memref<128x128xf32, #tpu.memory_space<vmem_shared>>
      %dma_wait3A_68 = arith.constant 0 : i32
      %dma_wait3A_69 = tpu.memref_slice %arg9[%add3A_53, %dma_wait3A_68] : memref<10240x128xf32, #tpu.memory_space<vmem_shared>> -> memref<128x128xf32, #tpu.memory_space<vmem_shared>>
      tpu.wait_dma2 semaphore(%run_scoped3A : memref<!tpu.dma_semaphore, #tpu.memory_space<semaphore_mem>>) src(%dma_wait3A_69 : memref<128x128xf32, #tpu.memory_space<vmem_shared>>) dst(%arg8 : memref<128x128xf32, #tpu.memory_space<vmem>>)
      tpu.yield
    }) : () -> ()
    %mul3A_54 = arith.constant 10240 : i32
    %mul3A_55 = arith.muli %arg0, %mul3A_54 : i32
    %add3A_56 = arith.addi %mul3A_55, %add3A_53 : i32
    "tpu.region"() ({
      %run_scoped3A = tpu.sem_alloc : memref<!tpu.dma_semaphore, #tpu.memory_space<semaphore_mem>>
      %dma_start3A = arith.constant 0 : i32
      %dma_start3A_64 = tpu.memref_slice %arg5[%add3A_56, %dma_start3A] : memref<20480x128xf32, #tpu.memory_space<hbm>> -> memref<128x128xf32, #tpu.memory_space<hbm>>
      %dma_start3A_65 = arith.constant 0 : i32
      %dma_start3A_66 = tpu.memref_slice %arg5[%add3A_56, %dma_start3A_65] : memref<20480x128xf32, #tpu.memory_space<hbm>> -> memref<128x128xf32, #tpu.memory_space<hbm>>
      tpu.enqueue_dma source(%arg8 : memref<128x128xf32, #tpu.memory_space<vmem>>) target(%dma_start3A_66 : memref<128x128xf32, #tpu.memory_space<hbm>>) target_semaphore(%run_scoped3A : memref<!tpu.dma_semaphore, #tpu.memory_space<semaphore_mem>>)
      %dma_wait3A = arith.constant 0 : i32
      %dma_wait3A_67 = tpu.memref_slice %arg5[%add3A_56, %dma_wait3A] : memref<20480x128xf32, #tpu.memory_space<hbm>> -> memref<128x128xf32, #tpu.memory_space<hbm>>
      %dma_wait3A_68 = arith.constant 0 : i32
      %dma_wait3A_69 = tpu.memref_slice %arg5[%add3A_56, %dma_wait3A_68] : memref<20480x128xf32, #tpu.memory_space<hbm>> -> memref<128x128xf32, #tpu.memory_space<hbm>>
      tpu.wait_dma2 semaphore(%run_scoped3A : memref<!tpu.dma_semaphore, #tpu.memory_space<semaphore_mem>>) src(%arg8 : memref<128x128xf32, #tpu.memory_space<vmem>>) dst(%dma_wait3A_69 : memref<128x128xf32, #tpu.memory_space<hbm>>)
      tpu.yield
    }) : () -> ()
    %mul3A_57 = arith.constant 640 : i32
    %mul3A_58 = arith.muli %arg1, %mul3A_57 : i32
    %add3A_59 = arith.constant 512 : i32
    %add3A_60 = arith.addi %mul3A_58, %add3A_59 : i32
    "tpu.region"() ({
      %run_scoped3A = tpu.sem_alloc : memref<!tpu.dma_semaphore, #tpu.memory_space<semaphore_mem>>
      %dma_start3A = arith.constant 0 : i32
      %dma_start3A_64 = tpu.memref_slice %arg9[%add3A_60, %dma_start3A] : memref<10240x128xf32, #tpu.memory_space<vmem_shared>> -> memref<128x128xf32, #tpu.memory_space<vmem_shared>>
      %dma_start3A_65 = arith.constant 0 : i32
      %dma_start3A_66 = tpu.memref_slice %arg9[%add3A_60, %dma_start3A_65] : memref<10240x128xf32, #tpu.memory_space<vmem_shared>> -> memref<128x128xf32, #tpu.memory_space<vmem_shared>>
      tpu.enqueue_dma source(%dma_start3A_66 : memref<128x128xf32, #tpu.memory_space<vmem_shared>>) target(%arg8 : memref<128x128xf32, #tpu.memory_space<vmem>>) target_semaphore(%run_scoped3A : memref<!tpu.dma_semaphore, #tpu.memory_space<semaphore_mem>>)
      %dma_wait3A = arith.constant 0 : i32
      %dma_wait3A_67 = tpu.memref_slice %arg9[%add3A_60, %dma_wait3A] : memref<10240x128xf32, #tpu.memory_space<vmem_shared>> -> memref<128x128xf32, #tpu.memory_space<vmem_shared>>
      %dma_wait3A_68 = arith.constant 0 : i32
      %dma_wait3A_69 = tpu.memref_slice %arg9[%add3A_60, %dma_wait3A_68] : memref<10240x128xf32, #tpu.memory_space<vmem_shared>> -> memref<128x128xf32, #tpu.memory_space<vmem_shared>>
      tpu.wait_dma2 semaphore(%run_scoped3A : memref<!tpu.dma_semaphore, #tpu.memory_space<semaphore_mem>>) src(%dma_wait3A_69 : memref<128x128xf32, #tpu.memory_space<vmem_shared>>) dst(%arg8 : memref<128x128xf32, #tpu.memory_space<vmem>>)
      tpu.yield
    }) : () -> ()
    %mul3A_61 = arith.constant 10240 : i32
    %mul3A_62 = arith.muli %arg0, %mul3A_61 : i32
    %add3A_63 = arith.addi %mul3A_62, %add3A_60 : i32
    "tpu.region"() ({
      %run_scoped3A = tpu.sem_alloc : memref<!tpu.dma_semaphore, #tpu.memory_space<semaphore_mem>>
      %dma_start3A = arith.constant 0 : i32
      %dma_start3A_64 = tpu.memref_slice %arg5[%add3A_63, %dma_start3A] : memref<20480x128xf32, #tpu.memory_space<hbm>> -> memref<128x128xf32, #tpu.memory_space<hbm>>
      %dma_start3A_65 = arith.constant 0 : i32
      %dma_start3A_66 = tpu.memref_slice %arg5[%add3A_63, %dma_start3A_65] : memref<20480x128xf32, #tpu.memory_space<hbm>> -> memref<128x128xf32, #tpu.memory_space<hbm>>
      tpu.enqueue_dma source(%arg8 : memref<128x128xf32, #tpu.memory_space<vmem>>) target(%dma_start3A_66 : memref<128x128xf32, #tpu.memory_space<hbm>>) target_semaphore(%run_scoped3A : memref<!tpu.dma_semaphore, #tpu.memory_space<semaphore_mem>>)
      %dma_wait3A = arith.constant 0 : i32
      %dma_wait3A_67 = tpu.memref_slice %arg5[%add3A_63, %dma_wait3A] : memref<20480x128xf32, #tpu.memory_space<hbm>> -> memref<128x128xf32, #tpu.memory_space<hbm>>
      %dma_wait3A_68 = arith.constant 0 : i32
      %dma_wait3A_69 = tpu.memref_slice %arg5[%add3A_63, %dma_wait3A_68] : memref<20480x128xf32, #tpu.memory_space<hbm>> -> memref<128x128xf32, #tpu.memory_space<hbm>>
      tpu.wait_dma2 semaphore(%run_scoped3A : memref<!tpu.dma_semaphore, #tpu.memory_space<semaphore_mem>>) src(%arg8 : memref<128x128xf32, #tpu.memory_space<vmem>>) dst(%dma_wait3A_69 : memref<128x128xf32, #tpu.memory_space<hbm>>)
      tpu.yield
    }) : () -> ()
    return
  }
}

#map = affine_map<(d0, d1) -> (0, 0)>
module attributes {stable_mosaic.version = 14 : i64} {
  func.func @_scatter_body(%arg0: i32, %arg1: i32, %arg2: memref<10000x128xf32, #tpu.memory_space<hbm>>, %arg3: memref<2560x128xi32, #tpu.memory_space<hbm>>, %arg4: memref<2560x128xi32, #tpu.memory_space<hbm>>, %arg5: memref<128x128xf32, #tpu.memory_space<hbm>>, %arg6: memref<20480x128xf32, #tpu.memory_space<hbm>>, %arg7: memref<40x128xi32, #tpu.memory_space<vmem>>, %arg8: memref<40x128xi32, #tpu.memory_space<vmem>>, %arg9: memref<128x128xf32, #tpu.memory_space<vmem>>, %arg10: memref<128x128xf32, #tpu.memory_space<vmem>>, %arg11: memref<10240x128xf32, #tpu.memory_space<vmem_shared>>, %arg12: memref<!tpu.dma_semaphore, #tpu.memory_space<semaphore_mem>>, %arg13: memref<!tpu.dma_semaphore, #tpu.memory_space<semaphore_mem>>) attributes {dimension_semantics = [#tpu.dimension_semantics<core_parallel>, #tpu.dimension_semantics<subcore_parallel>], iteration_bounds = array<i64: 2, 16>, scalar_prefetch = 0 : i64, scratch_operands = 7 : i64, tpu.core_type = #tpu.core_type<sc_vector_subcore>, window_params = [{transform_indices = #map}, {transform_indices = #map}, {transform_indices = #map}, {transform_indices = #map}, {transform_indices = #map}]} {
    %mul3A = arith.constant 16 : i32
    %mul3A_0 = arith.muli %arg0, %mul3A : i32
    %add3A = arith.addi %mul3A_0, %arg1 : i32
    "tpu.region"() ({
      %run_scoped3A = tpu.sem_alloc : memref<!tpu.dma_semaphore, #tpu.memory_space<semaphore_mem>>
      tpu.enqueue_dma source(%arg5 : memref<128x128xf32, #tpu.memory_space<hbm>>) target(%arg9 : memref<128x128xf32, #tpu.memory_space<vmem>>) target_semaphore(%run_scoped3A : memref<!tpu.dma_semaphore, #tpu.memory_space<semaphore_mem>>)
      tpu.wait_dma2 semaphore(%run_scoped3A : memref<!tpu.dma_semaphore, #tpu.memory_space<semaphore_mem>>) src(%arg5 : memref<128x128xf32, #tpu.memory_space<hbm>>) dst(%arg9 : memref<128x128xf32, #tpu.memory_space<vmem>>)
      tpu.yield
    }) : () -> ()
    %mul3A_1 = arith.constant 640 : i32
    %mul3A_2 = arith.muli %arg1, %mul3A_1 : i32
    %add3A_3 = arith.constant 0 : i32
    %add3A_4 = arith.addi %mul3A_2, %add3A_3 : i32
    "tpu.region"() ({
      %run_scoped3A = tpu.sem_alloc : memref<!tpu.dma_semaphore, #tpu.memory_space<semaphore_mem>>
      %dma_start3A_97 = arith.constant 0 : i32
      %dma_start3A_98 = tpu.memref_slice %arg11[%add3A_4, %dma_start3A_97] : memref<10240x128xf32, #tpu.memory_space<vmem_shared>> -> memref<128x128xf32, #tpu.memory_space<vmem_shared>>
      %dma_start3A_99 = arith.constant 0 : i32
      %dma_start3A_100 = tpu.memref_slice %arg11[%add3A_4, %dma_start3A_99] : memref<10240x128xf32, #tpu.memory_space<vmem_shared>> -> memref<128x128xf32, #tpu.memory_space<vmem_shared>>
      tpu.enqueue_dma source(%arg9 : memref<128x128xf32, #tpu.memory_space<vmem>>) target(%dma_start3A_100 : memref<128x128xf32, #tpu.memory_space<vmem_shared>>) target_semaphore(%run_scoped3A : memref<!tpu.dma_semaphore, #tpu.memory_space<semaphore_mem>>)
      %dma_wait3A = arith.constant 0 : i32
      %dma_wait3A_101 = tpu.memref_slice %arg11[%add3A_4, %dma_wait3A] : memref<10240x128xf32, #tpu.memory_space<vmem_shared>> -> memref<128x128xf32, #tpu.memory_space<vmem_shared>>
      %dma_wait3A_102 = arith.constant 0 : i32
      %dma_wait3A_103 = tpu.memref_slice %arg11[%add3A_4, %dma_wait3A_102] : memref<10240x128xf32, #tpu.memory_space<vmem_shared>> -> memref<128x128xf32, #tpu.memory_space<vmem_shared>>
      tpu.wait_dma2 semaphore(%run_scoped3A : memref<!tpu.dma_semaphore, #tpu.memory_space<semaphore_mem>>) src(%arg9 : memref<128x128xf32, #tpu.memory_space<vmem>>) dst(%dma_wait3A_103 : memref<128x128xf32, #tpu.memory_space<vmem_shared>>)
      tpu.yield
    }) : () -> ()
    %mul3A_5 = arith.constant 640 : i32
    %mul3A_6 = arith.muli %arg1, %mul3A_5 : i32
    %add3A_7 = arith.constant 128 : i32
    %add3A_8 = arith.addi %mul3A_6, %add3A_7 : i32
    "tpu.region"() ({
      %run_scoped3A = tpu.sem_alloc : memref<!tpu.dma_semaphore, #tpu.memory_space<semaphore_mem>>
      %dma_start3A_97 = arith.constant 0 : i32
      %dma_start3A_98 = tpu.memref_slice %arg11[%add3A_8, %dma_start3A_97] : memref<10240x128xf32, #tpu.memory_space<vmem_shared>> -> memref<128x128xf32, #tpu.memory_space<vmem_shared>>
      %dma_start3A_99 = arith.constant 0 : i32
      %dma_start3A_100 = tpu.memref_slice %arg11[%add3A_8, %dma_start3A_99] : memref<10240x128xf32, #tpu.memory_space<vmem_shared>> -> memref<128x128xf32, #tpu.memory_space<vmem_shared>>
      tpu.enqueue_dma source(%arg9 : memref<128x128xf32, #tpu.memory_space<vmem>>) target(%dma_start3A_100 : memref<128x128xf32, #tpu.memory_space<vmem_shared>>) target_semaphore(%run_scoped3A : memref<!tpu.dma_semaphore, #tpu.memory_space<semaphore_mem>>)
      %dma_wait3A = arith.constant 0 : i32
      %dma_wait3A_101 = tpu.memref_slice %arg11[%add3A_8, %dma_wait3A] : memref<10240x128xf32, #tpu.memory_space<vmem_shared>> -> memref<128x128xf32, #tpu.memory_space<vmem_shared>>
      %dma_wait3A_102 = arith.constant 0 : i32
      %dma_wait3A_103 = tpu.memref_slice %arg11[%add3A_8, %dma_wait3A_102] : memref<10240x128xf32, #tpu.memory_space<vmem_shared>> -> memref<128x128xf32, #tpu.memory_space<vmem_shared>>
      tpu.wait_dma2 semaphore(%run_scoped3A : memref<!tpu.dma_semaphore, #tpu.memory_space<semaphore_mem>>) src(%arg9 : memref<128x128xf32, #tpu.memory_space<vmem>>) dst(%dma_wait3A_103 : memref<128x128xf32, #tpu.memory_space<vmem_shared>>)
      tpu.yield
    }) : () -> ()
    %mul3A_9 = arith.constant 640 : i32
    %mul3A_10 = arith.muli %arg1, %mul3A_9 : i32
    %add3A_11 = arith.constant 256 : i32
    %add3A_12 = arith.addi %mul3A_10, %add3A_11 : i32
    "tpu.region"() ({
      %run_scoped3A = tpu.sem_alloc : memref<!tpu.dma_semaphore, #tpu.memory_space<semaphore_mem>>
      %dma_start3A_97 = arith.constant 0 : i32
      %dma_start3A_98 = tpu.memref_slice %arg11[%add3A_12, %dma_start3A_97] : memref<10240x128xf32, #tpu.memory_space<vmem_shared>> -> memref<128x128xf32, #tpu.memory_space<vmem_shared>>
      %dma_start3A_99 = arith.constant 0 : i32
      %dma_start3A_100 = tpu.memref_slice %arg11[%add3A_12, %dma_start3A_99] : memref<10240x128xf32, #tpu.memory_space<vmem_shared>> -> memref<128x128xf32, #tpu.memory_space<vmem_shared>>
      tpu.enqueue_dma source(%arg9 : memref<128x128xf32, #tpu.memory_space<vmem>>) target(%dma_start3A_100 : memref<128x128xf32, #tpu.memory_space<vmem_shared>>) target_semaphore(%run_scoped3A : memref<!tpu.dma_semaphore, #tpu.memory_space<semaphore_mem>>)
      %dma_wait3A = arith.constant 0 : i32
      %dma_wait3A_101 = tpu.memref_slice %arg11[%add3A_12, %dma_wait3A] : memref<10240x128xf32, #tpu.memory_space<vmem_shared>> -> memref<128x128xf32, #tpu.memory_space<vmem_shared>>
      %dma_wait3A_102 = arith.constant 0 : i32
      %dma_wait3A_103 = tpu.memref_slice %arg11[%add3A_12, %dma_wait3A_102] : memref<10240x128xf32, #tpu.memory_space<vmem_shared>> -> memref<128x128xf32, #tpu.memory_space<vmem_shared>>
      tpu.wait_dma2 semaphore(%run_scoped3A : memref<!tpu.dma_semaphore, #tpu.memory_space<semaphore_mem>>) src(%arg9 : memref<128x128xf32, #tpu.memory_space<vmem>>) dst(%dma_wait3A_103 : memref<128x128xf32, #tpu.memory_space<vmem_shared>>)
      tpu.yield
    }) : () -> ()
    %mul3A_13 = arith.constant 640 : i32
    %mul3A_14 = arith.muli %arg1, %mul3A_13 : i32
    %add3A_15 = arith.constant 384 : i32
    %add3A_16 = arith.addi %mul3A_14, %add3A_15 : i32
    "tpu.region"() ({
      %run_scoped3A = tpu.sem_alloc : memref<!tpu.dma_semaphore, #tpu.memory_space<semaphore_mem>>
      %dma_start3A_97 = arith.constant 0 : i32
      %dma_start3A_98 = tpu.memref_slice %arg11[%add3A_16, %dma_start3A_97] : memref<10240x128xf32, #tpu.memory_space<vmem_shared>> -> memref<128x128xf32, #tpu.memory_space<vmem_shared>>
      %dma_start3A_99 = arith.constant 0 : i32
      %dma_start3A_100 = tpu.memref_slice %arg11[%add3A_16, %dma_start3A_99] : memref<10240x128xf32, #tpu.memory_space<vmem_shared>> -> memref<128x128xf32, #tpu.memory_space<vmem_shared>>
      tpu.enqueue_dma source(%arg9 : memref<128x128xf32, #tpu.memory_space<vmem>>) target(%dma_start3A_100 : memref<128x128xf32, #tpu.memory_space<vmem_shared>>) target_semaphore(%run_scoped3A : memref<!tpu.dma_semaphore, #tpu.memory_space<semaphore_mem>>)
      %dma_wait3A = arith.constant 0 : i32
      %dma_wait3A_101 = tpu.memref_slice %arg11[%add3A_16, %dma_wait3A] : memref<10240x128xf32, #tpu.memory_space<vmem_shared>> -> memref<128x128xf32, #tpu.memory_space<vmem_shared>>
      %dma_wait3A_102 = arith.constant 0 : i32
      %dma_wait3A_103 = tpu.memref_slice %arg11[%add3A_16, %dma_wait3A_102] : memref<10240x128xf32, #tpu.memory_space<vmem_shared>> -> memref<128x128xf32, #tpu.memory_space<vmem_shared>>
      tpu.wait_dma2 semaphore(%run_scoped3A : memref<!tpu.dma_semaphore, #tpu.memory_space<semaphore_mem>>) src(%arg9 : memref<128x128xf32, #tpu.memory_space<vmem>>) dst(%dma_wait3A_103 : memref<128x128xf32, #tpu.memory_space<vmem_shared>>)
      tpu.yield
    }) : () -> ()
    %mul3A_17 = arith.constant 640 : i32
    %mul3A_18 = arith.muli %arg1, %mul3A_17 : i32
    %add3A_19 = arith.constant 512 : i32
    %add3A_20 = arith.addi %mul3A_18, %add3A_19 : i32
    "tpu.region"() ({
      %run_scoped3A = tpu.sem_alloc : memref<!tpu.dma_semaphore, #tpu.memory_space<semaphore_mem>>
      %dma_start3A_97 = arith.constant 0 : i32
      %dma_start3A_98 = tpu.memref_slice %arg11[%add3A_20, %dma_start3A_97] : memref<10240x128xf32, #tpu.memory_space<vmem_shared>> -> memref<128x128xf32, #tpu.memory_space<vmem_shared>>
      %dma_start3A_99 = arith.constant 0 : i32
      %dma_start3A_100 = tpu.memref_slice %arg11[%add3A_20, %dma_start3A_99] : memref<10240x128xf32, #tpu.memory_space<vmem_shared>> -> memref<128x128xf32, #tpu.memory_space<vmem_shared>>
      tpu.enqueue_dma source(%arg9 : memref<128x128xf32, #tpu.memory_space<vmem>>) target(%dma_start3A_100 : memref<128x128xf32, #tpu.memory_space<vmem_shared>>) target_semaphore(%run_scoped3A : memref<!tpu.dma_semaphore, #tpu.memory_space<semaphore_mem>>)
      %dma_wait3A = arith.constant 0 : i32
      %dma_wait3A_101 = tpu.memref_slice %arg11[%add3A_20, %dma_wait3A] : memref<10240x128xf32, #tpu.memory_space<vmem_shared>> -> memref<128x128xf32, #tpu.memory_space<vmem_shared>>
      %dma_wait3A_102 = arith.constant 0 : i32
      %dma_wait3A_103 = tpu.memref_slice %arg11[%add3A_20, %dma_wait3A_102] : memref<10240x128xf32, #tpu.memory_space<vmem_shared>> -> memref<128x128xf32, #tpu.memory_space<vmem_shared>>
      tpu.wait_dma2 semaphore(%run_scoped3A : memref<!tpu.dma_semaphore, #tpu.memory_space<semaphore_mem>>) src(%arg9 : memref<128x128xf32, #tpu.memory_space<vmem>>) dst(%dma_wait3A_103 : memref<128x128xf32, #tpu.memory_space<vmem_shared>>)
      tpu.yield
    }) : () -> ()
    %barrier3A = arith.constant 0 : index
    tpu.barrier barrier_id(%barrier3A)
    %mul3A_21 = arith.constant 80 : i32
    %mul3A_22 = arith.muli %add3A, %mul3A_21 : i32
    %add3A_23 = arith.constant 0 : i32
    %add3A_24 = arith.addi %mul3A_22, %add3A_23 : i32
    "tpu.region"() ({
      %run_scoped3A = tpu.sem_alloc : memref<!tpu.dma_semaphore, #tpu.memory_space<semaphore_mem>>
      %dma_start3A_97 = arith.constant 0 : i32
      %dma_start3A_98 = tpu.memref_slice %arg3[%add3A_24, %dma_start3A_97] : memref<2560x128xi32, #tpu.memory_space<hbm>> -> memref<40x128xi32, #tpu.memory_space<hbm>>
      %dma_start3A_99 = arith.constant 0 : i32
      %dma_start3A_100 = tpu.memref_slice %arg3[%add3A_24, %dma_start3A_99] : memref<2560x128xi32, #tpu.memory_space<hbm>> -> memref<40x128xi32, #tpu.memory_space<hbm>>
      tpu.enqueue_dma source(%dma_start3A_100 : memref<40x128xi32, #tpu.memory_space<hbm>>) target(%arg7 : memref<40x128xi32, #tpu.memory_space<vmem>>) target_semaphore(%run_scoped3A : memref<!tpu.dma_semaphore, #tpu.memory_space<semaphore_mem>>)
      %dma_wait3A = arith.constant 0 : i32
      %dma_wait3A_101 = tpu.memref_slice %arg3[%add3A_24, %dma_wait3A] : memref<2560x128xi32, #tpu.memory_space<hbm>> -> memref<40x128xi32, #tpu.memory_space<hbm>>
      %dma_wait3A_102 = arith.constant 0 : i32
      %dma_wait3A_103 = tpu.memref_slice %arg3[%add3A_24, %dma_wait3A_102] : memref<2560x128xi32, #tpu.memory_space<hbm>> -> memref<40x128xi32, #tpu.memory_space<hbm>>
      tpu.wait_dma2 semaphore(%run_scoped3A : memref<!tpu.dma_semaphore, #tpu.memory_space<semaphore_mem>>) src(%dma_wait3A_103 : memref<40x128xi32, #tpu.memory_space<hbm>>) dst(%arg7 : memref<40x128xi32, #tpu.memory_space<vmem>>)
      tpu.yield
    }) : () -> ()
    %mul3A_25 = arith.constant 80 : i32
    %mul3A_26 = arith.muli %add3A, %mul3A_25 : i32
    %add3A_27 = arith.constant 0 : i32
    %add3A_28 = arith.addi %mul3A_26, %add3A_27 : i32
    "tpu.region"() ({
      %run_scoped3A = tpu.sem_alloc : memref<!tpu.dma_semaphore, #tpu.memory_space<semaphore_mem>>
      %dma_start3A_97 = arith.constant 0 : i32
      %dma_start3A_98 = tpu.memref_slice %arg4[%add3A_28, %dma_start3A_97] : memref<2560x128xi32, #tpu.memory_space<hbm>> -> memref<40x128xi32, #tpu.memory_space<hbm>>
      %dma_start3A_99 = arith.constant 0 : i32
      %dma_start3A_100 = tpu.memref_slice %arg4[%add3A_28, %dma_start3A_99] : memref<2560x128xi32, #tpu.memory_space<hbm>> -> memref<40x128xi32, #tpu.memory_space<hbm>>
      tpu.enqueue_dma source(%dma_start3A_100 : memref<40x128xi32, #tpu.memory_space<hbm>>) target(%arg8 : memref<40x128xi32, #tpu.memory_space<vmem>>) target_semaphore(%run_scoped3A : memref<!tpu.dma_semaphore, #tpu.memory_space<semaphore_mem>>)
      %dma_wait3A = arith.constant 0 : i32
      %dma_wait3A_101 = tpu.memref_slice %arg4[%add3A_28, %dma_wait3A] : memref<2560x128xi32, #tpu.memory_space<hbm>> -> memref<40x128xi32, #tpu.memory_space<hbm>>
      %dma_wait3A_102 = arith.constant 0 : i32
      %dma_wait3A_103 = tpu.memref_slice %arg4[%add3A_28, %dma_wait3A_102] : memref<2560x128xi32, #tpu.memory_space<hbm>> -> memref<40x128xi32, #tpu.memory_space<hbm>>
      tpu.wait_dma2 semaphore(%run_scoped3A : memref<!tpu.dma_semaphore, #tpu.memory_space<semaphore_mem>>) src(%dma_wait3A_103 : memref<40x128xi32, #tpu.memory_space<hbm>>) dst(%arg8 : memref<40x128xi32, #tpu.memory_space<vmem>>)
      tpu.yield
    }) : () -> ()
    %dma_start3A = arith.constant 0 : i32
    %dma_start3A_29 = arith.constant 0 : i32
    %dma_start3A_30 = tpu.memref_slice %arg7[%dma_start3A, %dma_start3A_29] : memref<40x128xi32, #tpu.memory_space<vmem>> -> memref<1x128xi32, #tpu.memory_space<vmem>>
    %dma_start3A_31 = tpu.memref_squeeze %dma_start3A_30 : memref<1x128xi32, #tpu.memory_space<vmem>> -> memref<128xi32, #tpu.memory_space<vmem>>
    %dma_start3A_32 = arith.constant 0 : i32
    %dma_start3A_33 = arith.constant 0 : i32
    %dma_start3A_34 = tpu.memref_slice %arg2[%dma_start3A_32, %dma_start3A_33] : memref<10000x128xf32, #tpu.memory_space<hbm>> -> memref<10000x128xf32, #tpu.memory_space<hbm>>
    tpu.enqueue_indirect_dma source(%dma_start3A_34 : memref<10000x128xf32, #tpu.memory_space<hbm>>) target(%arg9 : memref<128x128xf32, #tpu.memory_space<vmem>>) offsets(%dma_start3A_31 : memref<128xi32, #tpu.memory_space<vmem>>) semaphore(%arg12 : memref<!tpu.dma_semaphore, #tpu.memory_space<semaphore_mem>>)
    %scan3A = arith.constant 0 : i32
    %scan3A_35 = arith.constant 0 : i32
    %scan3A_36 = arith.constant 20 : i32
    %scan3A_37 = arith.addi %scan3A_35, %scan3A_36 : i32
    %scan3A_38 = arith.constant 1 : i32
    scf.for %scan3A_97 = %scan3A_35 to %scan3A_37 step %scan3A_38  : i32 {
      %mul3A_98 = arith.constant 2 : i32
      %mul3A_99 = arith.muli %scan3A_97, %mul3A_98 : i32
      %add3A_100 = arith.constant 1 : i32
      %add3A_101 = arith.addi %mul3A_99, %add3A_100 : i32
      %dma_start3A_102 = arith.constant 0 : i32
      %dma_start3A_103 = tpu.memref_slice %arg7[%add3A_101, %dma_start3A_102] : memref<40x128xi32, #tpu.memory_space<vmem>> -> memref<1x128xi32, #tpu.memory_space<vmem>>
      %dma_start3A_104 = tpu.memref_squeeze %dma_start3A_103 : memref<1x128xi32, #tpu.memory_space<vmem>> -> memref<128xi32, #tpu.memory_space<vmem>>
      %dma_start3A_105 = arith.constant 0 : i32
      %dma_start3A_106 = arith.constant 0 : i32
      %dma_start3A_107 = tpu.memref_slice %arg2[%dma_start3A_105, %dma_start3A_106] : memref<10000x128xf32, #tpu.memory_space<hbm>> -> memref<10000x128xf32, #tpu.memory_space<hbm>>
      tpu.enqueue_indirect_dma source(%dma_start3A_107 : memref<10000x128xf32, #tpu.memory_space<hbm>>) target(%arg10 : memref<128x128xf32, #tpu.memory_space<vmem>>) offsets(%dma_start3A_104 : memref<128xi32, #tpu.memory_space<vmem>>) semaphore(%arg13 : memref<!tpu.dma_semaphore, #tpu.memory_space<semaphore_mem>>)
      %dma_wait3A = arith.constant 0 : i32
      %dma_wait3A_108 = arith.constant 0 : i32
      %dma_wait3A_109 = tpu.memref_slice %arg7[%dma_wait3A, %dma_wait3A_108] : memref<40x128xi32, #tpu.memory_space<vmem>> -> memref<1x128xi32, #tpu.memory_space<vmem>>
      %dma_wait3A_110 = tpu.memref_squeeze %dma_wait3A_109 : memref<1x128xi32, #tpu.memory_space<vmem>> -> memref<128xi32, #tpu.memory_space<vmem>>
      %dma_wait3A_111 = arith.constant 0 : i32
      %dma_wait3A_112 = arith.constant 0 : i32
      %dma_wait3A_113 = tpu.memref_slice %arg2[%dma_wait3A_111, %dma_wait3A_112] : memref<10000x128xf32, #tpu.memory_space<hbm>> -> memref<10000x128xf32, #tpu.memory_space<hbm>>
      tpu.wait_indirect_dma semaphore(%arg12 : memref<!tpu.dma_semaphore, #tpu.memory_space<semaphore_mem>>) src(%dma_wait3A_113 : memref<10000x128xf32, #tpu.memory_space<hbm>>) dst(%arg9 : memref<128x128xf32, #tpu.memory_space<vmem>>)
      "tpu.region"() ({
        %run_scoped3A = tpu.sem_alloc : memref<!tpu.dma_semaphore, #tpu.memory_space<semaphore_mem>>
        %dma_start3A_125 = arith.constant 0 : i32
        %dma_start3A_126 = tpu.memref_slice %arg8[%mul3A_99, %dma_start3A_125] : memref<40x128xi32, #tpu.memory_space<vmem>> -> memref<1x128xi32, #tpu.memory_space<vmem>>
        %dma_start3A_127 = tpu.memref_squeeze %dma_start3A_126 : memref<1x128xi32, #tpu.memory_space<vmem>> -> memref<128xi32, #tpu.memory_space<vmem>>
        %dma_start3A_128 = arith.constant 0 : i32
        %dma_start3A_129 = arith.constant 0 : i32
        %dma_start3A_130 = tpu.memref_slice %arg11[%dma_start3A_128, %dma_start3A_129] : memref<10240x128xf32, #tpu.memory_space<vmem_shared>> -> memref<10240x128xf32, #tpu.memory_space<vmem_shared>>
        tpu.enqueue_indirect_dma source(%arg9 : memref<128x128xf32, #tpu.memory_space<vmem>>) target(%dma_start3A_130 : memref<10240x128xf32, #tpu.memory_space<vmem_shared>>) offsets(%dma_start3A_127 : memref<128xi32, #tpu.memory_space<vmem>>) semaphore(%run_scoped3A : memref<!tpu.dma_semaphore, #tpu.memory_space<semaphore_mem>>) {add = true}
        %dma_wait3A_131 = arith.constant 0 : i32
        %dma_wait3A_132 = tpu.memref_slice %arg8[%mul3A_99, %dma_wait3A_131] : memref<40x128xi32, #tpu.memory_space<vmem>> -> memref<1x128xi32, #tpu.memory_space<vmem>>
        %dma_wait3A_133 = tpu.memref_squeeze %dma_wait3A_132 : memref<1x128xi32, #tpu.memory_space<vmem>> -> memref<128xi32, #tpu.memory_space<vmem>>
        %dma_wait3A_134 = arith.constant 0 : i32
        %dma_wait3A_135 = arith.constant 0 : i32
        %dma_wait3A_136 = tpu.memref_slice %arg11[%dma_wait3A_134, %dma_wait3A_135] : memref<10240x128xf32, #tpu.memory_space<vmem_shared>> -> memref<10240x128xf32, #tpu.memory_space<vmem_shared>>
        tpu.wait_indirect_dma semaphore(%run_scoped3A : memref<!tpu.dma_semaphore, #tpu.memory_space<semaphore_mem>>) src(%arg9 : memref<128x128xf32, #tpu.memory_space<vmem>>) dst(%dma_wait3A_136 : memref<10240x128xf32, #tpu.memory_space<vmem_shared>>)
        tpu.yield
      }) : () -> ()
      %lt3A = arith.constant 19 : i32
      %lt3A_114 = arith.cmpi slt, %scan3A_97, %lt3A : i32
      %convert_element_type3A = arith.extui %lt3A_114 : i1 to i32
      %cond3A = arith.constant 0 : i32
      %cond3A_115 = arith.cmpi ne, %convert_element_type3A, %cond3A : i32
      scf.if %cond3A_115 {
        %add3A_125 = arith.constant 2 : i32
        %add3A_126 = arith.addi %mul3A_99, %add3A_125 : i32
        %dma_start3A_127 = arith.constant 0 : i32
        %dma_start3A_128 = tpu.memref_slice %arg7[%add3A_126, %dma_start3A_127] : memref<40x128xi32, #tpu.memory_space<vmem>> -> memref<1x128xi32, #tpu.memory_space<vmem>>
        %dma_start3A_129 = tpu.memref_squeeze %dma_start3A_128 : memref<1x128xi32, #tpu.memory_space<vmem>> -> memref<128xi32, #tpu.memory_space<vmem>>
        %dma_start3A_130 = arith.constant 0 : i32
        %dma_start3A_131 = arith.constant 0 : i32
        %dma_start3A_132 = tpu.memref_slice %arg2[%dma_start3A_130, %dma_start3A_131] : memref<10000x128xf32, #tpu.memory_space<hbm>> -> memref<10000x128xf32, #tpu.memory_space<hbm>>
        tpu.enqueue_indirect_dma source(%dma_start3A_132 : memref<10000x128xf32, #tpu.memory_space<hbm>>) target(%arg9 : memref<128x128xf32, #tpu.memory_space<vmem>>) offsets(%dma_start3A_129 : memref<128xi32, #tpu.memory_space<vmem>>) semaphore(%arg12 : memref<!tpu.dma_semaphore, #tpu.memory_space<semaphore_mem>>)
      } else {
      }
      %dma_wait3A_116 = arith.constant 0 : i32
      %dma_wait3A_117 = arith.constant 0 : i32
      %dma_wait3A_118 = tpu.memref_slice %arg7[%dma_wait3A_116, %dma_wait3A_117] : memref<40x128xi32, #tpu.memory_space<vmem>> -> memref<1x128xi32, #tpu.memory_space<vmem>>
      %dma_wait3A_119 = tpu.memref_squeeze %dma_wait3A_118 : memref<1x128xi32, #tpu.memory_space<vmem>> -> memref<128xi32, #tpu.memory_space<vmem>>
      %dma_wait3A_120 = arith.constant 0 : i32
      %dma_wait3A_121 = arith.constant 0 : i32
      %dma_wait3A_122 = tpu.memref_slice %arg2[%dma_wait3A_120, %dma_wait3A_121] : memref<10000x128xf32, #tpu.memory_space<hbm>> -> memref<10000x128xf32, #tpu.memory_space<hbm>>
      tpu.wait_indirect_dma semaphore(%arg13 : memref<!tpu.dma_semaphore, #tpu.memory_space<semaphore_mem>>) src(%dma_wait3A_122 : memref<10000x128xf32, #tpu.memory_space<hbm>>) dst(%arg10 : memref<128x128xf32, #tpu.memory_space<vmem>>)
      %add3A_123 = arith.constant 1 : i32
      %add3A_124 = arith.addi %mul3A_99, %add3A_123 : i32
      "tpu.region"() ({
        %run_scoped3A = tpu.sem_alloc : memref<!tpu.dma_semaphore, #tpu.memory_space<semaphore_mem>>
        %dma_start3A_125 = arith.constant 0 : i32
        %dma_start3A_126 = tpu.memref_slice %arg8[%add3A_124, %dma_start3A_125] : memref<40x128xi32, #tpu.memory_space<vmem>> -> memref<1x128xi32, #tpu.memory_space<vmem>>
        %dma_start3A_127 = tpu.memref_squeeze %dma_start3A_126 : memref<1x128xi32, #tpu.memory_space<vmem>> -> memref<128xi32, #tpu.memory_space<vmem>>
        %dma_start3A_128 = arith.constant 0 : i32
        %dma_start3A_129 = arith.constant 0 : i32
        %dma_start3A_130 = tpu.memref_slice %arg11[%dma_start3A_128, %dma_start3A_129] : memref<10240x128xf32, #tpu.memory_space<vmem_shared>> -> memref<10240x128xf32, #tpu.memory_space<vmem_shared>>
        tpu.enqueue_indirect_dma source(%arg10 : memref<128x128xf32, #tpu.memory_space<vmem>>) target(%dma_start3A_130 : memref<10240x128xf32, #tpu.memory_space<vmem_shared>>) offsets(%dma_start3A_127 : memref<128xi32, #tpu.memory_space<vmem>>) semaphore(%run_scoped3A : memref<!tpu.dma_semaphore, #tpu.memory_space<semaphore_mem>>) {add = true}
        %dma_wait3A_131 = arith.constant 0 : i32
        %dma_wait3A_132 = tpu.memref_slice %arg8[%add3A_124, %dma_wait3A_131] : memref<40x128xi32, #tpu.memory_space<vmem>> -> memref<1x128xi32, #tpu.memory_space<vmem>>
        %dma_wait3A_133 = tpu.memref_squeeze %dma_wait3A_132 : memref<1x128xi32, #tpu.memory_space<vmem>> -> memref<128xi32, #tpu.memory_space<vmem>>
        %dma_wait3A_134 = arith.constant 0 : i32
        %dma_wait3A_135 = arith.constant 0 : i32
        %dma_wait3A_136 = tpu.memref_slice %arg11[%dma_wait3A_134, %dma_wait3A_135] : memref<10240x128xf32, #tpu.memory_space<vmem_shared>> -> memref<10240x128xf32, #tpu.memory_space<vmem_shared>>
        tpu.wait_indirect_dma semaphore(%run_scoped3A : memref<!tpu.dma_semaphore, #tpu.memory_space<semaphore_mem>>) src(%arg10 : memref<128x128xf32, #tpu.memory_space<vmem>>) dst(%dma_wait3A_136 : memref<10240x128xf32, #tpu.memory_space<vmem_shared>>)
        tpu.yield
      }) : () -> ()
    }
    %scan3A_39 = arith.constant 20 : i32
    %mul3A_40 = arith.constant 80 : i32
    %mul3A_41 = arith.muli %add3A, %mul3A_40 : i32
    %add3A_42 = arith.constant 40 : i32
    %add3A_43 = arith.addi %mul3A_41, %add3A_42 : i32
    "tpu.region"() ({
      %run_scoped3A = tpu.sem_alloc : memref<!tpu.dma_semaphore, #tpu.memory_space<semaphore_mem>>
      %dma_start3A_97 = arith.constant 0 : i32
      %dma_start3A_98 = tpu.memref_slice %arg3[%add3A_43, %dma_start3A_97] : memref<2560x128xi32, #tpu.memory_space<hbm>> -> memref<40x128xi32, #tpu.memory_space<hbm>>
      %dma_start3A_99 = arith.constant 0 : i32
      %dma_start3A_100 = tpu.memref_slice %arg3[%add3A_43, %dma_start3A_99] : memref<2560x128xi32, #tpu.memory_space<hbm>> -> memref<40x128xi32, #tpu.memory_space<hbm>>
      tpu.enqueue_dma source(%dma_start3A_100 : memref<40x128xi32, #tpu.memory_space<hbm>>) target(%arg7 : memref<40x128xi32, #tpu.memory_space<vmem>>) target_semaphore(%run_scoped3A : memref<!tpu.dma_semaphore, #tpu.memory_space<semaphore_mem>>)
      %dma_wait3A = arith.constant 0 : i32
      %dma_wait3A_101 = tpu.memref_slice %arg3[%add3A_43, %dma_wait3A] : memref<2560x128xi32, #tpu.memory_space<hbm>> -> memref<40x128xi32, #tpu.memory_space<hbm>>
      %dma_wait3A_102 = arith.constant 0 : i32
      %dma_wait3A_103 = tpu.memref_slice %arg3[%add3A_43, %dma_wait3A_102] : memref<2560x128xi32, #tpu.memory_space<hbm>> -> memref<40x128xi32, #tpu.memory_space<hbm>>
      tpu.wait_dma2 semaphore(%run_scoped3A : memref<!tpu.dma_semaphore, #tpu.memory_space<semaphore_mem>>) src(%dma_wait3A_103 : memref<40x128xi32, #tpu.memory_space<hbm>>) dst(%arg7 : memref<40x128xi32, #tpu.memory_space<vmem>>)
      tpu.yield
    }) : () -> ()
    %mul3A_44 = arith.constant 80 : i32
    %mul3A_45 = arith.muli %add3A, %mul3A_44 : i32
    %add3A_46 = arith.constant 40 : i32
    %add3A_47 = arith.addi %mul3A_45, %add3A_46 : i32
    "tpu.region"() ({
      %run_scoped3A = tpu.sem_alloc : memref<!tpu.dma_semaphore, #tpu.memory_space<semaphore_mem>>
      %dma_start3A_97 = arith.constant 0 : i32
      %dma_start3A_98 = tpu.memref_slice %arg4[%add3A_47, %dma_start3A_97] : memref<2560x128xi32, #tpu.memory_space<hbm>> -> memref<40x128xi32, #tpu.memory_space<hbm>>
      %dma_start3A_99 = arith.constant 0 : i32
      %dma_start3A_100 = tpu.memref_slice %arg4[%add3A_47, %dma_start3A_99] : memref<2560x128xi32, #tpu.memory_space<hbm>> -> memref<40x128xi32, #tpu.memory_space<hbm>>
      tpu.enqueue_dma source(%dma_start3A_100 : memref<40x128xi32, #tpu.memory_space<hbm>>) target(%arg8 : memref<40x128xi32, #tpu.memory_space<vmem>>) target_semaphore(%run_scoped3A : memref<!tpu.dma_semaphore, #tpu.memory_space<semaphore_mem>>)
      %dma_wait3A = arith.constant 0 : i32
      %dma_wait3A_101 = tpu.memref_slice %arg4[%add3A_47, %dma_wait3A] : memref<2560x128xi32, #tpu.memory_space<hbm>> -> memref<40x128xi32, #tpu.memory_space<hbm>>
      %dma_wait3A_102 = arith.constant 0 : i32
      %dma_wait3A_103 = tpu.memref_slice %arg4[%add3A_47, %dma_wait3A_102] : memref<2560x128xi32, #tpu.memory_space<hbm>> -> memref<40x128xi32, #tpu.memory_space<hbm>>
      tpu.wait_dma2 semaphore(%run_scoped3A : memref<!tpu.dma_semaphore, #tpu.memory_space<semaphore_mem>>) src(%dma_wait3A_103 : memref<40x128xi32, #tpu.memory_space<hbm>>) dst(%arg8 : memref<40x128xi32, #tpu.memory_space<vmem>>)
      tpu.yield
    }) : () -> ()
    %dma_start3A_48 = arith.constant 0 : i32
    %dma_start3A_49 = arith.constant 0 : i32
    %dma_start3A_50 = tpu.memref_slice %arg7[%dma_start3A_48, %dma_start3A_49] : memref<40x128xi32, #tpu.memory_space<vmem>> -> memref<1x128xi32, #tpu.memory_space<vmem>>
    %dma_start3A_51 = tpu.memref_squeeze %dma_start3A_50 : memref<1x128xi32, #tpu.memory_space<vmem>> -> memref<128xi32, #tpu.memory_space<vmem>>
    %dma_start3A_52 = arith.constant 0 : i32
    %dma_start3A_53 = arith.constant 0 : i32
    %dma_start3A_54 = tpu.memref_slice %arg2[%dma_start3A_52, %dma_start3A_53] : memref<10000x128xf32, #tpu.memory_space<hbm>> -> memref<10000x128xf32, #tpu.memory_space<hbm>>
    tpu.enqueue_indirect_dma source(%dma_start3A_54 : memref<10000x128xf32, #tpu.memory_space<hbm>>) target(%arg9 : memref<128x128xf32, #tpu.memory_space<vmem>>) offsets(%dma_start3A_51 : memref<128xi32, #tpu.memory_space<vmem>>) semaphore(%arg12 : memref<!tpu.dma_semaphore, #tpu.memory_space<semaphore_mem>>)
    %scan3A_55 = arith.constant 0 : i32
    %scan3A_56 = arith.constant 0 : i32
    %scan3A_57 = arith.constant 20 : i32
    %scan3A_58 = arith.addi %scan3A_56, %scan3A_57 : i32
    %scan3A_59 = arith.constant 1 : i32
    scf.for %scan3A_97 = %scan3A_56 to %scan3A_58 step %scan3A_59  : i32 {
      %mul3A_98 = arith.constant 2 : i32
      %mul3A_99 = arith.muli %scan3A_97, %mul3A_98 : i32
      %add3A_100 = arith.constant 1 : i32
      %add3A_101 = arith.addi %mul3A_99, %add3A_100 : i32
      %dma_start3A_102 = arith.constant 0 : i32
      %dma_start3A_103 = tpu.memref_slice %arg7[%add3A_101, %dma_start3A_102] : memref<40x128xi32, #tpu.memory_space<vmem>> -> memref<1x128xi32, #tpu.memory_space<vmem>>
      %dma_start3A_104 = tpu.memref_squeeze %dma_start3A_103 : memref<1x128xi32, #tpu.memory_space<vmem>> -> memref<128xi32, #tpu.memory_space<vmem>>
      %dma_start3A_105 = arith.constant 0 : i32
      %dma_start3A_106 = arith.constant 0 : i32
      %dma_start3A_107 = tpu.memref_slice %arg2[%dma_start3A_105, %dma_start3A_106] : memref<10000x128xf32, #tpu.memory_space<hbm>> -> memref<10000x128xf32, #tpu.memory_space<hbm>>
      tpu.enqueue_indirect_dma source(%dma_start3A_107 : memref<10000x128xf32, #tpu.memory_space<hbm>>) target(%arg10 : memref<128x128xf32, #tpu.memory_space<vmem>>) offsets(%dma_start3A_104 : memref<128xi32, #tpu.memory_space<vmem>>) semaphore(%arg13 : memref<!tpu.dma_semaphore, #tpu.memory_space<semaphore_mem>>)
      %dma_wait3A = arith.constant 0 : i32
      %dma_wait3A_108 = arith.constant 0 : i32
      %dma_wait3A_109 = tpu.memref_slice %arg7[%dma_wait3A, %dma_wait3A_108] : memref<40x128xi32, #tpu.memory_space<vmem>> -> memref<1x128xi32, #tpu.memory_space<vmem>>
      %dma_wait3A_110 = tpu.memref_squeeze %dma_wait3A_109 : memref<1x128xi32, #tpu.memory_space<vmem>> -> memref<128xi32, #tpu.memory_space<vmem>>
      %dma_wait3A_111 = arith.constant 0 : i32
      %dma_wait3A_112 = arith.constant 0 : i32
      %dma_wait3A_113 = tpu.memref_slice %arg2[%dma_wait3A_111, %dma_wait3A_112] : memref<10000x128xf32, #tpu.memory_space<hbm>> -> memref<10000x128xf32, #tpu.memory_space<hbm>>
      tpu.wait_indirect_dma semaphore(%arg12 : memref<!tpu.dma_semaphore, #tpu.memory_space<semaphore_mem>>) src(%dma_wait3A_113 : memref<10000x128xf32, #tpu.memory_space<hbm>>) dst(%arg9 : memref<128x128xf32, #tpu.memory_space<vmem>>)
      "tpu.region"() ({
        %run_scoped3A = tpu.sem_alloc : memref<!tpu.dma_semaphore, #tpu.memory_space<semaphore_mem>>
        %dma_start3A_125 = arith.constant 0 : i32
        %dma_start3A_126 = tpu.memref_slice %arg8[%mul3A_99, %dma_start3A_125] : memref<40x128xi32, #tpu.memory_space<vmem>> -> memref<1x128xi32, #tpu.memory_space<vmem>>
        %dma_start3A_127 = tpu.memref_squeeze %dma_start3A_126 : memref<1x128xi32, #tpu.memory_space<vmem>> -> memref<128xi32, #tpu.memory_space<vmem>>
        %dma_start3A_128 = arith.constant 0 : i32
        %dma_start3A_129 = arith.constant 0 : i32
        %dma_start3A_130 = tpu.memref_slice %arg11[%dma_start3A_128, %dma_start3A_129] : memref<10240x128xf32, #tpu.memory_space<vmem_shared>> -> memref<10240x128xf32, #tpu.memory_space<vmem_shared>>
        tpu.enqueue_indirect_dma source(%arg9 : memref<128x128xf32, #tpu.memory_space<vmem>>) target(%dma_start3A_130 : memref<10240x128xf32, #tpu.memory_space<vmem_shared>>) offsets(%dma_start3A_127 : memref<128xi32, #tpu.memory_space<vmem>>) semaphore(%run_scoped3A : memref<!tpu.dma_semaphore, #tpu.memory_space<semaphore_mem>>) {add = true}
        %dma_wait3A_131 = arith.constant 0 : i32
        %dma_wait3A_132 = tpu.memref_slice %arg8[%mul3A_99, %dma_wait3A_131] : memref<40x128xi32, #tpu.memory_space<vmem>> -> memref<1x128xi32, #tpu.memory_space<vmem>>
        %dma_wait3A_133 = tpu.memref_squeeze %dma_wait3A_132 : memref<1x128xi32, #tpu.memory_space<vmem>> -> memref<128xi32, #tpu.memory_space<vmem>>
        %dma_wait3A_134 = arith.constant 0 : i32
        %dma_wait3A_135 = arith.constant 0 : i32
        %dma_wait3A_136 = tpu.memref_slice %arg11[%dma_wait3A_134, %dma_wait3A_135] : memref<10240x128xf32, #tpu.memory_space<vmem_shared>> -> memref<10240x128xf32, #tpu.memory_space<vmem_shared>>
        tpu.wait_indirect_dma semaphore(%run_scoped3A : memref<!tpu.dma_semaphore, #tpu.memory_space<semaphore_mem>>) src(%arg9 : memref<128x128xf32, #tpu.memory_space<vmem>>) dst(%dma_wait3A_136 : memref<10240x128xf32, #tpu.memory_space<vmem_shared>>)
        tpu.yield
      }) : () -> ()
      %lt3A = arith.constant 19 : i32
      %lt3A_114 = arith.cmpi slt, %scan3A_97, %lt3A : i32
      %convert_element_type3A = arith.extui %lt3A_114 : i1 to i32
      %cond3A = arith.constant 0 : i32
      %cond3A_115 = arith.cmpi ne, %convert_element_type3A, %cond3A : i32
      scf.if %cond3A_115 {
        %add3A_125 = arith.constant 2 : i32
        %add3A_126 = arith.addi %mul3A_99, %add3A_125 : i32
        %dma_start3A_127 = arith.constant 0 : i32
        %dma_start3A_128 = tpu.memref_slice %arg7[%add3A_126, %dma_start3A_127] : memref<40x128xi32, #tpu.memory_space<vmem>> -> memref<1x128xi32, #tpu.memory_space<vmem>>
        %dma_start3A_129 = tpu.memref_squeeze %dma_start3A_128 : memref<1x128xi32, #tpu.memory_space<vmem>> -> memref<128xi32, #tpu.memory_space<vmem>>
        %dma_start3A_130 = arith.constant 0 : i32
        %dma_start3A_131 = arith.constant 0 : i32
        %dma_start3A_132 = tpu.memref_slice %arg2[%dma_start3A_130, %dma_start3A_131] : memref<10000x128xf32, #tpu.memory_space<hbm>> -> memref<10000x128xf32, #tpu.memory_space<hbm>>
        tpu.enqueue_indirect_dma source(%dma_start3A_132 : memref<10000x128xf32, #tpu.memory_space<hbm>>) target(%arg9 : memref<128x128xf32, #tpu.memory_space<vmem>>) offsets(%dma_start3A_129 : memref<128xi32, #tpu.memory_space<vmem>>) semaphore(%arg12 : memref<!tpu.dma_semaphore, #tpu.memory_space<semaphore_mem>>)
      } else {
      }
      %dma_wait3A_116 = arith.constant 0 : i32
      %dma_wait3A_117 = arith.constant 0 : i32
      %dma_wait3A_118 = tpu.memref_slice %arg7[%dma_wait3A_116, %dma_wait3A_117] : memref<40x128xi32, #tpu.memory_space<vmem>> -> memref<1x128xi32, #tpu.memory_space<vmem>>
      %dma_wait3A_119 = tpu.memref_squeeze %dma_wait3A_118 : memref<1x128xi32, #tpu.memory_space<vmem>> -> memref<128xi32, #tpu.memory_space<vmem>>
      %dma_wait3A_120 = arith.constant 0 : i32
      %dma_wait3A_121 = arith.constant 0 : i32
      %dma_wait3A_122 = tpu.memref_slice %arg2[%dma_wait3A_120, %dma_wait3A_121] : memref<10000x128xf32, #tpu.memory_space<hbm>> -> memref<10000x128xf32, #tpu.memory_space<hbm>>
      tpu.wait_indirect_dma semaphore(%arg13 : memref<!tpu.dma_semaphore, #tpu.memory_space<semaphore_mem>>) src(%dma_wait3A_122 : memref<10000x128xf32, #tpu.memory_space<hbm>>) dst(%arg10 : memref<128x128xf32, #tpu.memory_space<vmem>>)
      %add3A_123 = arith.constant 1 : i32
      %add3A_124 = arith.addi %mul3A_99, %add3A_123 : i32
      "tpu.region"() ({
        %run_scoped3A = tpu.sem_alloc : memref<!tpu.dma_semaphore, #tpu.memory_space<semaphore_mem>>
        %dma_start3A_125 = arith.constant 0 : i32
        %dma_start3A_126 = tpu.memref_slice %arg8[%add3A_124, %dma_start3A_125] : memref<40x128xi32, #tpu.memory_space<vmem>> -> memref<1x128xi32, #tpu.memory_space<vmem>>
        %dma_start3A_127 = tpu.memref_squeeze %dma_start3A_126 : memref<1x128xi32, #tpu.memory_space<vmem>> -> memref<128xi32, #tpu.memory_space<vmem>>
        %dma_start3A_128 = arith.constant 0 : i32
        %dma_start3A_129 = arith.constant 0 : i32
        %dma_start3A_130 = tpu.memref_slice %arg11[%dma_start3A_128, %dma_start3A_129] : memref<10240x128xf32, #tpu.memory_space<vmem_shared>> -> memref<10240x128xf32, #tpu.memory_space<vmem_shared>>
        tpu.enqueue_indirect_dma source(%arg10 : memref<128x128xf32, #tpu.memory_space<vmem>>) target(%dma_start3A_130 : memref<10240x128xf32, #tpu.memory_space<vmem_shared>>) offsets(%dma_start3A_127 : memref<128xi32, #tpu.memory_space<vmem>>) semaphore(%run_scoped3A : memref<!tpu.dma_semaphore, #tpu.memory_space<semaphore_mem>>) {add = true}
        %dma_wait3A_131 = arith.constant 0 : i32
        %dma_wait3A_132 = tpu.memref_slice %arg8[%add3A_124, %dma_wait3A_131] : memref<40x128xi32, #tpu.memory_space<vmem>> -> memref<1x128xi32, #tpu.memory_space<vmem>>
        %dma_wait3A_133 = tpu.memref_squeeze %dma_wait3A_132 : memref<1x128xi32, #tpu.memory_space<vmem>> -> memref<128xi32, #tpu.memory_space<vmem>>
        %dma_wait3A_134 = arith.constant 0 : i32
        %dma_wait3A_135 = arith.constant 0 : i32
        %dma_wait3A_136 = tpu.memref_slice %arg11[%dma_wait3A_134, %dma_wait3A_135] : memref<10240x128xf32, #tpu.memory_space<vmem_shared>> -> memref<10240x128xf32, #tpu.memory_space<vmem_shared>>
        tpu.wait_indirect_dma semaphore(%run_scoped3A : memref<!tpu.dma_semaphore, #tpu.memory_space<semaphore_mem>>) src(%arg10 : memref<128x128xf32, #tpu.memory_space<vmem>>) dst(%dma_wait3A_136 : memref<10240x128xf32, #tpu.memory_space<vmem_shared>>)
        tpu.yield
      }) : () -> ()
    }
    %scan3A_60 = arith.constant 20 : i32
    %barrier3A_61 = arith.constant 0 : index
    tpu.barrier barrier_id(%barrier3A_61)
    %mul3A_62 = arith.constant 640 : i32
    %mul3A_63 = arith.muli %arg1, %mul3A_62 : i32
    %add3A_64 = arith.constant 0 : i32
    %add3A_65 = arith.addi %mul3A_63, %add3A_64 : i32
    "tpu.region"() ({
      %run_scoped3A = tpu.sem_alloc : memref<!tpu.dma_semaphore, #tpu.memory_space<semaphore_mem>>
      %dma_start3A_97 = arith.constant 0 : i32
      %dma_start3A_98 = tpu.memref_slice %arg11[%add3A_65, %dma_start3A_97] : memref<10240x128xf32, #tpu.memory_space<vmem_shared>> -> memref<128x128xf32, #tpu.memory_space<vmem_shared>>
      %dma_start3A_99 = arith.constant 0 : i32
      %dma_start3A_100 = tpu.memref_slice %arg11[%add3A_65, %dma_start3A_99] : memref<10240x128xf32, #tpu.memory_space<vmem_shared>> -> memref<128x128xf32, #tpu.memory_space<vmem_shared>>
      tpu.enqueue_dma source(%dma_start3A_100 : memref<128x128xf32, #tpu.memory_space<vmem_shared>>) target(%arg9 : memref<128x128xf32, #tpu.memory_space<vmem>>) target_semaphore(%run_scoped3A : memref<!tpu.dma_semaphore, #tpu.memory_space<semaphore_mem>>)
      %dma_wait3A = arith.constant 0 : i32
      %dma_wait3A_101 = tpu.memref_slice %arg11[%add3A_65, %dma_wait3A] : memref<10240x128xf32, #tpu.memory_space<vmem_shared>> -> memref<128x128xf32, #tpu.memory_space<vmem_shared>>
      %dma_wait3A_102 = arith.constant 0 : i32
      %dma_wait3A_103 = tpu.memref_slice %arg11[%add3A_65, %dma_wait3A_102] : memref<10240x128xf32, #tpu.memory_space<vmem_shared>> -> memref<128x128xf32, #tpu.memory_space<vmem_shared>>
      tpu.wait_dma2 semaphore(%run_scoped3A : memref<!tpu.dma_semaphore, #tpu.memory_space<semaphore_mem>>) src(%dma_wait3A_103 : memref<128x128xf32, #tpu.memory_space<vmem_shared>>) dst(%arg9 : memref<128x128xf32, #tpu.memory_space<vmem>>)
      tpu.yield
    }) : () -> ()
    %mul3A_66 = arith.constant 10240 : i32
    %mul3A_67 = arith.muli %arg0, %mul3A_66 : i32
    %add3A_68 = arith.addi %mul3A_67, %add3A_65 : i32
    "tpu.region"() ({
      %run_scoped3A = tpu.sem_alloc : memref<!tpu.dma_semaphore, #tpu.memory_space<semaphore_mem>>
      %dma_start3A_97 = arith.constant 0 : i32
      %dma_start3A_98 = tpu.memref_slice %arg6[%add3A_68, %dma_start3A_97] : memref<20480x128xf32, #tpu.memory_space<hbm>> -> memref<128x128xf32, #tpu.memory_space<hbm>>
      %dma_start3A_99 = arith.constant 0 : i32
      %dma_start3A_100 = tpu.memref_slice %arg6[%add3A_68, %dma_start3A_99] : memref<20480x128xf32, #tpu.memory_space<hbm>> -> memref<128x128xf32, #tpu.memory_space<hbm>>
      tpu.enqueue_dma source(%arg9 : memref<128x128xf32, #tpu.memory_space<vmem>>) target(%dma_start3A_100 : memref<128x128xf32, #tpu.memory_space<hbm>>) target_semaphore(%run_scoped3A : memref<!tpu.dma_semaphore, #tpu.memory_space<semaphore_mem>>)
      %dma_wait3A = arith.constant 0 : i32
      %dma_wait3A_101 = tpu.memref_slice %arg6[%add3A_68, %dma_wait3A] : memref<20480x128xf32, #tpu.memory_space<hbm>> -> memref<128x128xf32, #tpu.memory_space<hbm>>
      %dma_wait3A_102 = arith.constant 0 : i32
      %dma_wait3A_103 = tpu.memref_slice %arg6[%add3A_68, %dma_wait3A_102] : memref<20480x128xf32, #tpu.memory_space<hbm>> -> memref<128x128xf32, #tpu.memory_space<hbm>>
      tpu.wait_dma2 semaphore(%run_scoped3A : memref<!tpu.dma_semaphore, #tpu.memory_space<semaphore_mem>>) src(%arg9 : memref<128x128xf32, #tpu.memory_space<vmem>>) dst(%dma_wait3A_103 : memref<128x128xf32, #tpu.memory_space<hbm>>)
      tpu.yield
    }) : () -> ()
    %mul3A_69 = arith.constant 640 : i32
    %mul3A_70 = arith.muli %arg1, %mul3A_69 : i32
    %add3A_71 = arith.constant 128 : i32
    %add3A_72 = arith.addi %mul3A_70, %add3A_71 : i32
    "tpu.region"() ({
      %run_scoped3A = tpu.sem_alloc : memref<!tpu.dma_semaphore, #tpu.memory_space<semaphore_mem>>
      %dma_start3A_97 = arith.constant 0 : i32
      %dma_start3A_98 = tpu.memref_slice %arg11[%add3A_72, %dma_start3A_97] : memref<10240x128xf32, #tpu.memory_space<vmem_shared>> -> memref<128x128xf32, #tpu.memory_space<vmem_shared>>
      %dma_start3A_99 = arith.constant 0 : i32
      %dma_start3A_100 = tpu.memref_slice %arg11[%add3A_72, %dma_start3A_99] : memref<10240x128xf32, #tpu.memory_space<vmem_shared>> -> memref<128x128xf32, #tpu.memory_space<vmem_shared>>
      tpu.enqueue_dma source(%dma_start3A_100 : memref<128x128xf32, #tpu.memory_space<vmem_shared>>) target(%arg9 : memref<128x128xf32, #tpu.memory_space<vmem>>) target_semaphore(%run_scoped3A : memref<!tpu.dma_semaphore, #tpu.memory_space<semaphore_mem>>)
      %dma_wait3A = arith.constant 0 : i32
      %dma_wait3A_101 = tpu.memref_slice %arg11[%add3A_72, %dma_wait3A] : memref<10240x128xf32, #tpu.memory_space<vmem_shared>> -> memref<128x128xf32, #tpu.memory_space<vmem_shared>>
      %dma_wait3A_102 = arith.constant 0 : i32
      %dma_wait3A_103 = tpu.memref_slice %arg11[%add3A_72, %dma_wait3A_102] : memref<10240x128xf32, #tpu.memory_space<vmem_shared>> -> memref<128x128xf32, #tpu.memory_space<vmem_shared>>
      tpu.wait_dma2 semaphore(%run_scoped3A : memref<!tpu.dma_semaphore, #tpu.memory_space<semaphore_mem>>) src(%dma_wait3A_103 : memref<128x128xf32, #tpu.memory_space<vmem_shared>>) dst(%arg9 : memref<128x128xf32, #tpu.memory_space<vmem>>)
      tpu.yield
    }) : () -> ()
    %mul3A_73 = arith.constant 10240 : i32
    %mul3A_74 = arith.muli %arg0, %mul3A_73 : i32
    %add3A_75 = arith.addi %mul3A_74, %add3A_72 : i32
    "tpu.region"() ({
      %run_scoped3A = tpu.sem_alloc : memref<!tpu.dma_semaphore, #tpu.memory_space<semaphore_mem>>
      %dma_start3A_97 = arith.constant 0 : i32
      %dma_start3A_98 = tpu.memref_slice %arg6[%add3A_75, %dma_start3A_97] : memref<20480x128xf32, #tpu.memory_space<hbm>> -> memref<128x128xf32, #tpu.memory_space<hbm>>
      %dma_start3A_99 = arith.constant 0 : i32
      %dma_start3A_100 = tpu.memref_slice %arg6[%add3A_75, %dma_start3A_99] : memref<20480x128xf32, #tpu.memory_space<hbm>> -> memref<128x128xf32, #tpu.memory_space<hbm>>
      tpu.enqueue_dma source(%arg9 : memref<128x128xf32, #tpu.memory_space<vmem>>) target(%dma_start3A_100 : memref<128x128xf32, #tpu.memory_space<hbm>>) target_semaphore(%run_scoped3A : memref<!tpu.dma_semaphore, #tpu.memory_space<semaphore_mem>>)
      %dma_wait3A = arith.constant 0 : i32
      %dma_wait3A_101 = tpu.memref_slice %arg6[%add3A_75, %dma_wait3A] : memref<20480x128xf32, #tpu.memory_space<hbm>> -> memref<128x128xf32, #tpu.memory_space<hbm>>
      %dma_wait3A_102 = arith.constant 0 : i32
      %dma_wait3A_103 = tpu.memref_slice %arg6[%add3A_75, %dma_wait3A_102] : memref<20480x128xf32, #tpu.memory_space<hbm>> -> memref<128x128xf32, #tpu.memory_space<hbm>>
      tpu.wait_dma2 semaphore(%run_scoped3A : memref<!tpu.dma_semaphore, #tpu.memory_space<semaphore_mem>>) src(%arg9 : memref<128x128xf32, #tpu.memory_space<vmem>>) dst(%dma_wait3A_103 : memref<128x128xf32, #tpu.memory_space<hbm>>)
      tpu.yield
    }) : () -> ()
    %mul3A_76 = arith.constant 640 : i32
    %mul3A_77 = arith.muli %arg1, %mul3A_76 : i32
    %add3A_78 = arith.constant 256 : i32
    %add3A_79 = arith.addi %mul3A_77, %add3A_78 : i32
    "tpu.region"() ({
      %run_scoped3A = tpu.sem_alloc : memref<!tpu.dma_semaphore, #tpu.memory_space<semaphore_mem>>
      %dma_start3A_97 = arith.constant 0 : i32
      %dma_start3A_98 = tpu.memref_slice %arg11[%add3A_79, %dma_start3A_97] : memref<10240x128xf32, #tpu.memory_space<vmem_shared>> -> memref<128x128xf32, #tpu.memory_space<vmem_shared>>
      %dma_start3A_99 = arith.constant 0 : i32
      %dma_start3A_100 = tpu.memref_slice %arg11[%add3A_79, %dma_start3A_99] : memref<10240x128xf32, #tpu.memory_space<vmem_shared>> -> memref<128x128xf32, #tpu.memory_space<vmem_shared>>
      tpu.enqueue_dma source(%dma_start3A_100 : memref<128x128xf32, #tpu.memory_space<vmem_shared>>) target(%arg9 : memref<128x128xf32, #tpu.memory_space<vmem>>) target_semaphore(%run_scoped3A : memref<!tpu.dma_semaphore, #tpu.memory_space<semaphore_mem>>)
      %dma_wait3A = arith.constant 0 : i32
      %dma_wait3A_101 = tpu.memref_slice %arg11[%add3A_79, %dma_wait3A] : memref<10240x128xf32, #tpu.memory_space<vmem_shared>> -> memref<128x128xf32, #tpu.memory_space<vmem_shared>>
      %dma_wait3A_102 = arith.constant 0 : i32
      %dma_wait3A_103 = tpu.memref_slice %arg11[%add3A_79, %dma_wait3A_102] : memref<10240x128xf32, #tpu.memory_space<vmem_shared>> -> memref<128x128xf32, #tpu.memory_space<vmem_shared>>
      tpu.wait_dma2 semaphore(%run_scoped3A : memref<!tpu.dma_semaphore, #tpu.memory_space<semaphore_mem>>) src(%dma_wait3A_103 : memref<128x128xf32, #tpu.memory_space<vmem_shared>>) dst(%arg9 : memref<128x128xf32, #tpu.memory_space<vmem>>)
      tpu.yield
    }) : () -> ()
    %mul3A_80 = arith.constant 10240 : i32
    %mul3A_81 = arith.muli %arg0, %mul3A_80 : i32
    %add3A_82 = arith.addi %mul3A_81, %add3A_79 : i32
    "tpu.region"() ({
      %run_scoped3A = tpu.sem_alloc : memref<!tpu.dma_semaphore, #tpu.memory_space<semaphore_mem>>
      %dma_start3A_97 = arith.constant 0 : i32
      %dma_start3A_98 = tpu.memref_slice %arg6[%add3A_82, %dma_start3A_97] : memref<20480x128xf32, #tpu.memory_space<hbm>> -> memref<128x128xf32, #tpu.memory_space<hbm>>
      %dma_start3A_99 = arith.constant 0 : i32
      %dma_start3A_100 = tpu.memref_slice %arg6[%add3A_82, %dma_start3A_99] : memref<20480x128xf32, #tpu.memory_space<hbm>> -> memref<128x128xf32, #tpu.memory_space<hbm>>
      tpu.enqueue_dma source(%arg9 : memref<128x128xf32, #tpu.memory_space<vmem>>) target(%dma_start3A_100 : memref<128x128xf32, #tpu.memory_space<hbm>>) target_semaphore(%run_scoped3A : memref<!tpu.dma_semaphore, #tpu.memory_space<semaphore_mem>>)
      %dma_wait3A = arith.constant 0 : i32
      %dma_wait3A_101 = tpu.memref_slice %arg6[%add3A_82, %dma_wait3A] : memref<20480x128xf32, #tpu.memory_space<hbm>> -> memref<128x128xf32, #tpu.memory_space<hbm>>
      %dma_wait3A_102 = arith.constant 0 : i32
      %dma_wait3A_103 = tpu.memref_slice %arg6[%add3A_82, %dma_wait3A_102] : memref<20480x128xf32, #tpu.memory_space<hbm>> -> memref<128x128xf32, #tpu.memory_space<hbm>>
      tpu.wait_dma2 semaphore(%run_scoped3A : memref<!tpu.dma_semaphore, #tpu.memory_space<semaphore_mem>>) src(%arg9 : memref<128x128xf32, #tpu.memory_space<vmem>>) dst(%dma_wait3A_103 : memref<128x128xf32, #tpu.memory_space<hbm>>)
      tpu.yield
    }) : () -> ()
    %mul3A_83 = arith.constant 640 : i32
    %mul3A_84 = arith.muli %arg1, %mul3A_83 : i32
    %add3A_85 = arith.constant 384 : i32
    %add3A_86 = arith.addi %mul3A_84, %add3A_85 : i32
    "tpu.region"() ({
      %run_scoped3A = tpu.sem_alloc : memref<!tpu.dma_semaphore, #tpu.memory_space<semaphore_mem>>
      %dma_start3A_97 = arith.constant 0 : i32
      %dma_start3A_98 = tpu.memref_slice %arg11[%add3A_86, %dma_start3A_97] : memref<10240x128xf32, #tpu.memory_space<vmem_shared>> -> memref<128x128xf32, #tpu.memory_space<vmem_shared>>
      %dma_start3A_99 = arith.constant 0 : i32
      %dma_start3A_100 = tpu.memref_slice %arg11[%add3A_86, %dma_start3A_99] : memref<10240x128xf32, #tpu.memory_space<vmem_shared>> -> memref<128x128xf32, #tpu.memory_space<vmem_shared>>
      tpu.enqueue_dma source(%dma_start3A_100 : memref<128x128xf32, #tpu.memory_space<vmem_shared>>) target(%arg9 : memref<128x128xf32, #tpu.memory_space<vmem>>) target_semaphore(%run_scoped3A : memref<!tpu.dma_semaphore, #tpu.memory_space<semaphore_mem>>)
      %dma_wait3A = arith.constant 0 : i32
      %dma_wait3A_101 = tpu.memref_slice %arg11[%add3A_86, %dma_wait3A] : memref<10240x128xf32, #tpu.memory_space<vmem_shared>> -> memref<128x128xf32, #tpu.memory_space<vmem_shared>>
      %dma_wait3A_102 = arith.constant 0 : i32
      %dma_wait3A_103 = tpu.memref_slice %arg11[%add3A_86, %dma_wait3A_102] : memref<10240x128xf32, #tpu.memory_space<vmem_shared>> -> memref<128x128xf32, #tpu.memory_space<vmem_shared>>
      tpu.wait_dma2 semaphore(%run_scoped3A : memref<!tpu.dma_semaphore, #tpu.memory_space<semaphore_mem>>) src(%dma_wait3A_103 : memref<128x128xf32, #tpu.memory_space<vmem_shared>>) dst(%arg9 : memref<128x128xf32, #tpu.memory_space<vmem>>)
      tpu.yield
    }) : () -> ()
    %mul3A_87 = arith.constant 10240 : i32
    %mul3A_88 = arith.muli %arg0, %mul3A_87 : i32
    %add3A_89 = arith.addi %mul3A_88, %add3A_86 : i32
    "tpu.region"() ({
      %run_scoped3A = tpu.sem_alloc : memref<!tpu.dma_semaphore, #tpu.memory_space<semaphore_mem>>
      %dma_start3A_97 = arith.constant 0 : i32
      %dma_start3A_98 = tpu.memref_slice %arg6[%add3A_89, %dma_start3A_97] : memref<20480x128xf32, #tpu.memory_space<hbm>> -> memref<128x128xf32, #tpu.memory_space<hbm>>
      %dma_start3A_99 = arith.constant 0 : i32
      %dma_start3A_100 = tpu.memref_slice %arg6[%add3A_89, %dma_start3A_99] : memref<20480x128xf32, #tpu.memory_space<hbm>> -> memref<128x128xf32, #tpu.memory_space<hbm>>
      tpu.enqueue_dma source(%arg9 : memref<128x128xf32, #tpu.memory_space<vmem>>) target(%dma_start3A_100 : memref<128x128xf32, #tpu.memory_space<hbm>>) target_semaphore(%run_scoped3A : memref<!tpu.dma_semaphore, #tpu.memory_space<semaphore_mem>>)
      %dma_wait3A = arith.constant 0 : i32
      %dma_wait3A_101 = tpu.memref_slice %arg6[%add3A_89, %dma_wait3A] : memref<20480x128xf32, #tpu.memory_space<hbm>> -> memref<128x128xf32, #tpu.memory_space<hbm>>
      %dma_wait3A_102 = arith.constant 0 : i32
      %dma_wait3A_103 = tpu.memref_slice %arg6[%add3A_89, %dma_wait3A_102] : memref<20480x128xf32, #tpu.memory_space<hbm>> -> memref<128x128xf32, #tpu.memory_space<hbm>>
      tpu.wait_dma2 semaphore(%run_scoped3A : memref<!tpu.dma_semaphore, #tpu.memory_space<semaphore_mem>>) src(%arg9 : memref<128x128xf32, #tpu.memory_space<vmem>>) dst(%dma_wait3A_103 : memref<128x128xf32, #tpu.memory_space<hbm>>)
      tpu.yield
    }) : () -> ()
    %mul3A_90 = arith.constant 640 : i32
    %mul3A_91 = arith.muli %arg1, %mul3A_90 : i32
    %add3A_92 = arith.constant 512 : i32
    %add3A_93 = arith.addi %mul3A_91, %add3A_92 : i32
    "tpu.region"() ({
      %run_scoped3A = tpu.sem_alloc : memref<!tpu.dma_semaphore, #tpu.memory_space<semaphore_mem>>
      %dma_start3A_97 = arith.constant 0 : i32
      %dma_start3A_98 = tpu.memref_slice %arg11[%add3A_93, %dma_start3A_97] : memref<10240x128xf32, #tpu.memory_space<vmem_shared>> -> memref<128x128xf32, #tpu.memory_space<vmem_shared>>
      %dma_start3A_99 = arith.constant 0 : i32
      %dma_start3A_100 = tpu.memref_slice %arg11[%add3A_93, %dma_start3A_99] : memref<10240x128xf32, #tpu.memory_space<vmem_shared>> -> memref<128x128xf32, #tpu.memory_space<vmem_shared>>
      tpu.enqueue_dma source(%dma_start3A_100 : memref<128x128xf32, #tpu.memory_space<vmem_shared>>) target(%arg9 : memref<128x128xf32, #tpu.memory_space<vmem>>) target_semaphore(%run_scoped3A : memref<!tpu.dma_semaphore, #tpu.memory_space<semaphore_mem>>)
      %dma_wait3A = arith.constant 0 : i32
      %dma_wait3A_101 = tpu.memref_slice %arg11[%add3A_93, %dma_wait3A] : memref<10240x128xf32, #tpu.memory_space<vmem_shared>> -> memref<128x128xf32, #tpu.memory_space<vmem_shared>>
      %dma_wait3A_102 = arith.constant 0 : i32
      %dma_wait3A_103 = tpu.memref_slice %arg11[%add3A_93, %dma_wait3A_102] : memref<10240x128xf32, #tpu.memory_space<vmem_shared>> -> memref<128x128xf32, #tpu.memory_space<vmem_shared>>
      tpu.wait_dma2 semaphore(%run_scoped3A : memref<!tpu.dma_semaphore, #tpu.memory_space<semaphore_mem>>) src(%dma_wait3A_103 : memref<128x128xf32, #tpu.memory_space<vmem_shared>>) dst(%arg9 : memref<128x128xf32, #tpu.memory_space<vmem>>)
      tpu.yield
    }) : () -> ()
    %mul3A_94 = arith.constant 10240 : i32
    %mul3A_95 = arith.muli %arg0, %mul3A_94 : i32
    %add3A_96 = arith.addi %mul3A_95, %add3A_93 : i32
    "tpu.region"() ({
      %run_scoped3A = tpu.sem_alloc : memref<!tpu.dma_semaphore, #tpu.memory_space<semaphore_mem>>
      %dma_start3A_97 = arith.constant 0 : i32
      %dma_start3A_98 = tpu.memref_slice %arg6[%add3A_96, %dma_start3A_97] : memref<20480x128xf32, #tpu.memory_space<hbm>> -> memref<128x128xf32, #tpu.memory_space<hbm>>
      %dma_start3A_99 = arith.constant 0 : i32
      %dma_start3A_100 = tpu.memref_slice %arg6[%add3A_96, %dma_start3A_99] : memref<20480x128xf32, #tpu.memory_space<hbm>> -> memref<128x128xf32, #tpu.memory_space<hbm>>
      tpu.enqueue_dma source(%arg9 : memref<128x128xf32, #tpu.memory_space<vmem>>) target(%dma_start3A_100 : memref<128x128xf32, #tpu.memory_space<hbm>>) target_semaphore(%run_scoped3A : memref<!tpu.dma_semaphore, #tpu.memory_space<semaphore_mem>>)
      %dma_wait3A = arith.constant 0 : i32
      %dma_wait3A_101 = tpu.memref_slice %arg6[%add3A_96, %dma_wait3A] : memref<20480x128xf32, #tpu.memory_space<hbm>> -> memref<128x128xf32, #tpu.memory_space<hbm>>
      %dma_wait3A_102 = arith.constant 0 : i32
      %dma_wait3A_103 = tpu.memref_slice %arg6[%add3A_96, %dma_wait3A_102] : memref<20480x128xf32, #tpu.memory_space<hbm>> -> memref<128x128xf32, #tpu.memory_space<hbm>>
      tpu.wait_dma2 semaphore(%run_scoped3A : memref<!tpu.dma_semaphore, #tpu.memory_space<semaphore_mem>>) src(%arg9 : memref<128x128xf32, #tpu.memory_space<vmem>>) dst(%dma_wait3A_103 : memref<128x128xf32, #tpu.memory_space<hbm>>)
      tpu.yield
    }) : () -> ()
    return
  }
}

module attributes {stable_mosaic.version = 14 : i64} {
  func.func @_tc1_body(%arg0: i32, %arg1: memref<2x1000x128xf32, #tpu.memory_space<vmem>>, %arg2: memref<1000x128xf32, #tpu.memory_space<vmem>>, %arg3: memref<128x128xf32, #tpu.memory_space<vmem>>, %arg4: memref<1000x128xf32, #tpu.memory_space<vmem>>, %arg5: memref<1000x16xf32, #tpu.memory_space<vmem>>) attributes {dimension_semantics = [#tpu.dimension_semantics<arbitrary>], iteration_bounds = array<i64: 10>, scalar_prefetch = 0 : i64, scratch_operands = 0 : i64, tpu.core_type = #tpu.core_type<tc>, window_params = [{transform_indices = @transform_0, window_bounds = array<i64: 2, 1000, 128>}, {transform_indices = @transform_1, window_bounds = array<i64: 1000, 128>}, {pipeline_mode = #tpu.pipeline_mode<synchronous>, transform_indices = @transform_2, window_bounds = array<i64: 128, 128>}, {transform_indices = @transform_3, window_bounds = array<i64: 1000, 128>}, {transform_indices = @transform_4, window_bounds = array<i64: 1000, 16>}]} {
    %get3A = arith.constant 0 : index
    %get3A_0 = arith.constant 0 : index
    %get3A_1 = arith.constant 0 : index
    %get3A_2 = vector.load %arg1[%get3A, %get3A_0, %get3A_1] : memref<2x1000x128xf32, #tpu.memory_space<vmem>>, vector<1x1000x128xf32>
    %get3A_3 = vector.shape_cast %get3A_2 : vector<1x1000x128xf32> to vector<1000x128xf32>
    %slice3A = vector.extract_strided_slice %get3A_3 {offsets = [0, 0], sizes = [1000, 1], strides = [1, 1]} : vector<1000x128xf32> to vector<1000x1xf32>
    %add3A = arith.constant 1.000000e+00 : f32
    %add3A_4 = vector.broadcast %add3A : f32 to vector<1000x1xf32>
    %add3A_5 = arith.addf %add3A_4, %slice3A : vector<1000x1xf32>
    %get3A_6 = arith.constant 1 : index
    %get3A_7 = arith.constant 0 : index
    %get3A_8 = arith.constant 0 : index
    %get3A_9 = vector.load %arg1[%get3A_6, %get3A_7, %get3A_8] : memref<2x1000x128xf32, #tpu.memory_space<vmem>>, vector<1x1000x128xf32>
    %get3A_10 = vector.shape_cast %get3A_9 : vector<1x1000x128xf32> to vector<1000x128xf32>
    %slice3A_11 = vector.extract_strided_slice %get3A_10 {offsets = [0, 0], sizes = [1000, 1], strides = [1, 1]} : vector<1000x128xf32> to vector<1000x1xf32>
    %add3A_12 = arith.addf %add3A_5, %slice3A_11 : vector<1000x1xf32>
    %rsqrt3A = math.rsqrt %add3A_12 : vector<1000x1xf32>
    %get3A_13 = arith.constant 0 : index
    %get3A_14 = arith.constant 0 : index
    %get3A_15 = vector.load %arg2[%get3A_13, %get3A_14] : memref<1000x128xf32, #tpu.memory_space<vmem>>, vector<1000x128xf32>
    %get3A_16 = arith.constant 0 : index
    %get3A_17 = arith.constant 0 : index
    %get3A_18 = vector.load %arg3[%get3A_16, %get3A_17] : memref<128x128xf32, #tpu.memory_space<vmem>>, vector<128x128xf32>
    %dot_general3A = arith.constant dense<0.000000e+00> : vector<1000x128xf32>
    %dot_general3A_19 = tpu.matmul %get3A_15, %get3A_18, %dot_general3A {dimension_numbers = #tpu.dot_dimension_numbers<[1], [0], [0], [1], [0, 0, 1, 1], [], []>, transpose_lhs_hint = false} : vector<1000x128xf32>, vector<128x128xf32>, vector<1000x128xf32> -> vector<1000x128xf32>
    %mul3A = vector.broadcast %rsqrt3A : vector<1000x1xf32> to vector<1000x128xf32>
    %mul3A_20 = arith.mulf %dot_general3A_19, %mul3A : vector<1000x128xf32>
    %swap3A = arith.constant 0 : index
    %swap3A_21 = arith.constant 0 : index
    %swap3A_22 = vector.load %arg4[%swap3A, %swap3A_21] : memref<1000x128xf32, #tpu.memory_space<vmem>>, vector<1000x128xf32>
    tpu.vector_store %arg4[%swap3A, %swap3A_21], %mul3A_20 {strides = array<i32>} : memref<1000x128xf32, #tpu.memory_space<vmem>>, vector<1000x128xf32>,
    %broadcast_in_dim3A = vector.shape_cast %rsqrt3A : vector<1000x1xf32> to vector<1000x1xf32>
    %broadcast_in_dim3A_23 = vector.broadcast %broadcast_in_dim3A : vector<1000x1xf32> to vector<1000x16xf32>
    %swap3A_24 = arith.constant 0 : index
    %swap3A_25 = arith.constant 0 : index
    %swap3A_26 = vector.load %arg5[%swap3A_24, %swap3A_25] : memref<1000x16xf32, #tpu.memory_space<vmem>>, vector<1000x16xf32>
    tpu.vector_store %arg5[%swap3A_24, %swap3A_25], %broadcast_in_dim3A_23 {strides = array<i32>} : memref<1000x16xf32, #tpu.memory_space<vmem>>, vector<1000x16xf32>,
    return
  }
  func.func @transform_0(%arg0: i32) -> (i32, i32, i32) {
    %c0_i32 = arith.constant 0 : i32
    %c0_i32_0 = arith.constant 0 : i32
    %c0_i32_1 = arith.constant 0 : i32
    return %c0_i32, %arg0, %c0_i32_0 : i32, i32, i32
  }
  func.func @transform_1(%arg0: i32) -> (i32, i32) {
    %c0_i32 = arith.constant 0 : i32
    %c0_i32_0 = arith.constant 0 : i32
    return %arg0, %c0_i32 : i32, i32
  }
  func.func @transform_2(%arg0: i32) -> (i32, i32) {
    %c0_i32 = arith.constant 0 : i32
    %c0_i32_0 = arith.constant 0 : i32
    %c0_i32_1 = arith.constant 0 : i32
    return %c0_i32, %c0_i32_0 : i32, i32
  }
  func.func @transform_3(%arg0: i32) -> (i32, i32) {
    %c0_i32 = arith.constant 0 : i32
    %c0_i32_0 = arith.constant 0 : i32
    return %arg0, %c0_i32 : i32, i32
  }
  func.func @transform_4(%arg0: i32) -> (i32, i32) {
    %c0_i32 = arith.constant 0 : i32
    %c0_i32_0 = arith.constant 0 : i32
    return %arg0, %c0_i32 : i32, i32
  }
}

module attributes {stable_mosaic.version = 14 : i64} {
  func.func @_tc2_body(%arg0: i32, %arg1: memref<2x1000x128xf32, #tpu.memory_space<vmem>>, %arg2: memref<1000x128xf32, #tpu.memory_space<vmem>>, %arg3: memref<1000x16xf32, #tpu.memory_space<vmem>>, %arg4: memref<1x128xf32, #tpu.memory_space<vmem>>, %arg5: memref<128x128xf32, #tpu.memory_space<vmem>>, %arg6: memref<1000x128xf32, #tpu.memory_space<vmem>>) attributes {dimension_semantics = [#tpu.dimension_semantics<arbitrary>], iteration_bounds = array<i64: 10>, scalar_prefetch = 0 : i64, scratch_operands = 0 : i64, tpu.core_type = #tpu.core_type<tc>, window_params = [{transform_indices = @transform_0, window_bounds = array<i64: 2, 1000, 128>}, {transform_indices = @transform_1, window_bounds = array<i64: 1000, 128>}, {transform_indices = @transform_2, window_bounds = array<i64: 1000, 16>}, {pipeline_mode = #tpu.pipeline_mode<synchronous>, transform_indices = @transform_3, window_bounds = array<i64: 1, 128>}, {pipeline_mode = #tpu.pipeline_mode<synchronous>, transform_indices = @transform_4, window_bounds = array<i64: 128, 128>}, {transform_indices = @transform_5, window_bounds = array<i64: 1000, 128>}]} {
    %get3A = arith.constant 0 : index
    %get3A_0 = arith.constant 0 : index
    %get3A_1 = vector.load %arg3[%get3A, %get3A_0] : memref<1000x16xf32, #tpu.memory_space<vmem>>, vector<1000x16xf32>
    %slice3A = vector.extract_strided_slice %get3A_1 {offsets = [0, 0], sizes = [1000, 1], strides = [1, 1]} : vector<1000x16xf32> to vector<1000x1xf32>
    %get3A_2 = arith.constant 0 : index
    %get3A_3 = arith.constant 0 : index
    %get3A_4 = arith.constant 0 : index
    %get3A_5 = vector.load %arg1[%get3A_2, %get3A_3, %get3A_4] : memref<2x1000x128xf32, #tpu.memory_space<vmem>>, vector<1x1000x128xf32>
    %get3A_6 = vector.shape_cast %get3A_5 : vector<1x1000x128xf32> to vector<1000x128xf32>
    %get3A_7 = arith.constant 1 : index
    %get3A_8 = arith.constant 0 : index
    %get3A_9 = arith.constant 0 : index
    %get3A_10 = vector.load %arg1[%get3A_7, %get3A_8, %get3A_9] : memref<2x1000x128xf32, #tpu.memory_space<vmem>>, vector<1x1000x128xf32>
    %get3A_11 = vector.shape_cast %get3A_10 : vector<1x1000x128xf32> to vector<1000x128xf32>
    %add3A = arith.addf %get3A_6, %get3A_11 : vector<1000x128xf32>
    %get3A_12 = arith.constant 0 : index
    %get3A_13 = arith.constant 0 : index
    %get3A_14 = vector.load %arg2[%get3A_12, %get3A_13] : memref<1000x128xf32, #tpu.memory_space<vmem>>, vector<1000x128xf32>
    %add3A_15 = arith.addf %add3A, %get3A_14 : vector<1000x128xf32>
    %mul3A = vector.broadcast %slice3A : vector<1000x1xf32> to vector<1000x128xf32>
    %mul3A_16 = arith.mulf %add3A_15, %mul3A : vector<1000x128xf32>
    %get3A_17 = arith.constant 0 : index
    %get3A_18 = arith.constant 0 : index
    %get3A_19 = vector.load %arg4[%get3A_17, %get3A_18] : memref<1x128xf32, #tpu.memory_space<vmem>>, vector<1x128xf32>
    %add3A_20 = vector.broadcast %get3A_19 : vector<1x128xf32> to vector<1000x128xf32>
    %add3A_21 = arith.addf %mul3A_16, %add3A_20 : vector<1000x128xf32>
    %max3A = arith.constant 0.000000e+00 : f32
    %max3A_22 = vector.broadcast %max3A : f32 to vector<1000x128xf32>
    %max3A_23 = arith.maximumf %add3A_21, %max3A_22 : vector<1000x128xf32>
    %get3A_24 = arith.constant 0 : index
    %get3A_25 = arith.constant 0 : index
    %get3A_26 = vector.load %arg5[%get3A_24, %get3A_25] : memref<128x128xf32, #tpu.memory_space<vmem>>, vector<128x128xf32>
    %dot_general3A = arith.constant dense<0.000000e+00> : vector<1000x128xf32>
    %dot_general3A_27 = tpu.matmul %max3A_23, %get3A_26, %dot_general3A {dimension_numbers = #tpu.dot_dimension_numbers<[1], [0], [0], [1], [0, 0, 1, 1], [], []>, transpose_lhs_hint = false} : vector<1000x128xf32>, vector<128x128xf32>, vector<1000x128xf32> -> vector<1000x128xf32>
    %mul3A_28 = vector.broadcast %slice3A : vector<1000x1xf32> to vector<1000x128xf32>
    %mul3A_29 = arith.mulf %dot_general3A_27, %mul3A_28 : vector<1000x128xf32>
    %swap3A = arith.constant 0 : index
    %swap3A_30 = arith.constant 0 : index
    %swap3A_31 = vector.load %arg6[%swap3A, %swap3A_30] : memref<1000x128xf32, #tpu.memory_space<vmem>>, vector<1000x128xf32>
    tpu.vector_store %arg6[%swap3A, %swap3A_30], %mul3A_29 {strides = array<i32>} : memref<1000x128xf32, #tpu.memory_space<vmem>>, vector<1000x128xf32>,
    return
  }
  func.func @transform_0(%arg0: i32) -> (i32, i32, i32) {
    %c0_i32 = arith.constant 0 : i32
    %c0_i32_0 = arith.constant 0 : i32
    %c0_i32_1 = arith.constant 0 : i32
    return %c0_i32, %arg0, %c0_i32_0 : i32, i32, i32
  }
  func.func @transform_1(%arg0: i32) -> (i32, i32) {
    %c0_i32 = arith.constant 0 : i32
    %c0_i32_0 = arith.constant 0 : i32
    return %arg0, %c0_i32 : i32, i32
  }
  func.func @transform_2(%arg0: i32) -> (i32, i32) {
    %c0_i32 = arith.constant 0 : i32
    %c0_i32_0 = arith.constant 0 : i32
    return %arg0, %c0_i32 : i32, i32
  }
  func.func @transform_3(%arg0: i32) -> (i32, i32) {
    %c0_i32 = arith.constant 0 : i32
    %c0_i32_0 = arith.constant 0 : i32
    %c0_i32_1 = arith.constant 0 : i32
    return %c0_i32, %c0_i32_0 : i32, i32
  }
  func.func @transform_4(%arg0: i32) -> (i32, i32) {
    %c0_i32 = arith.constant 0 : i32
    %c0_i32_0 = arith.constant 0 : i32
    %c0_i32_1 = arith.constant 0 : i32
    return %c0_i32, %c0_i32_0 : i32, i32
  }
  func.func @transform_5(%arg0: i32) -> (i32, i32) {
    %c0_i32 = arith.constant 0 : i32
    %c0_i32_0 = arith.constant 0 : i32
    return %arg0, %c0_i32 : i32, i32
  }
}

module attributes {stable_mosaic.version = 14 : i64} {
  func.func @_tc3_body(%arg0: i32, %arg1: memref<2x1000x128xf32, #tpu.memory_space<vmem>>, %arg2: memref<1000x128xf32, #tpu.memory_space<vmem>>, %arg3: memref<1000x16xf32, #tpu.memory_space<vmem>>, %arg4: memref<1x128xf32, #tpu.memory_space<vmem>>, %arg5: memref<128x128xf32, #tpu.memory_space<vmem>>, %arg6: memref<1x128xf32, #tpu.memory_space<vmem>>, %arg7: memref<1000x128xf32, #tpu.memory_space<vmem>>) attributes {dimension_semantics = [#tpu.dimension_semantics<arbitrary>], iteration_bounds = array<i64: 10>, scalar_prefetch = 0 : i64, scratch_operands = 0 : i64, tpu.core_type = #tpu.core_type<tc>, window_params = [{transform_indices = @transform_0, window_bounds = array<i64: 2, 1000, 128>}, {transform_indices = @transform_1, window_bounds = array<i64: 1000, 128>}, {transform_indices = @transform_2, window_bounds = array<i64: 1000, 16>}, {pipeline_mode = #tpu.pipeline_mode<synchronous>, transform_indices = @transform_3, window_bounds = array<i64: 1, 128>}, {pipeline_mode = #tpu.pipeline_mode<synchronous>, transform_indices = @transform_4, window_bounds = array<i64: 128, 128>}, {pipeline_mode = #tpu.pipeline_mode<synchronous>, transform_indices = @transform_5, window_bounds = array<i64: 1, 128>}, {transform_indices = @transform_6, window_bounds = array<i64: 1000, 128>}]} {
    %get3A = arith.constant 0 : index
    %get3A_0 = arith.constant 0 : index
    %get3A_1 = vector.load %arg3[%get3A, %get3A_0] : memref<1000x16xf32, #tpu.memory_space<vmem>>, vector<1000x16xf32>
    %slice3A = vector.extract_strided_slice %get3A_1 {offsets = [0, 0], sizes = [1000, 1], strides = [1, 1]} : vector<1000x16xf32> to vector<1000x1xf32>
    %get3A_2 = arith.constant 0 : index
    %get3A_3 = arith.constant 0 : index
    %get3A_4 = arith.constant 0 : index
    %get3A_5 = vector.load %arg1[%get3A_2, %get3A_3, %get3A_4] : memref<2x1000x128xf32, #tpu.memory_space<vmem>>, vector<1x1000x128xf32>
    %get3A_6 = vector.shape_cast %get3A_5 : vector<1x1000x128xf32> to vector<1000x128xf32>
    %get3A_7 = arith.constant 1 : index
    %get3A_8 = arith.constant 0 : index
    %get3A_9 = arith.constant 0 : index
    %get3A_10 = vector.load %arg1[%get3A_7, %get3A_8, %get3A_9] : memref<2x1000x128xf32, #tpu.memory_space<vmem>>, vector<1x1000x128xf32>
    %get3A_11 = vector.shape_cast %get3A_10 : vector<1x1000x128xf32> to vector<1000x128xf32>
    %add3A = arith.addf %get3A_6, %get3A_11 : vector<1000x128xf32>
    %get3A_12 = arith.constant 0 : index
    %get3A_13 = arith.constant 0 : index
    %get3A_14 = vector.load %arg2[%get3A_12, %get3A_13] : memref<1000x128xf32, #tpu.memory_space<vmem>>, vector<1000x128xf32>
    %add3A_15 = arith.addf %add3A, %get3A_14 : vector<1000x128xf32>
    %mul3A = vector.broadcast %slice3A : vector<1000x1xf32> to vector<1000x128xf32>
    %mul3A_16 = arith.mulf %add3A_15, %mul3A : vector<1000x128xf32>
    %get3A_17 = arith.constant 0 : index
    %get3A_18 = arith.constant 0 : index
    %get3A_19 = vector.load %arg4[%get3A_17, %get3A_18] : memref<1x128xf32, #tpu.memory_space<vmem>>, vector<1x128xf32>
    %add3A_20 = vector.broadcast %get3A_19 : vector<1x128xf32> to vector<1000x128xf32>
    %add3A_21 = arith.addf %mul3A_16, %add3A_20 : vector<1000x128xf32>
    %max3A = arith.constant 0.000000e+00 : f32
    %max3A_22 = vector.broadcast %max3A : f32 to vector<1000x128xf32>
    %max3A_23 = arith.maximumf %add3A_21, %max3A_22 : vector<1000x128xf32>
    %get3A_24 = arith.constant 0 : index
    %get3A_25 = arith.constant 0 : index
    %get3A_26 = vector.load %arg5[%get3A_24, %get3A_25] : memref<128x128xf32, #tpu.memory_space<vmem>>, vector<128x128xf32>
    %dot_general3A = arith.constant dense<0.000000e+00> : vector<1000x128xf32>
    %dot_general3A_27 = tpu.matmul %max3A_23, %get3A_26, %dot_general3A {dimension_numbers = #tpu.dot_dimension_numbers<[1], [0], [0], [1], [0, 0, 1, 1], [], []>, transpose_lhs_hint = false} : vector<1000x128xf32>, vector<128x128xf32>, vector<1000x128xf32> -> vector<1000x128xf32>
    %get3A_28 = arith.constant 0 : index
    %get3A_29 = arith.constant 0 : index
    %get3A_30 = vector.load %arg6[%get3A_28, %get3A_29] : memref<1x128xf32, #tpu.memory_space<vmem>>, vector<1x128xf32>
    %add3A_31 = vector.broadcast %get3A_30 : vector<1x128xf32> to vector<1000x128xf32>
    %add3A_32 = arith.addf %dot_general3A_27, %add3A_31 : vector<1000x128xf32>
    %swap3A = arith.constant 0 : index
    %swap3A_33 = arith.constant 0 : index
    %swap3A_34 = vector.load %arg7[%swap3A, %swap3A_33] : memref<1000x128xf32, #tpu.memory_space<vmem>>, vector<1000x128xf32>
    tpu.vector_store %arg7[%swap3A, %swap3A_33], %add3A_32 {strides = array<i32>} : memref<1000x128xf32, #tpu.memory_space<vmem>>, vector<1000x128xf32>,
    return
  }
  func.func @transform_0(%arg0: i32) -> (i32, i32, i32) {
    %c0_i32 = arith.constant 0 : i32
    %c0_i32_0 = arith.constant 0 : i32
    %c0_i32_1 = arith.constant 0 : i32
    return %c0_i32, %arg0, %c0_i32_0 : i32, i32, i32
  }
  func.func @transform_1(%arg0: i32) -> (i32, i32) {
    %c0_i32 = arith.constant 0 : i32
    %c0_i32_0 = arith.constant 0 : i32
    return %arg0, %c0_i32 : i32, i32
  }
  func.func @transform_2(%arg0: i32) -> (i32, i32) {
    %c0_i32 = arith.constant 0 : i32
    %c0_i32_0 = arith.constant 0 : i32
    return %arg0, %c0_i32 : i32, i32
  }
  func.func @transform_3(%arg0: i32) -> (i32, i32) {
    %c0_i32 = arith.constant 0 : i32
    %c0_i32_0 = arith.constant 0 : i32
    %c0_i32_1 = arith.constant 0 : i32
    return %c0_i32, %c0_i32_0 : i32, i32
  }
  func.func @transform_4(%arg0: i32) -> (i32, i32) {
    %c0_i32 = arith.constant 0 : i32
    %c0_i32_0 = arith.constant 0 : i32
    %c0_i32_1 = arith.constant 0 : i32
    return %c0_i32, %c0_i32_0 : i32, i32
  }
  func.func @transform_5(%arg0: i32) -> (i32, i32) {
    %c0_i32 = arith.constant 0 : i32
    %c0_i32_0 = arith.constant 0 : i32
    %c0_i32_1 = arith.constant 0 : i32
    return %c0_i32, %c0_i32_0 : i32, i32
  }
  func.func @transform_6(%arg0: i32) -> (i32, i32) {
    %c0_i32 = arith.constant 0 : i32
    %c0_i32_0 = arith.constant 0 : i32
    return %arg0, %c0_i32 : i32, i32
  }
}

</mosaic_0001>

<sc_bundles>
// kernel: kernel.11.cloned.1.call-start
scs
__scs_entry_jumppad:
0x0: {  	(pc) =	sbr.rel $0x88, $3  }
0x1: {  	(tag) =	ssettag $0x0;
	lr =	simm.s32 $0x1  }
0x2: {  	[smem:$0x3F99] =	sst lr;
	_ =	strace $0xD0000000  }
0x3: {  	_ = 	snop  }
0x4: {  	_ = 	snop  }
0x5: {  	_ = 	snop  }
0x6: {  	_ = 	snop  }
0x7: {  	_ = 	snop  }
__scs_overlays_trampoline_lowered:
0x8: {  	[smem:$0x3FA8] =	sst s0  }
0x9: {  	[smem:$0x3FA9] =	sst s1  }
0xa: {  	[smem:$0x3FAA] =	sst s2  }
0xb: {  	[smem:$0x3FAB] =	sst s3  }
0xc: {  	[smem:$0x3FAC] =	sst s4  }
0xd: {  	[smem:$0x3FAD] =	sst s5  }
0xe: {  	[smem:$0x3FAE] =	sst s6  }
0xf: {  	[smem:$0x3FAF] =	sst s7  }
0x10: {  	[smem:$0x3FB0] =	sst s8  }
0x11: {  	[smem:$0x3FB1] =	sst s9;
	s0 =	simm.s32 @!p0 $0x0  }
0x12: {  	s1 =	sld [smem:$0x3F97];
	s0 =	simm.s32 @p0 $0x1  }
0x13: {  	[smem:$0x3FB2] =	sst s0;
	s0 =	simm.s32 @!p1 $0x0  }
0x14: {  	s2 =	sld [smem:$0x3F96];
	s0 =	simm.s32 @p1 $0x1  }
0x15: {  	[smem:$0x3FB3] =	sst s0;
	s0 =	simm.s32 @!p2 $0x0  }
0x16: {  	s3 =	sld [smem:$0x3FDB];
	s0 =	simm.s32 @p2 $0x1  }
0x17: {  	s4 =	simm.s32 $0x1BF5;
	[smem:$0x3FB5] =	sst s0  }
0x18: {  	s0 =	sld [smem:$0x3F98];
	_ =	swait.ge [sflag:s4], $0x0  }
0x19: {  	s7 =	sld [smem:$0x3F99]  }
0x1a: {  	s8 =	sadd.s32 $0xFFFFE003, lr  }
0x1b: {  	s9 =	sadd.s32 $0xFFFFFEF7, lr;
	s5 =	simm.s32 $0xFFFFFFFF;
	p2 =	slt.u32 s8, $0xFFFFF086  }
0x1c: {  	p1 =	slt.u32 s9, $0xF7A;
	s5 =	simm.s32 @!p2 $0x0  }
0x1d: {  	s5 =	simm.s32 @p1 $0x1;
	p0 =	seq.s32 s7, s2  }
0x1e: {  	s7 =	smul.u32 @!p0 $0xF7A, s2;
	p2 =	seq.s32 @!p0 s5, $0x0  }
0x1f: {  	s9 =	smul.u32 $0xF7A, s1;
	s8 =	simm.s32 @!p0 $0x1BF5;
	p2 =	por !p2, p0  }
0x20: {  	[sflag:s8] =	ssyncset.s32 @!p0 $0xFFFFF086;
	s6 =	sadd.s32 @!p0 s3, s7;
	s7 =	simm.s32 @!p0 $0x108  }
0x21: {  	s3 =	sadd.s32 s3, s9;
	s6 =	sadd.s32 @!p0 $0x88, s6;
	s7 =	simm.s32 @p2 $0x1082  }
0x22: {  	[simem:s7], [sflag:s8] =	dma.local @!p0 [hbm:s6], $0xF7A  }
0x23: {  	s9 =	sor.u32 $0xD0000000, s2;
	s6 =	simm.s32 $0x108;
	_ =	swait.ge @!p0 [sflag:s8], $0x0  }
0x24: {  	s3 =	sadd.s32 $0x88, s3;
	s6 =	simm.s32 @!p1 $0x1082;
	[sflag:s4] =	ssyncset.s32 $0xFFFFF086  }
0x25: {  	[simem:s6], [sflag:s4] =	dma.local [hbm:s3], $0xF7A  }
0x26: {  	[smem:$0x3F99] =	sst s1;
	(tag) =	ssettag s2;
	_ =	strace s9  }
0x27: {  	s1 =	sld [smem:$0x3FA9]  }
0x28: {  	s2 =	sld [smem:$0x3FAA]  }
0x29: {  	s4 =	sld [smem:$0x3FAC]  }
0x2a: {  	p0 =	seq.s32 s5, $0x0;
	s5 =	sld [smem:$0x3FAD]  }
0x2b: {  	s6 =	sld [smem:$0x3FAE]  }
0x2c: {  	s7 =	sld [smem:$0x3FAF]  }
0x2d: {  	s3 =	simm.s32 $0x108;
	s8 =	sld [smem:$0x3FB0]  }
0x2e: {  	s3 =	simm.s32 @!p0 $0x1082;
	s9 =	sld [smem:$0x3FB1]  }
0x2f: {  	lr =	sadd.s32 s0, s3;
	s0 =	sld [smem:$0x3FA8]  }
0x30: {  	s3 =	sld [smem:$0x3FAB]  }
0x31: {  	[smem:$0x3FB4] =	sst s10  }
0x32: {  	s10 =	sld [smem:$0x3FB2];
	_ =	sdelay $0x3  }
0x33: {  	p0 =	seq.s32 s10, $0x1;
	s10 =	sld [smem:$0x3FB4];
	_ =	sdelay $0x3  }
0x34: {  	[smem:$0x3FB4] =	sst s10  }
0x35: {  	s10 =	sld [smem:$0x3FB3];
	_ =	sdelay $0x3  }
0x36: {  	p1 =	seq.s32 s10, $0x1;
	s10 =	sld [smem:$0x3FB4];
	_ =	sdelay $0x3  }
0x37: {  	[smem:$0x3FB4] =	sst s10  }
0x38: {  	s10 =	sld [smem:$0x3FB5]  }
0x39: {  	_ = 	snop;
	(pc) =	sbr.ind lr, $3  }
0x3a: {  	_ = 	snop  }
0x3b: {  	_ = 	snop  }
0x3c: {  	p2 =	seq.s32 s10, $0x1;
	s10 =	sld [smem:$0x3FB4]  }
0x3d: {  	_ =	shalt  }
0x3e: {  	_ =	shalt  }
0x3f: {  	_ =	shalt  }
0x40: {  	_ =	shalt  }
0x41: {  	_ =	shalt  }
0x42: {  	_ =	shalt  }
0x43: {  	_ =	shalt  }
0x44: {  	_ =	shalt  }
0x45: {  	_ =	shalt  }
0x46: {  	_ =	shalt  }
0x47: {  	_ =	shalt  }
0x48: {  	_ =	shalt  }
0x49: {  	_ =	shalt  }
0x4a: {  	_ =	shalt  }
0x4b: {  	_ =	shalt  }
0x4c: {  	_ =	shalt  }
0x4d: {  	_ =	shalt  }
0x4e: {  	_ =	shalt  }
0x4f: {  	_ =	shalt  }
0x50: {  	_ =	shalt  }
0x51: {  	_ =	shalt  }
0x52: {  	_ =	shalt  }
0x53: {  	_ =	shalt  }
0x54: {  	_ =	shalt  }
0x55: {  	_ =	shalt  }
0x56: {  	_ =	shalt  }
0x57: {  	_ =	shalt  }
0x58: {  	_ =	shalt  }
0x59: {  	_ =	shalt  }
0x5a: {  	_ =	shalt  }
0x5b: {  	_ =	shalt  }
0x5c: {  	_ =	shalt  }
0x5d: {  	_ =	shalt  }
0x5e: {  	_ =	shalt  }
0x5f: {  	_ =	shalt  }
0x60: {  	_ =	shalt  }
0x61: {  	_ =	shalt  }
0x62: {  	_ =	shalt  }
0x63: {  	_ =	shalt  }
0x64: {  	_ =	shalt  }
0x65: {  	_ =	shalt  }
0x66: {  	_ =	shalt  }
0x67: {  	_ =	shalt  }
0x68: {  	_ =	shalt  }
0x69: {  	_ =	shalt  }
0x6a: {  	_ =	shalt  }
0x6b: {  	_ =	shalt  }
0x6c: {  	_ =	shalt  }
0x6d: {  	_ =	shalt  }
0x6e: {  	_ =	shalt  }
0x6f: {  	_ =	shalt  }
0x70: {  	_ =	shalt  }
0x71: {  	_ =	shalt  }
0x72: {  	_ =	shalt  }
0x73: {  	_ =	shalt  }
0x74: {  	_ =	shalt  }
0x75: {  	_ =	shalt  }
0x76: {  	_ =	shalt  }
0x77: {  	_ =	shalt  }
0x78: {  	_ =	shalt  }
0x79: {  	_ =	shalt  }
0x7a: {  	_ =	shalt  }
0x7b: {  	_ =	shalt  }
0x7c: {  	_ =	shalt  }
0x7d: {  	_ =	shalt  }
0x7e: {  	_ =	shalt  }
0x7f: {  	_ =	shalt  }
0x80: {  	_ =	shalt  }
0x81: {  	_ =	shalt  }
0x82: {  	_ =	shalt  }
0x83: {  	_ =	shalt  }
0x84: {  	_ =	shalt  }
0x85: {  	_ =	shalt  }
0x86: {  	_ =	shalt  }
0x87: {  	_ =	shalt  }
.Lfunc_end0:
.L_simem_size_0:
called_computation.1_lowered:
.L_overlay_start_0:
0x88: {  	s2 =	sld [smem:$0x3FD9]  }
0x89: {  	s3 =	sld [smem:$0x3FFE];
	_ =	sdelay $0x1  }
0x8a: {  	s1 =	srdreg.scid  }
0x8b: {  	s0 =	sand.u32 $0x1, s1  }
0x8c: {  	s17 =	sshll.u32 s0, $0xA;
	s2 =	sadd.s32 s3, s2  }
0x8d: {  	s2 =	sadd.s32 s2, s17  }
0x8e: {  	[smem:$0x3FC0] =	sst s2  }
0x8f: {  	_ = 	snop  }
0x90: {  	s2 =	sld [smem:$0x3FD0];
	(tm) =	ssettm $0x1  }
0x91: {  	s18 =	sld [smem:$0x3FFB];
	_ =	sdelay $0x3  }
0x92: {  	_ =	strace s18  }
0x93: {  	s3 =	sld [smem:$0x3FFC];
	_ =	sdelay $0x3  }
0x94: {  	_ =	strace s3  }
0x95: {  	s3 =	sld [smem:$0x3FFD];
	_ =	sdelay $0x3  }
0x96: {  	_ =	strace s3  }
0x97: {  	_ =	strace $0x8FFFFFFF  }
0x98: {  	s19 =	sld [smem:$0x3FDB];
	_ =	sdelay $0x1  }
0x99: {  	s4 =	simm.s32 $_scs_section_size  }
0x9a: {  	s5 =	simm.s32 $_size__tile_overlayer_lowered;
	s6 =	simm.s32 $_tile_overlayer_lowered  }
0x9b: {  	s22 =	simm.s32 $0x1BFF;
	s21 =	sshll.u32 s6, $0x1;
	s3 =	sadd.s32 s4, s19  }
0x9c: {  	s7 =	simm.s32 $0x0;
	s20 =	sshll.u32 s5, $0x1;
	s5 =	sadd.s32 s21, s3  }
0x9d: {  	[timem:s7], [sflag:s22] =	dma.local [hbm:s5], s20  }
0x9e: {  	_ =	swait.ge [sflag:s22], s20  }
0x9f: {  	s4 =	ssub.s32 $0x0, s20;
	[sflag:s22] =	ssyncset.done $0x0  }
0xa0: {  	[sflag:s22] =	ssyncadd.s32 s4;
	_ =	sdelay $0x1  }
0xa1: {  	s23 =	simm.s32 $0x1B8B  }
0xa2: {  	_ =	swait.ge [sflag:s23], $0x1  }
0xa3: {  	[sflag:s23] =	ssyncset.done $0x0  }
0xa4: {  	s25 =	simm.s32 $0x1B8E;
	s24 =	sld [smem:$0x3FFE];
	[sflag:s23] =	ssyncadd.s32 $0xFFFFFFFF  }
0xa5: {  	s26 =	simm.s32 $execute0_lowered;
	[smem:$0x3FD2] =	sst s25  }
0xa6: {  	s5 =	sshll.u32 s26, $0x1;
	_ =	strace $0x80000049;
	[dreg:$0x1] =	wrdreg $0xFFFFFFFF  }
0xa7: {  	s28 =	simm.s32 $_size_execute0_lowered;
	s3 =	sadd.s32 s3, s5;
	[dreg:$0x0] =	wrdreg $0x0  }
0xa8: {  	s5 =	sshll.u32 s28, $0x1;
	[dreg:$0x2] =	wrdreg s3  }
0xa9: {  	[dreg:$0x3] =	wrdreg s5  }
0xaa: {  	[dreg:$0x4] =	wrdreg $0xC0  }
0xab: {  	_ =	task [dreg:s7], $0x5FFFF  }
0xac: {  	[dreg:$0x1] =	wrdreg $0xFFFFFFFF  }
0xad: {  	[dreg:$0x0] =	wrdreg $0x60  }
0xae: {  	[dreg:$0x2] =	wrdreg s2  }
0xaf: {  	[dreg:$0x3] =	wrdreg s24  }
0xb0: {  	[dreg:$0x4] =	wrdreg $0xA8000  }
0xb1: {  	[dreg:$0x5] =	wrdreg $0x9  }
0xb2: {  	_ =	task.clear_ibuf [dreg:s7], $0x6FFFF;
	_ =	strace $0x90000049  }
0xb3: {  	s29 =	simm.s32 $0x9;
	_ =	strace $0x8000004B  }
0xb4: {  	_ =	swait.ge [sflag:s29], $0x1  }
0xb5: {  	[sflag:s29] =	ssyncadd.s32 $0xFFFFFFFF  }
0xb6: {  	_ =	strace $0x9000004B  }
0xb7: {  	_ =	sfence  }
0xb8: {  	s30 =	sld [smem:$0x0];
	_ =	sdelay $0x2  }
0xb9: {  	s31 =	sshll.u32 s1, $0xD;
	s1 =	sshrl.u32 s1, $0x2  }
0xba: {  	s3 =	sand.u32 $0x4000, s31;
	s1 =	sadd.s32 s1, s30  }
0xbb: {  	s0 =	sor.u32 s3, s0;
	s1 =	sshll.u32 s1, $0x11  }
0xbc: {  	s0 =	sor.u32 s1, s0  }
0xbd: {  	s0 =	sadd.s32 $0x8F2B, s0  }
0xbe: {  	[sflag:s0] =	ssyncadd.remote.s32 $0x1  }
0xbf: {  	_ =	sfence.sel $0xFFFF  }
0xc0: {  	[dreg:$0x0] =	wrdreg $0xFFFFFFFF;
	(pc) =	sbr.abs _section_cstart, $3  }
0xc1: {  	[dreg:$0x1] =	wrdreg $0xFFFFFFFF  }
0xc2: {  	_ =	task.clear_ibuf [dreg:s7], $0x2FFFF;
	_ =	strace $0x9FFFFFFF  }
0xc3: {  	(tm) =	ssettm $0x7FFFFFFF  }
tec
execute0_lowered:
.L_overlay_start_1:
0x0: {  	(tag) =	ssettag $0x1  }
0x1: {  	s1 =	rddreg [dreg:$0x0]  }
0x2: {  	s0 =	rddreg [dreg:$0x1]  }
0x3: {  	s2 =	rddreg [dreg:$0x2];
	s3 =	simm.s32 $0x0;
	s4 =	srdreg.scid  }
0x4: {  	s8 =	stileid.u32;
	s28 =	simm.s32 $0x2;
	s29 =	simm.s32 $0x1380  }
0x5: {  	s30 =	simm.s32 $0x2700;
	s31 =	simm.s32 $0x2780;
	[smem:$0x7FF] =	sst s3  }
0x6: {  	s5 =	sadd.s32 $0x5D600, s0;
	s14 =	sadd.s32 $0x2E00, s0;
	s4 =	sand.u32 $0x1, s4  }
0x7: {  	s6 =	sadd.s32 $0xCE00, s0;
	s0 =	sadd.s32 $0xD600, s0;
	s13 =	smul.u32 $0x280, s8  }
0x8: {  	s12 =	smul.u32 $0x50000, s8;
	_ =	strace $0x8000004A;
	[dreg:$0x4] =	wrdreg s6  }
0x9: {  	s10 =	ssub.s32 $0x2, s4;
	s11 =	sshll.u32 s4, $0x4;
	s4 =	smul.u32 $0x2800, s4  }
0xa: {  	s7 =	sshrl.u32 s10, $0x1;
	s9 =	sor.u32 s8, s11;
	s15 =	sadd.s32 $0x80, s13  }
0xb: {  	s17 =	sadd.s32 $0x100, s13;
	s16 =	sshrl.u32 s12, $0x2;
	s20 =	ssub.s32 s10, s7  }
0xc: {  	s18 =	sshll.u32 s15, $0x7;
	s19 =	sshll.u32 s17, $0x7;
	s12 =	smul.u32 $0x500, s9  }
0xd: {  	s6 =	sadd.s32 s16, s2;
	s16 =	smul.u32 $0x2800, s9;
	s15 =	sadd.s32 s4, s15  }
0xe: {  	s25 =	sadd.s32 s4, s17;
	s7 =	sadd.s32 s18, s2;
	s8 =	sadd.s32 s19, s2  }
0xf: {  	s18 =	sadd.s32 $0x180, s13;
	s19 =	sadd.s32 $0x200, s13;
	s24 =	sshll.u32 s15, $0x4  }
0x10: {  	s20 =	smax.u32 s20, $0x1;
	s10 =	sshll.u32 s18, $0x7;
	s11 =	sshll.u32 s19, $0x7  }
0x11: {  	s21 =	sadd.s32 s5, s12;
	s22 =	sadd.s32 s14, s12;
	s16 =	sshrl.u32 s16, $0x3  }
0x12: {  	s26 =	sadd.s32 s4, s18;
	s9 =	sadd.s32 s10, s2;
	[dreg:$0x5] =	wrdreg s21  }
0x13: {  	s10 =	sadd.s32 s11, s2;
	[dreg:$0x6] =	wrdreg s22;
	s16 =	sadd.s32 $0x280, s16  }
0x14: {  	s21 =	sadd.s32 s13, s4;
	s4 =	sadd.s32 s4, s19;
	s18 =	sshll.u32 s26, $0x4  }
0x15: {  	s22 =	simm.s32 $0x3;
	s26 =	simm.s32 $0x1;
	s5 =	sadd.s32 s5, s16  }
0x16: {  	s23 =	sshll.u32 s21, $0x4;
	s14 =	sadd.s32 s14, s16;
	s16 =	sadd.s32 s0, s24  }
0x17: {  	s4 =	sshll.u32 s4, $0x4;
	s18 =	sadd.s32 s0, s18;
	s21 =	simm.s32 $0x2800  }
0x18: {  	s24 =	simm.s32 $0x80;
	[dreg:$0x7] =	wrdreg s5;
	s15 =	sadd.s32 s0, s23  }
0x19: {  	s5 =	sshll.u32 s25, $0x4;
	s19 =	sadd.s32 s0, s4;
	s23 =	simm.s32 $0x1400  }
0x1a: {  	s25 =	simm.s32 $0x6800;
	s17 =	sadd.s32 s0, s5;
	s0 =	simm.s32 $0x0  }
.LBB2_1:
0x1b: {  	s4 =	rddreg [dreg:$0x4]  }
0x1c: {  	[tilespmem:s21], [sflag:$0x3] =	stream.linear.gather [hbm4b:s4+s3], $0x4000, $0x38;
	[tilespmem:$0x1E800] =	vst v63  }
0x1d: {  	_ =	swait.ge [sflag:s22], $0x4000  }
0x1e: {  	[sflag:s22] =	ssyncset.done $0x0  }
0x1f: {  	[sflag:s22] =	ssyncadd.s32 $0xFFFFC000  }
0x20: {  	[spmem:s6] =	stream.linear.scatter [tilespmem:s21], [sflag:$0x3], $0x4000, $0x38;
	[tilespmem:$0x1E800] =	vst v63  }
0x21: {  	_ =	swait.ge [sflag:s22], $0x4000  }
0x22: {  	[sflag:s22] =	ssyncset.done $0x0  }
0x23: {  	[sflag:s22] =	ssyncadd.s32 $0xFFFFC000  }
0x24: {  	[spmem:s7] =	stream.linear.scatter [tilespmem:s21], [sflag:$0x3], $0x4000, $0x38;
	[tilespmem:$0x1E800] =	vst v63  }
0x25: {  	_ =	swait.ge [sflag:s22], $0x4000  }
0x26: {  	[sflag:s22] =	ssyncset.done $0x0  }
0x27: {  	[sflag:s22] =	ssyncadd.s32 $0xFFFFC000  }
0x28: {  	[spmem:s8] =	stream.linear.scatter [tilespmem:s21], [sflag:$0x3], $0x4000, $0x38;
	[tilespmem:$0x1E800] =	vst v63  }
0x29: {  	_ =	swait.ge [sflag:s22], $0x4000  }
0x2a: {  	[sflag:s22] =	ssyncset.done $0x0  }
0x2b: {  	[sflag:s22] =	ssyncadd.s32 $0xFFFFC000  }
0x2c: {  	[spmem:s9] =	stream.linear.scatter [tilespmem:s21], [sflag:$0x3], $0x4000, $0x38;
	[tilespmem:$0x1E800] =	vst v63  }
0x2d: {  	_ =	swait.ge [sflag:s22], $0x4000  }
0x2e: {  	[sflag:s22] =	ssyncset.done $0x0  }
0x2f: {  	[sflag:s22] =	ssyncadd.s32 $0xFFFFC000  }
0x30: {  	[spmem:s10] =	stream.linear.scatter [tilespmem:s21], [sflag:$0x3], $0x4000, $0x38;
	[tilespmem:$0x1E800] =	vst v63  }
0x31: {  	_ =	swait.ge [sflag:s22], $0x4000  }
0x32: {  	[sflag:s22] =	ssyncset.done $0x0  }
0x33: {  	[sflag:s22] =	ssyncadd.s32 $0xFFFFC000  }
0x34: {  	[bflag:$0x0] =	sbarrier.arrive $0xFFFF  }
0x35: {  	s12 =	rddreg [dreg:$0x5]  }
0x36: {  	[tilespmem:s3], [sflag:$0x3] =	stream.linear.gather [hbm4b:s12+s3], $0x1400, $0x38;
	[tilespmem:$0x1E800] =	vst v63  }
0x37: {  	_ =	swait.ge [sflag:s22], $0x1400  }
0x38: {  	[sflag:s22] =	ssyncset.done $0x0  }
0x39: {  	s13 =	rddreg [dreg:$0x6];
	[sflag:s22] =	ssyncadd.s32 $0xFFFFEC00  }
0x3a: {  	[tilespmem:s23], [sflag:$0x3] =	stream.linear.gather [hbm4b:s13+s3], $0x1400, $0x38;
	[tilespmem:$0x1E800] =	vst v63  }
0x3b: {  	_ =	swait.ge [sflag:s22], $0x1400  }
0x3c: {  	[sflag:s22] =	ssyncset.done $0x0  }
0x3d: {  	[sflag:s22] =	ssyncadd.s32 $0xFFFFEC00  }
0x3e: {  	[tilespmem:s21], [sflag:$0x1] =	stream.indirect.gather [hbm4b:s1+s24], $0x80, s3, s24, $0xb8;
	[tilespmem:$0x1E800] =	vst v63  }
0x3f: {  	s5 =	simm.s32 $0x80  }
0x40: {  	[tilespmem:s25], [sflag:$0x2] =	stream.indirect.gather [hbm4b:s1+s24], $0x80, s5, s24, $0xb8;
	[tilespmem:$0x1E800] =	vst v63  }
0x41: {  	_ =	swait.ge [sflag:s26], $0x4000  }
0x42: {  	[sflag:s26] =	ssyncset.done $0x0  }
0x43: {  	s11 =	simm.s32 $0x1400;
	[sflag:s26] =	ssyncadd.s32 $0xFFFFC000  }
0x44: {  	[spmem:s2] =	stream.indirect.scatter.add.f32 [tilespmem:s21], [sflag:$0x3], $0x80, s11, s24, $0xb8;
	[tilespmem:$0x1E800] =	vst v63  }
0x45: {  	_ =	swait.ge [sflag:s22], $0x4000  }
0x46: {  	[sflag:s22] =	ssyncset.done $0x0  }
0x47: {  	s12 =	simm.s32 $0x100;
	[sflag:s22] =	ssyncadd.s32 $0xFFFFC000  }
0x48: {  	[tilespmem:s21], [sflag:$0x1] =	stream.indirect.gather [hbm4b:s1+s24], $0x80, s12, s24, $0xb8;
	[tilespmem:$0x1E800] =	vst v63  }
0x49: {  	_ =	swait.ge [sflag:s28], $0x4000  }
0x4a: {  	[sflag:s28] =	ssyncset.done $0x0  }
0x4b: {  	s13 =	simm.s32 $0x1480;
	[sflag:s28] =	ssyncadd.s32 $0xFFFFC000  }
0x4c: {  	[spmem:s2] =	stream.indirect.scatter.add.f32 [tilespmem:s25], [sflag:$0x3], $0x80, s13, s24, $0xb8;
	[tilespmem:$0x1E800] =	vst v63  }
0x4d: {  	_ =	swait.ge [sflag:s22], $0x4000  }
0x4e: {  	s4 =	simm.s32 $0x100;
	s5 =	simm.s32 $0x800;
	[sflag:s22] =	ssyncset.done $0x0  }
.LBB2_2:
0x4f: {  	s11 =	sadd.s32 $0x80, s4  }
0x50: {  	[sflag:s22] =	ssyncadd.s32 $0xFFFFC000;
	s12 =	smov.u32 s5;
	s13 =	sadd.s32 $0x400, s5  }
0x51: {  	[tilespmem:s25], [sflag:$0x2] =	stream.indirect.gather [hbm4b:s1+s24], $0x80, s11, s24, $0xb8;
	[tilespmem:$0x1E800] =	vst v63  }
0x52: {  	p0 =	sne.s32 s5, $0x4800;
	_ =	swait.ge [sflag:s26], $0x4000  }
0x53: {  	[sflag:s26] =	ssyncset.done $0x0  }
0x54: {  	s5 =	sadd.s32 $0x1400, s4;
	[sflag:s26] =	ssyncadd.s32 $0xFFFFC000  }
0x55: {  	[spmem:s2] =	stream.indirect.scatter.add.f32 [tilespmem:s21], [sflag:$0x3], $0x80, s5, s24, $0xb8;
	[tilespmem:$0x1E800] =	vst v63  }
0x56: {  	_ =	swait.ge [sflag:s22], $0x4000  }
0x57: {  	[sflag:s22] =	ssyncset.done $0x0  }
0x58: {  	s5 =	sadd.s32 $0x100, s4;
	[sflag:s22] =	ssyncadd.s32 $0xFFFFC000  }
0x59: {  	[tilespmem:s21], [sflag:$0x1] =	stream.indirect.gather [hbm4b:s1+s24], $0x80, s5, s24, $0xb8;
	[tilespmem:$0x1E800] =	vst v63  }
0x5a: {  	_ =	swait.ge [sflag:s28], $0x4000  }
.Ltmp0:
0x5b: {  	[sflag:s28] =	ssyncset.done $0x0;
	(pc) =	sbr.rel @p0 .LBB2_2-.Ltmp0, $4  }
0x5c: {  	s4 =	sadd.s32 $0x1480, s4;
	[sflag:s28] =	ssyncadd.s32 $0xFFFFC000  }
0x5d: {  	[spmem:s2] =	stream.indirect.scatter.add.f32 [tilespmem:s25], [sflag:$0x3], $0x80, s4, s24, $0xb8;
	[tilespmem:$0x1E800] =	vst v63  }
0x5e: {  	_ =	swait.ge [sflag:s22], $0x4000  }
0x5f: {  	s5 =	smov.u32 s13;
	s4 =	sshra.s32 s12, $0x2;
	[sflag:s22] =	ssyncset.done $0x0  }
0x60: {  	s5 =	sadd.s32 $0x80, s4;
	[sflag:s22] =	ssyncadd.s32 $0xFFFFC000  }
0x61: {  	[tilespmem:s25], [sflag:$0x2] =	stream.indirect.gather [hbm4b:s1+s24], $0x80, s5, s24, $0xb8;
	[tilespmem:$0x1E800] =	vst v63  }
0x62: {  	_ =	swait.ge [sflag:s26], $0x4000  }
0x63: {  	[sflag:s26] =	ssyncset.done $0x0  }
0x64: {  	s12 =	sadd.s32 $0x1400, s4;
	[sflag:s26] =	ssyncadd.s32 $0xFFFFC000  }
0x65: {  	[spmem:s2] =	stream.indirect.scatter.add.f32 [tilespmem:s21], [sflag:$0x3], $0x80, s12, s24, $0xb8;
	[tilespmem:$0x1E800] =	vst v63  }
0x66: {  	_ =	swait.ge [sflag:s22], $0x4000  }
0x67: {  	[sflag:s22] =	ssyncset.done $0x0  }
0x68: {  	s13 =	sadd.s32 $0x100, s4;
	[sflag:s22] =	ssyncadd.s32 $0xFFFFC000  }
0x69: {  	[tilespmem:s21], [sflag:$0x1] =	stream.indirect.gather [hbm4b:s1+s24], $0x80, s13, s24, $0xb8;
	[tilespmem:$0x1E800] =	vst v63  }
0x6a: {  	_ =	swait.ge [sflag:s28], $0x4000  }
0x6b: {  	[sflag:s28] =	ssyncset.done $0x0  }
0x6c: {  	s11 =	sadd.s32 $0x1480, s4;
	[sflag:s28] =	ssyncadd.s32 $0xFFFFC000  }
0x6d: {  	[spmem:s2] =	stream.indirect.scatter.add.f32 [tilespmem:s25], [sflag:$0x3], $0x80, s11, s24, $0xb8;
	[tilespmem:$0x1E800] =	vst v63  }
0x6e: {  	_ =	swait.ge [sflag:s22], $0x4000  }
0x6f: {  	[sflag:s22] =	ssyncset.done $0x0  }
0x70: {  	[sflag:s22] =	ssyncadd.s32 $0xFFFFC000  }
0x71: {  	[tilespmem:s25], [sflag:$0x2] =	stream.indirect.gather [hbm4b:s1+s24], $0x80, s29, s24, $0xb8;
	[tilespmem:$0x1E800] =	vst v63  }
0x72: {  	_ =	swait.ge [sflag:s26], $0x4000  }
0x73: {  	[sflag:s26] =	ssyncset.done $0x0  }
0x74: {  	[sflag:s26] =	ssyncadd.s32 $0xFFFFC000  }
0x75: {  	[spmem:s2] =	stream.indirect.scatter.add.f32 [tilespmem:s21], [sflag:$0x3], $0x80, s30, s24, $0xb8;
	[tilespmem:$0x1E800] =	vst v63  }
0x76: {  	_ =	swait.ge [sflag:s22], $0x4000  }
0x77: {  	[sflag:s22] =	ssyncset.done $0x0  }
0x78: {  	[sflag:s22] =	ssyncadd.s32 $0xFFFFC000  }
0x79: {  	_ =	swait.ge [sflag:s28], $0x4000  }
0x7a: {  	[sflag:s28] =	ssyncset.done $0x0  }
0x7b: {  	[sflag:s28] =	ssyncadd.s32 $0xFFFFC000  }
0x7c: {  	[spmem:s2] =	stream.indirect.scatter.add.f32 [tilespmem:s25], [sflag:$0x3], $0x80, s31, s24, $0xb8;
	[tilespmem:$0x1E800] =	vst v63  }
0x7d: {  	_ =	swait.ge [sflag:s22], $0x4000  }
0x7e: {  	[sflag:s22] =	ssyncset.done $0x0  }
0x7f: {  	s12 =	simm.s32 $0x0;
	s13 =	rddreg [dreg:$0x7];
	[sflag:s22] =	ssyncadd.s32 $0xFFFFC000  }
0x80: {  	[tilespmem:s12], [sflag:$0x3] =	stream.linear.gather [hbm4b:s13+s12], $0x1400, $0x38;
	[tilespmem:$0x1E800] =	vst v63  }
0x81: {  	_ =	swait.ge [sflag:s22], $0x1400  }
0x82: {  	[sflag:s22] =	ssyncset.done $0x0  }
0x83: {  	[sflag:s22] =	ssyncadd.s32 $0xFFFFEC00  }
0x84: {  	[tilespmem:s23], [sflag:$0x3] =	stream.linear.gather [hbm4b:s14+s12], $0x1400, $0x38;
	[tilespmem:$0x1E800] =	vst v63  }
0x85: {  	_ =	swait.ge [sflag:s22], $0x1400  }
0x86: {  	[sflag:s22] =	ssyncset.done $0x0  }
0x87: {  	[sflag:s22] =	ssyncadd.s32 $0xFFFFEC00  }
0x88: {  	[tilespmem:s21], [sflag:$0x1] =	stream.indirect.gather [hbm4b:s1+s24], $0x80, s12, s24, $0xb8;
	[tilespmem:$0x1E800] =	vst v63  }
0x89: {  	s5 =	simm.s32 $0x80  }
0x8a: {  	[tilespmem:s25], [sflag:$0x2] =	stream.indirect.gather [hbm4b:s1+s24], $0x80, s5, s24, $0xb8;
	[tilespmem:$0x1E800] =	vst v63  }
0x8b: {  	_ =	swait.ge [sflag:s26], $0x4000  }
0x8c: {  	[sflag:s26] =	ssyncset.done $0x0  }
0x8d: {  	s11 =	simm.s32 $0x1400;
	[sflag:s26] =	ssyncadd.s32 $0xFFFFC000  }
0x8e: {  	[spmem:s2] =	stream.indirect.scatter.add.f32 [tilespmem:s21], [sflag:$0x3], $0x80, s11, s24, $0xb8;
	[tilespmem:$0x1E800] =	vst v63  }
0x8f: {  	_ =	swait.ge [sflag:s22], $0x4000  }
0x90: {  	[sflag:s22] =	ssyncset.done $0x0  }
0x91: {  	s12 =	simm.s32 $0x100;
	[sflag:s22] =	ssyncadd.s32 $0xFFFFC000  }
0x92: {  	[tilespmem:s21], [sflag:$0x1] =	stream.indirect.gather [hbm4b:s1+s24], $0x80, s12, s24, $0xb8;
	[tilespmem:$0x1E800] =	vst v63  }
0x93: {  	_ =	swait.ge [sflag:s28], $0x4000  }
0x94: {  	[sflag:s28] =	ssyncset.done $0x0  }
0x95: {  	s13 =	simm.s32 $0x1480;
	[sflag:s28] =	ssyncadd.s32 $0xFFFFC000  }
0x96: {  	[spmem:s2] =	stream.indirect.scatter.add.f32 [tilespmem:s25], [sflag:$0x3], $0x80, s13, s24, $0xb8;
	[tilespmem:$0x1E800] =	vst v63  }
0x97: {  	_ =	swait.ge [sflag:s22], $0x4000  }
0x98: {  	s4 =	simm.s32 $0x100;
	s5 =	simm.s32 $0x800;
	[sflag:s22] =	ssyncset.done $0x0  }
.LBB2_4:
0x99: {  	s11 =	sadd.s32 $0x80, s4  }
0x9a: {  	[sflag:s22] =	ssyncadd.s32 $0xFFFFC000;
	s12 =	smov.u32 s5;
	s13 =	sadd.s32 $0x400, s5  }
0x9b: {  	[tilespmem:s25], [sflag:$0x2] =	stream.indirect.gather [hbm4b:s1+s24], $0x80, s11, s24, $0xb8;
	[tilespmem:$0x1E800] =	vst v63  }
0x9c: {  	p0 =	sne.s32 s5, $0x4800;
	_ =	swait.ge [sflag:s26], $0x4000  }
0x9d: {  	[sflag:s26] =	ssyncset.done $0x0  }
0x9e: {  	s5 =	sadd.s32 $0x1400, s4;
	[sflag:s26] =	ssyncadd.s32 $0xFFFFC000  }
0x9f: {  	[spmem:s2] =	stream.indirect.scatter.add.f32 [tilespmem:s21], [sflag:$0x3], $0x80, s5, s24, $0xb8;
	[tilespmem:$0x1E800] =	vst v63  }
0xa0: {  	_ =	swait.ge [sflag:s22], $0x4000  }
0xa1: {  	[sflag:s22] =	ssyncset.done $0x0  }
0xa2: {  	s5 =	sadd.s32 $0x100, s4;
	[sflag:s22] =	ssyncadd.s32 $0xFFFFC000  }
0xa3: {  	[tilespmem:s21], [sflag:$0x1] =	stream.indirect.gather [hbm4b:s1+s24], $0x80, s5, s24, $0xb8;
	[tilespmem:$0x1E800] =	vst v63  }
0xa4: {  	_ =	swait.ge [sflag:s28], $0x4000  }
.Ltmp1:
0xa5: {  	[sflag:s28] =	ssyncset.done $0x0;
	(pc) =	sbr.rel @p0 .LBB2_4-.Ltmp1, $4  }
0xa6: {  	s4 =	sadd.s32 $0x1480, s4;
	[sflag:s28] =	ssyncadd.s32 $0xFFFFC000  }
0xa7: {  	[spmem:s2] =	stream.indirect.scatter.add.f32 [tilespmem:s25], [sflag:$0x3], $0x80, s4, s24, $0xb8;
	[tilespmem:$0x1E800] =	vst v63  }
0xa8: {  	_ =	swait.ge [sflag:s22], $0x4000  }
0xa9: {  	s5 =	smov.u32 s13;
	s4 =	sshra.s32 s12, $0x2;
	[sflag:s22] =	ssyncset.done $0x0  }
0xaa: {  	s5 =	sadd.s32 $0x80, s4;
	[sflag:s22] =	ssyncadd.s32 $0xFFFFC000  }
0xab: {  	[tilespmem:s25], [sflag:$0x2] =	stream.indirect.gather [hbm4b:s1+s24], $0x80, s5, s24, $0xb8;
	[tilespmem:$0x1E800] =	vst v63  }
0xac: {  	_ =	swait.ge [sflag:s26], $0x4000  }
0xad: {  	[sflag:s26] =	ssyncset.done $0x0  }
0xae: {  	s11 =	sadd.s32 $0x1400, s4;
	[sflag:s26] =	ssyncadd.s32 $0xFFFFC000  }
0xaf: {  	[spmem:s2] =	stream.indirect.scatter.add.f32 [tilespmem:s21], [sflag:$0x3], $0x80, s11, s24, $0xb8;
	[tilespmem:$0x1E800] =	vst v63  }
0xb0: {  	_ =	swait.ge [sflag:s22], $0x4000  }
0xb1: {  	[sflag:s22] =	ssyncset.done $0x0  }
0xb2: {  	s12 =	sadd.s32 $0x100, s4;
	[sflag:s22] =	ssyncadd.s32 $0xFFFFC000  }
0xb3: {  	[tilespmem:s21], [sflag:$0x1] =	stream.indirect.gather [hbm4b:s1+s24], $0x80, s12, s24, $0xb8;
	[tilespmem:$0x1E800] =	vst v63  }
0xb4: {  	_ =	swait.ge [sflag:s28], $0x4000  }
0xb5: {  	[sflag:s28] =	ssyncset.done $0x0  }
0xb6: {  	s13 =	sadd.s32 $0x1480, s4;
	[sflag:s28] =	ssyncadd.s32 $0xFFFFC000  }
0xb7: {  	[spmem:s2] =	stream.indirect.scatter.add.f32 [tilespmem:s25], [sflag:$0x3], $0x80, s13, s24, $0xb8;
	[tilespmem:$0x1E800] =	vst v63  }
0xb8: {  	_ =	swait.ge [sflag:s22], $0x4000  }
0xb9: {  	[sflag:s22] =	ssyncset.done $0x0  }
0xba: {  	[sflag:s22] =	ssyncadd.s32 $0xFFFFC000  }
0xbb: {  	[tilespmem:s25], [sflag:$0x2] =	stream.indirect.gather [hbm4b:s1+s24], $0x80, s29, s24, $0xb8;
	[tilespmem:$0x1E800] =	vst v63  }
0xbc: {  	_ =	swait.ge [sflag:s26], $0x4000  }
0xbd: {  	[sflag:s26] =	ssyncset.done $0x0  }
0xbe: {  	[sflag:s26] =	ssyncadd.s32 $0xFFFFC000  }
0xbf: {  	[spmem:s2] =	stream.indirect.scatter.add.f32 [tilespmem:s21], [sflag:$0x3], $0x80, s30, s24, $0xb8;
	[tilespmem:$0x1E800] =	vst v63  }
0xc0: {  	_ =	swait.ge [sflag:s22], $0x4000  }
0xc1: {  	[sflag:s22] =	ssyncset.done $0x0  }
0xc2: {  	[sflag:s22] =	ssyncadd.s32 $0xFFFFC000  }
0xc3: {  	_ =	swait.ge [sflag:s28], $0x4000  }
0xc4: {  	[sflag:s28] =	ssyncset.done $0x0  }
0xc5: {  	[sflag:s28] =	ssyncadd.s32 $0xFFFFC000  }
0xc6: {  	[spmem:s2] =	stream.indirect.scatter.add.f32 [tilespmem:s25], [sflag:$0x3], $0x80, s31, s24, $0xb8;
	[tilespmem:$0x1E800] =	vst v63  }
0xc7: {  	_ =	swait.ge [sflag:s22], $0x4000  }
0xc8: {  	[sflag:s22] =	ssyncset.done $0x0  }
0xc9: {  	[sflag:s22] =	ssyncadd.s32 $0xFFFFC000  }
0xca: {  	[bflag:$0x0] =	sbarrier.arrive $0xFFFF  }
0xcb: {  	[tilespmem:s21], [sflag:$0x3] =	stream.linear.gather [spmem:s6], $0x4000, $0x38;
	[tilespmem:$0x1E800] =	vst v63  }
0xcc: {  	_ =	swait.ge [sflag:s22], $0x4000  }
0xcd: {  	[sflag:s22] =	ssyncset.done $0x0  }
0xce: {  	[sflag:s22] =	ssyncadd.s32 $0xFFFFC000  }
0xcf: {  	[hbm4b:s15+s3] =	stream.linear.scatter [tilespmem:s21], [sflag:$0x3], $0x4000, $0x38;
	[tilespmem:$0x1E800] =	vst v63  }
0xd0: {  	_ =	swait.ge [sflag:s22], $0x4000  }
0xd1: {  	[sflag:s22] =	ssyncset.done $0x0  }
0xd2: {  	[sflag:s22] =	ssyncadd.s32 $0xFFFFC000  }
0xd3: {  	[tilespmem:s21], [sflag:$0x3] =	stream.linear.gather [spmem:s7], $0x4000, $0x38;
	[tilespmem:$0x1E800] =	vst v63  }
0xd4: {  	_ =	swait.ge [sflag:s22], $0x4000  }
0xd5: {  	[sflag:s22] =	ssyncset.done $0x0  }
0xd6: {  	[sflag:s22] =	ssyncadd.s32 $0xFFFFC000  }
0xd7: {  	[hbm4b:s16+s3] =	stream.linear.scatter [tilespmem:s21], [sflag:$0x3], $0x4000, $0x38;
	[tilespmem:$0x1E800] =	vst v63  }
0xd8: {  	_ =	swait.ge [sflag:s22], $0x4000  }
0xd9: {  	[sflag:s22] =	ssyncset.done $0x0  }
0xda: {  	[sflag:s22] =	ssyncadd.s32 $0xFFFFC000  }
0xdb: {  	[tilespmem:s21], [sflag:$0x3] =	stream.linear.gather [spmem:s8], $0x4000, $0x38;
	[tilespmem:$0x1E800] =	vst v63  }
0xdc: {  	_ =	swait.ge [sflag:s22], $0x4000  }
0xdd: {  	[sflag:s22] =	ssyncset.done $0x0  }
0xde: {  	[sflag:s22] =	ssyncadd.s32 $0xFFFFC000  }
0xdf: {  	[hbm4b:s17+s3] =	stream.linear.scatter [tilespmem:s21], [sflag:$0x3], $0x4000, $0x38;
	[tilespmem:$0x1E800] =	vst v63  }
0xe0: {  	_ =	swait.ge [sflag:s22], $0x4000  }
0xe1: {  	[sflag:s22] =	ssyncset.done $0x0  }
0xe2: {  	[sflag:s22] =	ssyncadd.s32 $0xFFFFC000  }
0xe3: {  	[tilespmem:s21], [sflag:$0x3] =	stream.linear.gather [spmem:s9], $0x4000, $0x38;
	[tilespmem:$0x1E800] =	vst v63  }
0xe4: {  	_ =	swait.ge [sflag:s22], $0x4000  }
0xe5: {  	[sflag:s22] =	ssyncset.done $0x0  }
0xe6: {  	[sflag:s22] =	ssyncadd.s32 $0xFFFFC000  }
0xe7: {  	[hbm4b:s18+s3] =	stream.linear.scatter [tilespmem:s21], [sflag:$0x3], $0x4000, $0x38;
	[tilespmem:$0x1E800] =	vst v63  }
0xe8: {  	_ =	swait.ge [sflag:s22], $0x4000  }
0xe9: {  	[sflag:s22] =	ssyncset.done $0x0  }
0xea: {  	[sflag:s22] =	ssyncadd.s32 $0xFFFFC000  }
0xeb: {  	[tilespmem:s21], [sflag:$0x3] =	stream.linear.gather [spmem:s10], $0x4000, $0x38;
	[tilespmem:$0x1E800] =	vst v63  }
0xec: {  	s0 =	sadd.s32 $0x1, s0;
	_ =	swait.ge [sflag:s22], $0x4000  }
0xed: {  	p0 =	sne.s32 s0, s20;
	[sflag:s22] =	ssyncset.done $0x0  }
.Ltmp2:
0xee: {  	[sflag:s22] =	ssyncadd.s32 $0xFFFFC000;
	(pc) =	sbr.rel @p0 .LBB2_1-.Ltmp2, $4  }
0xef: {  	[hbm4b:s19+s3] =	stream.linear.scatter [tilespmem:s21], [sflag:$0x3], $0x4000, $0x38;
	[tilespmem:$0x1E800] =	vst v63  }
0xf0: {  	_ =	swait.ge [sflag:s22], $0x4000  }
0xf1: {  	[sflag:s22] =	ssyncset.done $0x0  }
0xf2: {  	[sflag:s22] =	ssyncadd.s32 $0xFFFFC000  }
0xf3: {  	_ =	sfence.sel $0x180000  }
0xf4: {  	[bflag:$0x0] =	sbarrier.arrive $0xFFFF  }
0xf5: {  	_ =	strace $0x9000004A  }
0xf6: {  	s0 =	stileid.u32;
	[bflag:$0x2] =	sbarrier.arrive $0xFFFF  }
0xf7: {  	p0 =	sne.s32 s0, $0x0;
	s0 =	rddreg [dreg:$0x3]  }
0xf8: {  	s0 =	sadd.s32 @!p0 $0x100000, s0  }
0xf9: {  	[sflag:s0] =	ssyncadd.tile.s32 @!p0 $0x1;
	_ =	shalt  }
.Lfunc_end2:
_tile_overlayer_lowered:
.L_overlay_start_2:
0xfa: {  	(tag) =	ssettag $0x2  }
0xfb: {  	s0 =	rddreg [dreg:$0x0];
	s2 =	stileid.u32  }
0xfc: {  	s1 =	rddreg [dreg:$0x1];
	p0 =	sne.s32 s2, $0x0  }
0xfd: {  	s3 =	rddreg [dreg:$0x2];
	[bflag:$0x3] =	sbarrier.arrive $0xFFFF;
	s2 =	simm.s32 @!p0 $0x1C03  }
0xfe: {  	[timem:s3], [sflag:s2] =	dma.local @!p0 [hbm:s0], s1  }
0xff: {  	s0 =	simm.s32 @!p0 $0x3  }
0x100: {  	_ =	swait.ge @!p0 [sflag:s0], s1  }
0x101: {  	s1 =	ssub.s32 @!p0 $0x0, s1;
	[sflag:s0] =	ssyncset.done @!p0 $0x0  }
0x102: {  	[sflag:s0] =	ssyncadd.s32 @!p0 s1  }
0x103: {  	[bflag:$0x3] =	sbarrier.arrive $0xFFFF  }
0x104: {  	_ =	shalt  }

// kernel: kernel.14.cloned.1.call-start
scs
__scs_entry_jumppad:
0x0: {  	(pc) =	sbr.rel $0x88, $3  }
0x1: {  	(tag) =	ssettag $0x0;
	lr =	simm.s32 $0x1  }
0x2: {  	[smem:$0x3F99] =	sst lr;
	_ =	strace $0xD0000000  }
0x3: {  	_ = 	snop  }
0x4: {  	_ = 	snop  }
0x5: {  	_ = 	snop  }
0x6: {  	_ = 	snop  }
0x7: {  	_ = 	snop  }
__scs_overlays_trampoline_lowered:
0x8: {  	[smem:$0x3FA8] =	sst s0  }
0x9: {  	[smem:$0x3FA9] =	sst s1  }
0xa: {  	[smem:$0x3FAA] =	sst s2  }
0xb: {  	[smem:$0x3FAB] =	sst s3  }
0xc: {  	[smem:$0x3FAC] =	sst s4  }
0xd: {  	[smem:$0x3FAD] =	sst s5  }
0xe: {  	[smem:$0x3FAE] =	sst s6  }
0xf: {  	[smem:$0x3FAF] =	sst s7  }
0x10: {  	[smem:$0x3FB0] =	sst s8  }
0x11: {  	[smem:$0x3FB1] =	sst s9;
	s0 =	simm.s32 @!p0 $0x0  }
0x12: {  	s1 =	sld [smem:$0x3F97];
	s0 =	simm.s32 @p0 $0x1  }
0x13: {  	[smem:$0x3FB2] =	sst s0;
	s0 =	simm.s32 @!p1 $0x0  }
0x14: {  	s2 =	sld [smem:$0x3F96];
	s0 =	simm.s32 @p1 $0x1  }
0x15: {  	[smem:$0x3FB3] =	sst s0;
	s0 =	simm.s32 @!p2 $0x0  }
0x16: {  	s3 =	sld [smem:$0x3FDB];
	s0 =	simm.s32 @p2 $0x1  }
0x17: {  	s4 =	simm.s32 $0x1BF5;
	[smem:$0x3FB5] =	sst s0  }
0x18: {  	s0 =	sld [smem:$0x3F98];
	_ =	swait.ge [sflag:s4], $0x0  }
0x19: {  	s7 =	sld [smem:$0x3F99]  }
0x1a: {  	s8 =	sadd.s32 $0xFFFFE003, lr  }
0x1b: {  	s9 =	sadd.s32 $0xFFFFFEF7, lr;
	s5 =	simm.s32 $0xFFFFFFFF;
	p2 =	slt.u32 s8, $0xFFFFF086  }
0x1c: {  	p1 =	slt.u32 s9, $0xF7A;
	s5 =	simm.s32 @!p2 $0x0  }
0x1d: {  	s5 =	simm.s32 @p1 $0x1;
	p0 =	seq.s32 s7, s2  }
0x1e: {  	s7 =	smul.u32 @!p0 $0xF7A, s2;
	p2 =	seq.s32 @!p0 s5, $0x0  }
0x1f: {  	s9 =	smul.u32 $0xF7A, s1;
	s8 =	simm.s32 @!p0 $0x1BF5;
	p2 =	por !p2, p0  }
0x20: {  	[sflag:s8] =	ssyncset.s32 @!p0 $0xFFFFF086;
	s6 =	sadd.s32 @!p0 s3, s7;
	s7 =	simm.s32 @!p0 $0x108  }
0x21: {  	s3 =	sadd.s32 s3, s9;
	s6 =	sadd.s32 @!p0 $0x88, s6;
	s7 =	simm.s32 @p2 $0x1082  }
0x22: {  	[simem:s7], [sflag:s8] =	dma.local @!p0 [hbm:s6], $0xF7A  }
0x23: {  	s9 =	sor.u32 $0xD0000000, s2;
	s6 =	simm.s32 $0x108;
	_ =	swait.ge @!p0 [sflag:s8], $0x0  }
0x24: {  	s3 =	sadd.s32 $0x88, s3;
	s6 =	simm.s32 @!p1 $0x1082;
	[sflag:s4] =	ssyncset.s32 $0xFFFFF086  }
0x25: {  	[simem:s6], [sflag:s4] =	dma.local [hbm:s3], $0xF7A  }
0x26: {  	[smem:$0x3F99] =	sst s1;
	(tag) =	ssettag s2;
	_ =	strace s9  }
0x27: {  	s1 =	sld [smem:$0x3FA9]  }
0x28: {  	s2 =	sld [smem:$0x3FAA]  }
0x29: {  	s4 =	sld [smem:$0x3FAC]  }
0x2a: {  	p0 =	seq.s32 s5, $0x0;
	s5 =	sld [smem:$0x3FAD]  }
0x2b: {  	s6 =	sld [smem:$0x3FAE]  }
0x2c: {  	s7 =	sld [smem:$0x3FAF]  }
0x2d: {  	s3 =	simm.s32 $0x108;
	s8 =	sld [smem:$0x3FB0]  }
0x2e: {  	s3 =	simm.s32 @!p0 $0x1082;
	s9 =	sld [smem:$0x3FB1]  }
0x2f: {  	lr =	sadd.s32 s0, s3;
	s0 =	sld [smem:$0x3FA8]  }
0x30: {  	s3 =	sld [smem:$0x3FAB]  }
0x31: {  	[smem:$0x3FB4] =	sst s10  }
0x32: {  	s10 =	sld [smem:$0x3FB2];
	_ =	sdelay $0x3  }
0x33: {  	p0 =	seq.s32 s10, $0x1;
	s10 =	sld [smem:$0x3FB4];
	_ =	sdelay $0x3  }
0x34: {  	[smem:$0x3FB4] =	sst s10  }
0x35: {  	s10 =	sld [smem:$0x3FB3];
	_ =	sdelay $0x3  }
0x36: {  	p1 =	seq.s32 s10, $0x1;
	s10 =	sld [smem:$0x3FB4];
	_ =	sdelay $0x3  }
0x37: {  	[smem:$0x3FB4] =	sst s10  }
0x38: {  	s10 =	sld [smem:$0x3FB5]  }
0x39: {  	_ = 	snop;
	(pc) =	sbr.ind lr, $3  }
0x3a: {  	_ = 	snop  }
0x3b: {  	_ = 	snop  }
0x3c: {  	p2 =	seq.s32 s10, $0x1;
	s10 =	sld [smem:$0x3FB4]  }
0x3d: {  	_ =	shalt  }
0x3e: {  	_ =	shalt  }
0x3f: {  	_ =	shalt  }
0x40: {  	_ =	shalt  }
0x41: {  	_ =	shalt  }
0x42: {  	_ =	shalt  }
0x43: {  	_ =	shalt  }
0x44: {  	_ =	shalt  }
0x45: {  	_ =	shalt  }
0x46: {  	_ =	shalt  }
0x47: {  	_ =	shalt  }
0x48: {  	_ =	shalt  }
0x49: {  	_ =	shalt  }
0x4a: {  	_ =	shalt  }
0x4b: {  	_ =	shalt  }
0x4c: {  	_ =	shalt  }
0x4d: {  	_ =	shalt  }
0x4e: {  	_ =	shalt  }
0x4f: {  	_ =	shalt  }
0x50: {  	_ =	shalt  }
0x51: {  	_ =	shalt  }
0x52: {  	_ =	shalt  }
0x53: {  	_ =	shalt  }
0x54: {  	_ =	shalt  }
0x55: {  	_ =	shalt  }
0x56: {  	_ =	shalt  }
0x57: {  	_ =	shalt  }
0x58: {  	_ =	shalt  }
0x59: {  	_ =	shalt  }
0x5a: {  	_ =	shalt  }
0x5b: {  	_ =	shalt  }
0x5c: {  	_ =	shalt  }
0x5d: {  	_ =	shalt  }
0x5e: {  	_ =	shalt  }
0x5f: {  	_ =	shalt  }
0x60: {  	_ =	shalt  }
0x61: {  	_ =	shalt  }
0x62: {  	_ =	shalt  }
0x63: {  	_ =	shalt  }
0x64: {  	_ =	shalt  }
0x65: {  	_ =	shalt  }
0x66: {  	_ =	shalt  }
0x67: {  	_ =	shalt  }
0x68: {  	_ =	shalt  }
0x69: {  	_ =	shalt  }
0x6a: {  	_ =	shalt  }
0x6b: {  	_ =	shalt  }
0x6c: {  	_ =	shalt  }
0x6d: {  	_ =	shalt  }
0x6e: {  	_ =	shalt  }
0x6f: {  	_ =	shalt  }
0x70: {  	_ =	shalt  }
0x71: {  	_ =	shalt  }
0x72: {  	_ =	shalt  }
0x73: {  	_ =	shalt  }
0x74: {  	_ =	shalt  }
0x75: {  	_ =	shalt  }
0x76: {  	_ =	shalt  }
0x77: {  	_ =	shalt  }
0x78: {  	_ =	shalt  }
0x79: {  	_ =	shalt  }
0x7a: {  	_ =	shalt  }
0x7b: {  	_ =	shalt  }
0x7c: {  	_ =	shalt  }
0x7d: {  	_ =	shalt  }
0x7e: {  	_ =	shalt  }
0x7f: {  	_ =	shalt  }
0x80: {  	_ =	shalt  }
0x81: {  	_ =	shalt  }
0x82: {  	_ =	shalt  }
0x83: {  	_ =	shalt  }
0x84: {  	_ =	shalt  }
0x85: {  	_ =	shalt  }
0x86: {  	_ =	shalt  }
0x87: {  	_ =	shalt  }
.Lfunc_end0:
.L_simem_size_0:
called_computation.2_lowered:
.L_overlay_start_0:
0x88: {  	s2 =	sld [smem:$0x3FD9]  }
0x89: {  	s3 =	sld [smem:$0x3FFE];
	_ =	sdelay $0x1  }
0x8a: {  	s1 =	srdreg.scid  }
0x8b: {  	s0 =	sand.u32 $0x1, s1  }
0x8c: {  	s17 =	sshll.u32 s0, $0xA;
	s2 =	sadd.s32 s3, s2  }
0x8d: {  	s2 =	sadd.s32 s2, s17  }
0x8e: {  	[smem:$0x3FC0] =	sst s2  }
0x8f: {  	_ = 	snop  }
0x90: {  	s2 =	sld [smem:$0x3FD0];
	(tm) =	ssettm $0x1  }
0x91: {  	s18 =	sld [smem:$0x3FFB];
	_ =	sdelay $0x3  }
0x92: {  	_ =	strace s18  }
0x93: {  	s3 =	sld [smem:$0x3FFC];
	_ =	sdelay $0x3  }
0x94: {  	_ =	strace s3  }
0x95: {  	s3 =	sld [smem:$0x3FFD];
	_ =	sdelay $0x3  }
0x96: {  	_ =	strace s3  }
0x97: {  	_ =	strace $0x8FFFFFFF  }
0x98: {  	s19 =	sld [smem:$0x3FDB];
	_ =	sdelay $0x1  }
0x99: {  	s4 =	simm.s32 $_scs_section_size  }
0x9a: {  	s5 =	simm.s32 $_size__tile_overlayer_lowered;
	s6 =	simm.s32 $_tile_overlayer_lowered  }
0x9b: {  	s22 =	simm.s32 $0x1BFF;
	s21 =	sshll.u32 s6, $0x1;
	s3 =	sadd.s32 s4, s19  }
0x9c: {  	s7 =	simm.s32 $0x0;
	s20 =	sshll.u32 s5, $0x1;
	s5 =	sadd.s32 s21, s3  }
0x9d: {  	[timem:s7], [sflag:s22] =	dma.local [hbm:s5], s20  }
0x9e: {  	_ =	swait.ge [sflag:s22], s20  }
0x9f: {  	s4 =	ssub.s32 $0x0, s20;
	[sflag:s22] =	ssyncset.done $0x0  }
0xa0: {  	[sflag:s22] =	ssyncadd.s32 s4;
	_ =	sdelay $0x1  }
0xa1: {  	s23 =	simm.s32 $0x1B8B  }
0xa2: {  	_ =	swait.ge [sflag:s23], $0x1  }
0xa3: {  	[sflag:s23] =	ssyncset.done $0x0  }
0xa4: {  	s25 =	simm.s32 $0x1B8E;
	s24 =	sld [smem:$0x3FFE];
	[sflag:s23] =	ssyncadd.s32 $0xFFFFFFFF  }
0xa5: {  	s26 =	simm.s32 $execute0_lowered;
	[smem:$0x3FD2] =	sst s25  }
0xa6: {  	s5 =	sshll.u32 s26, $0x1;
	_ =	strace $0x8000004C;
	[dreg:$0x1] =	wrdreg $0xFFFFFFFF  }
0xa7: {  	s28 =	simm.s32 $_size_execute0_lowered;
	s3 =	sadd.s32 s3, s5;
	[dreg:$0x0] =	wrdreg $0x0  }
0xa8: {  	s5 =	sshll.u32 s28, $0x1;
	[dreg:$0x2] =	wrdreg s3  }
0xa9: {  	[dreg:$0x3] =	wrdreg s5  }
0xaa: {  	[dreg:$0x4] =	wrdreg $0xC0  }
0xab: {  	_ =	task [dreg:s7], $0x5FFFF  }
0xac: {  	[dreg:$0x1] =	wrdreg $0xFFFFFFFF  }
0xad: {  	[dreg:$0x0] =	wrdreg $0x60  }
0xae: {  	[dreg:$0x2] =	wrdreg s2  }
0xaf: {  	[dreg:$0x3] =	wrdreg s24  }
0xb0: {  	[dreg:$0x4] =	wrdreg $0xA8000  }
0xb1: {  	[dreg:$0x5] =	wrdreg $0x9  }
0xb2: {  	_ =	task.clear_ibuf [dreg:s7], $0x6FFFF;
	_ =	strace $0x9000004C  }
0xb3: {  	s29 =	simm.s32 $0x9;
	_ =	strace $0x8000004E  }
0xb4: {  	_ =	swait.ge [sflag:s29], $0x1  }
0xb5: {  	[sflag:s29] =	ssyncadd.s32 $0xFFFFFFFF  }
0xb6: {  	_ =	strace $0x9000004E  }
0xb7: {  	_ =	sfence  }
0xb8: {  	s30 =	sld [smem:$0x0];
	_ =	sdelay $0x2  }
0xb9: {  	s31 =	sshll.u32 s1, $0xD;
	s1 =	sshrl.u32 s1, $0x2  }
0xba: {  	s3 =	sand.u32 $0x4000, s31;
	s1 =	sadd.s32 s1, s30  }
0xbb: {  	s0 =	sor.u32 s3, s0;
	s1 =	sshll.u32 s1, $0x11  }
0xbc: {  	s0 =	sor.u32 s1, s0  }
0xbd: {  	s0 =	sadd.s32 $0x8F2B, s0  }
0xbe: {  	[sflag:s0] =	ssyncadd.remote.s32 $0x1  }
0xbf: {  	_ =	sfence.sel $0xFFFF  }
0xc0: {  	[dreg:$0x0] =	wrdreg $0xFFFFFFFF;
	(pc) =	sbr.abs _section_cstart, $3  }
0xc1: {  	[dreg:$0x1] =	wrdreg $0xFFFFFFFF  }
0xc2: {  	_ =	task.clear_ibuf [dreg:s7], $0x2FFFF;
	_ =	strace $0x9FFFFFFF  }
0xc3: {  	(tm) =	ssettm $0x7FFFFFFF  }
tec
execute0_lowered:
.L_overlay_start_1:
0x0: {  	(tag) =	ssettag $0x1  }
0x1: {  	s1 =	rddreg [dreg:$0x0]  }
0x2: {  	s0 =	rddreg [dreg:$0x1]  }
0x3: {  	s2 =	rddreg [dreg:$0x2];
	s3 =	simm.s32 $0x0;
	s4 =	srdreg.scid  }
0x4: {  	s8 =	stileid.u32;
	s28 =	simm.s32 $0x2;
	s29 =	simm.s32 $0x1380  }
0x5: {  	s30 =	simm.s32 $0x2700;
	s31 =	simm.s32 $0x2780;
	[smem:$0x7FF] =	sst s3  }
0x6: {  	s5 =	sadd.s32 $0x5D600, s0;
	s14 =	sadd.s32 $0x2E00, s0;
	s4 =	sand.u32 $0x1, s4  }
0x7: {  	s6 =	sadd.s32 $0xCE00, s0;
	s0 =	sadd.s32 $0xD600, s0;
	s13 =	smul.u32 $0x280, s8  }
0x8: {  	s12 =	smul.u32 $0x50000, s8;
	_ =	strace $0x8000004D;
	[dreg:$0x4] =	wrdreg s6  }
0x9: {  	s10 =	ssub.s32 $0x2, s4;
	s11 =	sshll.u32 s4, $0x4;
	s4 =	smul.u32 $0x2800, s4  }
0xa: {  	s7 =	sshrl.u32 s10, $0x1;
	s9 =	sor.u32 s8, s11;
	s15 =	sadd.s32 $0x80, s13  }
0xb: {  	s17 =	sadd.s32 $0x100, s13;
	s16 =	sshrl.u32 s12, $0x2;
	s20 =	ssub.s32 s10, s7  }
0xc: {  	s18 =	sshll.u32 s15, $0x7;
	s19 =	sshll.u32 s17, $0x7;
	s12 =	smul.u32 $0x500, s9  }
0xd: {  	s6 =	sadd.s32 s16, s2;
	s16 =	smul.u32 $0x2800, s9;
	s15 =	sadd.s32 s4, s15  }
0xe: {  	s25 =	sadd.s32 s4, s17;
	s7 =	sadd.s32 s18, s2;
	s8 =	sadd.s32 s19, s2  }
0xf: {  	s18 =	sadd.s32 $0x180, s13;
	s19 =	sadd.s32 $0x200, s13;
	s24 =	sshll.u32 s15, $0x4  }
0x10: {  	s20 =	smax.u32 s20, $0x1;
	s10 =	sshll.u32 s18, $0x7;
	s11 =	sshll.u32 s19, $0x7  }
0x11: {  	s21 =	sadd.s32 s5, s12;
	s22 =	sadd.s32 s14, s12;
	s16 =	sshrl.u32 s16, $0x3  }
0x12: {  	s26 =	sadd.s32 s4, s18;
	s9 =	sadd.s32 s10, s2;
	[dreg:$0x5] =	wrdreg s21  }
0x13: {  	s10 =	sadd.s32 s11, s2;
	[dreg:$0x6] =	wrdreg s22;
	s16 =	sadd.s32 $0x280, s16  }
0x14: {  	s21 =	sadd.s32 s13, s4;
	s4 =	sadd.s32 s4, s19;
	s18 =	sshll.u32 s26, $0x4  }
0x15: {  	s22 =	simm.s32 $0x3;
	s26 =	simm.s32 $0x1;
	s5 =	sadd.s32 s5, s16  }
0x16: {  	s23 =	sshll.u32 s21, $0x4;
	s14 =	sadd.s32 s14, s16;
	s16 =	sadd.s32 s0, s24  }
0x17: {  	s4 =	sshll.u32 s4, $0x4;
	s18 =	sadd.s32 s0, s18;
	s21 =	simm.s32 $0x2800  }
0x18: {  	s24 =	simm.s32 $0x80;
	[dreg:$0x7] =	wrdreg s5;
	s15 =	sadd.s32 s0, s23  }
0x19: {  	s5 =	sshll.u32 s25, $0x4;
	s19 =	sadd.s32 s0, s4;
	s23 =	simm.s32 $0x1400  }
0x1a: {  	s25 =	simm.s32 $0x6800;
	s17 =	sadd.s32 s0, s5;
	s0 =	simm.s32 $0x0  }
.LBB2_1:
0x1b: {  	s4 =	rddreg [dreg:$0x4]  }
0x1c: {  	[tilespmem:s21], [sflag:$0x3] =	stream.linear.gather [hbm4b:s4+s3], $0x4000, $0x38;
	[tilespmem:$0x1E800] =	vst v63  }
0x1d: {  	_ =	swait.ge [sflag:s22], $0x4000  }
0x1e: {  	[sflag:s22] =	ssyncset.done $0x0  }
0x1f: {  	[sflag:s22] =	ssyncadd.s32 $0xFFFFC000  }
0x20: {  	[spmem:s6] =	stream.linear.scatter [tilespmem:s21], [sflag:$0x3], $0x4000, $0x38;
	[tilespmem:$0x1E800] =	vst v63  }
0x21: {  	_ =	swait.ge [sflag:s22], $0x4000  }
0x22: {  	[sflag:s22] =	ssyncset.done $0x0  }
0x23: {  	[sflag:s22] =	ssyncadd.s32 $0xFFFFC000  }
0x24: {  	[spmem:s7] =	stream.linear.scatter [tilespmem:s21], [sflag:$0x3], $0x4000, $0x38;
	[tilespmem:$0x1E800] =	vst v63  }
0x25: {  	_ =	swait.ge [sflag:s22], $0x4000  }
0x26: {  	[sflag:s22] =	ssyncset.done $0x0  }
0x27: {  	[sflag:s22] =	ssyncadd.s32 $0xFFFFC000  }
0x28: {  	[spmem:s8] =	stream.linear.scatter [tilespmem:s21], [sflag:$0x3], $0x4000, $0x38;
	[tilespmem:$0x1E800] =	vst v63  }
0x29: {  	_ =	swait.ge [sflag:s22], $0x4000  }
0x2a: {  	[sflag:s22] =	ssyncset.done $0x0  }
0x2b: {  	[sflag:s22] =	ssyncadd.s32 $0xFFFFC000  }
0x2c: {  	[spmem:s9] =	stream.linear.scatter [tilespmem:s21], [sflag:$0x3], $0x4000, $0x38;
	[tilespmem:$0x1E800] =	vst v63  }
0x2d: {  	_ =	swait.ge [sflag:s22], $0x4000  }
0x2e: {  	[sflag:s22] =	ssyncset.done $0x0  }
0x2f: {  	[sflag:s22] =	ssyncadd.s32 $0xFFFFC000  }
0x30: {  	[spmem:s10] =	stream.linear.scatter [tilespmem:s21], [sflag:$0x3], $0x4000, $0x38;
	[tilespmem:$0x1E800] =	vst v63  }
0x31: {  	_ =	swait.ge [sflag:s22], $0x4000  }
0x32: {  	[sflag:s22] =	ssyncset.done $0x0  }
0x33: {  	[sflag:s22] =	ssyncadd.s32 $0xFFFFC000  }
0x34: {  	[bflag:$0x0] =	sbarrier.arrive $0xFFFF  }
0x35: {  	s12 =	rddreg [dreg:$0x5]  }
0x36: {  	[tilespmem:s3], [sflag:$0x3] =	stream.linear.gather [hbm4b:s12+s3], $0x1400, $0x38;
	[tilespmem:$0x1E800] =	vst v63  }
0x37: {  	_ =	swait.ge [sflag:s22], $0x1400  }
0x38: {  	[sflag:s22] =	ssyncset.done $0x0  }
0x39: {  	s13 =	rddreg [dreg:$0x6];
	[sflag:s22] =	ssyncadd.s32 $0xFFFFEC00  }
0x3a: {  	[tilespmem:s23], [sflag:$0x3] =	stream.linear.gather [hbm4b:s13+s3], $0x1400, $0x38;
	[tilespmem:$0x1E800] =	vst v63  }
0x3b: {  	_ =	swait.ge [sflag:s22], $0x1400  }
0x3c: {  	[sflag:s22] =	ssyncset.done $0x0  }
0x3d: {  	[sflag:s22] =	ssyncadd.s32 $0xFFFFEC00  }
0x3e: {  	[tilespmem:s21], [sflag:$0x1] =	stream.indirect.gather [hbm4b:s1+s24], $0x80, s3, s24, $0xb8;
	[tilespmem:$0x1E800] =	vst v63  }
0x3f: {  	s5 =	simm.s32 $0x80  }
0x40: {  	[tilespmem:s25], [sflag:$0x2] =	stream.indirect.gather [hbm4b:s1+s24], $0x80, s5, s24, $0xb8;
	[tilespmem:$0x1E800] =	vst v63  }
0x41: {  	_ =	swait.ge [sflag:s26], $0x4000  }
0x42: {  	[sflag:s26] =	ssyncset.done $0x0  }
0x43: {  	s11 =	simm.s32 $0x1400;
	[sflag:s26] =	ssyncadd.s32 $0xFFFFC000  }
0x44: {  	[spmem:s2] =	stream.indirect.scatter.add.f32 [tilespmem:s21], [sflag:$0x3], $0x80, s11, s24, $0xb8;
	[tilespmem:$0x1E800] =	vst v63  }
0x45: {  	_ =	swait.ge [sflag:s22], $0x4000  }
0x46: {  	[sflag:s22] =	ssyncset.done $0x0  }
0x47: {  	s12 =	simm.s32 $0x100;
	[sflag:s22] =	ssyncadd.s32 $0xFFFFC000  }
0x48: {  	[tilespmem:s21], [sflag:$0x1] =	stream.indirect.gather [hbm4b:s1+s24], $0x80, s12, s24, $0xb8;
	[tilespmem:$0x1E800] =	vst v63  }
0x49: {  	_ =	swait.ge [sflag:s28], $0x4000  }
0x4a: {  	[sflag:s28] =	ssyncset.done $0x0  }
0x4b: {  	s13 =	simm.s32 $0x1480;
	[sflag:s28] =	ssyncadd.s32 $0xFFFFC000  }
0x4c: {  	[spmem:s2] =	stream.indirect.scatter.add.f32 [tilespmem:s25], [sflag:$0x3], $0x80, s13, s24, $0xb8;
	[tilespmem:$0x1E800] =	vst v63  }
0x4d: {  	_ =	swait.ge [sflag:s22], $0x4000  }
0x4e: {  	s4 =	simm.s32 $0x100;
	s5 =	simm.s32 $0x800;
	[sflag:s22] =	ssyncset.done $0x0  }
.LBB2_2:
0x4f: {  	s11 =	sadd.s32 $0x80, s4  }
0x50: {  	[sflag:s22] =	ssyncadd.s32 $0xFFFFC000;
	s12 =	smov.u32 s5;
	s13 =	sadd.s32 $0x400, s5  }
0x51: {  	[tilespmem:s25], [sflag:$0x2] =	stream.indirect.gather [hbm4b:s1+s24], $0x80, s11, s24, $0xb8;
	[tilespmem:$0x1E800] =	vst v63  }
0x52: {  	p0 =	sne.s32 s5, $0x4800;
	_ =	swait.ge [sflag:s26], $0x4000  }
0x53: {  	[sflag:s26] =	ssyncset.done $0x0  }
0x54: {  	s5 =	sadd.s32 $0x1400, s4;
	[sflag:s26] =	ssyncadd.s32 $0xFFFFC000  }
0x55: {  	[spmem:s2] =	stream.indirect.scatter.add.f32 [tilespmem:s21], [sflag:$0x3], $0x80, s5, s24, $0xb8;
	[tilespmem:$0x1E800] =	vst v63  }
0x56: {  	_ =	swait.ge [sflag:s22], $0x4000  }
0x57: {  	[sflag:s22] =	ssyncset.done $0x0  }
0x58: {  	s5 =	sadd.s32 $0x100, s4;
	[sflag:s22] =	ssyncadd.s32 $0xFFFFC000  }
0x59: {  	[tilespmem:s21], [sflag:$0x1] =	stream.indirect.gather [hbm4b:s1+s24], $0x80, s5, s24, $0xb8;
	[tilespmem:$0x1E800] =	vst v63  }
0x5a: {  	_ =	swait.ge [sflag:s28], $0x4000  }
.Ltmp0:
0x5b: {  	[sflag:s28] =	ssyncset.done $0x0;
	(pc) =	sbr.rel @p0 .LBB2_2-.Ltmp0, $4  }
0x5c: {  	s4 =	sadd.s32 $0x1480, s4;
	[sflag:s28] =	ssyncadd.s32 $0xFFFFC000  }
0x5d: {  	[spmem:s2] =	stream.indirect.scatter.add.f32 [tilespmem:s25], [sflag:$0x3], $0x80, s4, s24, $0xb8;
	[tilespmem:$0x1E800] =	vst v63  }
0x5e: {  	_ =	swait.ge [sflag:s22], $0x4000  }
0x5f: {  	s5 =	smov.u32 s13;
	s4 =	sshra.s32 s12, $0x2;
	[sflag:s22] =	ssyncset.done $0x0  }
0x60: {  	s5 =	sadd.s32 $0x80, s4;
	[sflag:s22] =	ssyncadd.s32 $0xFFFFC000  }
0x61: {  	[tilespmem:s25], [sflag:$0x2] =	stream.indirect.gather [hbm4b:s1+s24], $0x80, s5, s24, $0xb8;
	[tilespmem:$0x1E800] =	vst v63  }
0x62: {  	_ =	swait.ge [sflag:s26], $0x4000  }
0x63: {  	[sflag:s26] =	ssyncset.done $0x0  }
0x64: {  	s12 =	sadd.s32 $0x1400, s4;
	[sflag:s26] =	ssyncadd.s32 $0xFFFFC000  }
0x65: {  	[spmem:s2] =	stream.indirect.scatter.add.f32 [tilespmem:s21], [sflag:$0x3], $0x80, s12, s24, $0xb8;
	[tilespmem:$0x1E800] =	vst v63  }
0x66: {  	_ =	swait.ge [sflag:s22], $0x4000  }
0x67: {  	[sflag:s22] =	ssyncset.done $0x0  }
0x68: {  	s13 =	sadd.s32 $0x100, s4;
	[sflag:s22] =	ssyncadd.s32 $0xFFFFC000  }
0x69: {  	[tilespmem:s21], [sflag:$0x1] =	stream.indirect.gather [hbm4b:s1+s24], $0x80, s13, s24, $0xb8;
	[tilespmem:$0x1E800] =	vst v63  }
0x6a: {  	_ =	swait.ge [sflag:s28], $0x4000  }
0x6b: {  	[sflag:s28] =	ssyncset.done $0x0  }
0x6c: {  	s11 =	sadd.s32 $0x1480, s4;
	[sflag:s28] =	ssyncadd.s32 $0xFFFFC000  }
0x6d: {  	[spmem:s2] =	stream.indirect.scatter.add.f32 [tilespmem:s25], [sflag:$0x3], $0x80, s11, s24, $0xb8;
	[tilespmem:$0x1E800] =	vst v63  }
0x6e: {  	_ =	swait.ge [sflag:s22], $0x4000  }
0x6f: {  	[sflag:s22] =	ssyncset.done $0x0  }
0x70: {  	[sflag:s22] =	ssyncadd.s32 $0xFFFFC000  }
0x71: {  	[tilespmem:s25], [sflag:$0x2] =	stream.indirect.gather [hbm4b:s1+s24], $0x80, s29, s24, $0xb8;
	[tilespmem:$0x1E800] =	vst v63  }
0x72: {  	_ =	swait.ge [sflag:s26], $0x4000  }
0x73: {  	[sflag:s26] =	ssyncset.done $0x0  }
0x74: {  	[sflag:s26] =	ssyncadd.s32 $0xFFFFC000  }
0x75: {  	[spmem:s2] =	stream.indirect.scatter.add.f32 [tilespmem:s21], [sflag:$0x3], $0x80, s30, s24, $0xb8;
	[tilespmem:$0x1E800] =	vst v63  }
0x76: {  	_ =	swait.ge [sflag:s22], $0x4000  }
0x77: {  	[sflag:s22] =	ssyncset.done $0x0  }
0x78: {  	[sflag:s22] =	ssyncadd.s32 $0xFFFFC000  }
0x79: {  	_ =	swait.ge [sflag:s28], $0x4000  }
0x7a: {  	[sflag:s28] =	ssyncset.done $0x0  }
0x7b: {  	[sflag:s28] =	ssyncadd.s32 $0xFFFFC000  }
0x7c: {  	[spmem:s2] =	stream.indirect.scatter.add.f32 [tilespmem:s25], [sflag:$0x3], $0x80, s31, s24, $0xb8;
	[tilespmem:$0x1E800] =	vst v63  }
0x7d: {  	_ =	swait.ge [sflag:s22], $0x4000  }
0x7e: {  	[sflag:s22] =	ssyncset.done $0x0  }
0x7f: {  	s12 =	simm.s32 $0x0;
	s13 =	rddreg [dreg:$0x7];
	[sflag:s22] =	ssyncadd.s32 $0xFFFFC000  }
0x80: {  	[tilespmem:s12], [sflag:$0x3] =	stream.linear.gather [hbm4b:s13+s12], $0x1400, $0x38;
	[tilespmem:$0x1E800] =	vst v63  }
0x81: {  	_ =	swait.ge [sflag:s22], $0x1400  }
0x82: {  	[sflag:s22] =	ssyncset.done $0x0  }
0x83: {  	[sflag:s22] =	ssyncadd.s32 $0xFFFFEC00  }
0x84: {  	[tilespmem:s23], [sflag:$0x3] =	stream.linear.gather [hbm4b:s14+s12], $0x1400, $0x38;
	[tilespmem:$0x1E800] =	vst v63  }
0x85: {  	_ =	swait.ge [sflag:s22], $0x1400  }
0x86: {  	[sflag:s22] =	ssyncset.done $0x0  }
0x87: {  	[sflag:s22] =	ssyncadd.s32 $0xFFFFEC00  }
0x88: {  	[tilespmem:s21], [sflag:$0x1] =	stream.indirect.gather [hbm4b:s1+s24], $0x80, s12, s24, $0xb8;
	[tilespmem:$0x1E800] =	vst v63  }
0x89: {  	s5 =	simm.s32 $0x80  }
0x8a: {  	[tilespmem:s25], [sflag:$0x2] =	stream.indirect.gather [hbm4b:s1+s24], $0x80, s5, s24, $0xb8;
	[tilespmem:$0x1E800] =	vst v63  }
0x8b: {  	_ =	swait.ge [sflag:s26], $0x4000  }
0x8c: {  	[sflag:s26] =	ssyncset.done $0x0  }
0x8d: {  	s11 =	simm.s32 $0x1400;
	[sflag:s26] =	ssyncadd.s32 $0xFFFFC000  }
0x8e: {  	[spmem:s2] =	stream.indirect.scatter.add.f32 [tilespmem:s21], [sflag:$0x3], $0x80, s11, s24, $0xb8;
	[tilespmem:$0x1E800] =	vst v63  }
0x8f: {  	_ =	swait.ge [sflag:s22], $0x4000  }
0x90: {  	[sflag:s22] =	ssyncset.done $0x0  }
0x91: {  	s12 =	simm.s32 $0x100;
	[sflag:s22] =	ssyncadd.s32 $0xFFFFC000  }
0x92: {  	[tilespmem:s21], [sflag:$0x1] =	stream.indirect.gather [hbm4b:s1+s24], $0x80, s12, s24, $0xb8;
	[tilespmem:$0x1E800] =	vst v63  }
0x93: {  	_ =	swait.ge [sflag:s28], $0x4000  }
0x94: {  	[sflag:s28] =	ssyncset.done $0x0  }
0x95: {  	s13 =	simm.s32 $0x1480;
	[sflag:s28] =	ssyncadd.s32 $0xFFFFC000  }
0x96: {  	[spmem:s2] =	stream.indirect.scatter.add.f32 [tilespmem:s25], [sflag:$0x3], $0x80, s13, s24, $0xb8;
	[tilespmem:$0x1E800] =	vst v63  }
0x97: {  	_ =	swait.ge [sflag:s22], $0x4000  }
0x98: {  	s4 =	simm.s32 $0x100;
	s5 =	simm.s32 $0x800;
	[sflag:s22] =	ssyncset.done $0x0  }
.LBB2_4:
0x99: {  	s11 =	sadd.s32 $0x80, s4  }
0x9a: {  	[sflag:s22] =	ssyncadd.s32 $0xFFFFC000;
	s12 =	smov.u32 s5;
	s13 =	sadd.s32 $0x400, s5  }
0x9b: {  	[tilespmem:s25], [sflag:$0x2] =	stream.indirect.gather [hbm4b:s1+s24], $0x80, s11, s24, $0xb8;
	[tilespmem:$0x1E800] =	vst v63  }
0x9c: {  	p0 =	sne.s32 s5, $0x4800;
	_ =	swait.ge [sflag:s26], $0x4000  }
0x9d: {  	[sflag:s26] =	ssyncset.done $0x0  }
0x9e: {  	s5 =	sadd.s32 $0x1400, s4;
	[sflag:s26] =	ssyncadd.s32 $0xFFFFC000  }
0x9f: {  	[spmem:s2] =	stream.indirect.scatter.add.f32 [tilespmem:s21], [sflag:$0x3], $0x80, s5, s24, $0xb8;
	[tilespmem:$0x1E800] =	vst v63  }
0xa0: {  	_ =	swait.ge [sflag:s22], $0x4000  }
0xa1: {  	[sflag:s22] =	ssyncset.done $0x0  }
0xa2: {  	s5 =	sadd.s32 $0x100, s4;
	[sflag:s22] =	ssyncadd.s32 $0xFFFFC000  }
0xa3: {  	[tilespmem:s21], [sflag:$0x1] =	stream.indirect.gather [hbm4b:s1+s24], $0x80, s5, s24, $0xb8;
	[tilespmem:$0x1E800] =	vst v63  }
0xa4: {  	_ =	swait.ge [sflag:s28], $0x4000  }
.Ltmp1:
0xa5: {  	[sflag:s28] =	ssyncset.done $0x0;
	(pc) =	sbr.rel @p0 .LBB2_4-.Ltmp1, $4  }
0xa6: {  	s4 =	sadd.s32 $0x1480, s4;
	[sflag:s28] =	ssyncadd.s32 $0xFFFFC000  }
0xa7: {  	[spmem:s2] =	stream.indirect.scatter.add.f32 [tilespmem:s25], [sflag:$0x3], $0x80, s4, s24, $0xb8;
	[tilespmem:$0x1E800] =	vst v63  }
0xa8: {  	_ =	swait.ge [sflag:s22], $0x4000  }
0xa9: {  	s5 =	smov.u32 s13;
	s4 =	sshra.s32 s12, $0x2;
	[sflag:s22] =	ssyncset.done $0x0  }
0xaa: {  	s5 =	sadd.s32 $0x80, s4;
	[sflag:s22] =	ssyncadd.s32 $0xFFFFC000  }
0xab: {  	[tilespmem:s25], [sflag:$0x2] =	stream.indirect.gather [hbm4b:s1+s24], $0x80, s5, s24, $0xb8;
	[tilespmem:$0x1E800] =	vst v63  }
0xac: {  	_ =	swait.ge [sflag:s26], $0x4000  }
0xad: {  	[sflag:s26] =	ssyncset.done $0x0  }
0xae: {  	s11 =	sadd.s32 $0x1400, s4;
	[sflag:s26] =	ssyncadd.s32 $0xFFFFC000  }
0xaf: {  	[spmem:s2] =	stream.indirect.scatter.add.f32 [tilespmem:s21], [sflag:$0x3], $0x80, s11, s24, $0xb8;
	[tilespmem:$0x1E800] =	vst v63  }
0xb0: {  	_ =	swait.ge [sflag:s22], $0x4000  }
0xb1: {  	[sflag:s22] =	ssyncset.done $0x0  }
0xb2: {  	s12 =	sadd.s32 $0x100, s4;
	[sflag:s22] =	ssyncadd.s32 $0xFFFFC000  }
0xb3: {  	[tilespmem:s21], [sflag:$0x1] =	stream.indirect.gather [hbm4b:s1+s24], $0x80, s12, s24, $0xb8;
	[tilespmem:$0x1E800] =	vst v63  }
0xb4: {  	_ =	swait.ge [sflag:s28], $0x4000  }
0xb5: {  	[sflag:s28] =	ssyncset.done $0x0  }
0xb6: {  	s13 =	sadd.s32 $0x1480, s4;
	[sflag:s28] =	ssyncadd.s32 $0xFFFFC000  }
0xb7: {  	[spmem:s2] =	stream.indirect.scatter.add.f32 [tilespmem:s25], [sflag:$0x3], $0x80, s13, s24, $0xb8;
	[tilespmem:$0x1E800] =	vst v63  }
0xb8: {  	_ =	swait.ge [sflag:s22], $0x4000  }
0xb9: {  	[sflag:s22] =	ssyncset.done $0x0  }
0xba: {  	[sflag:s22] =	ssyncadd.s32 $0xFFFFC000  }
0xbb: {  	[tilespmem:s25], [sflag:$0x2] =	stream.indirect.gather [hbm4b:s1+s24], $0x80, s29, s24, $0xb8;
	[tilespmem:$0x1E800] =	vst v63  }
0xbc: {  	_ =	swait.ge [sflag:s26], $0x4000  }
0xbd: {  	[sflag:s26] =	ssyncset.done $0x0  }
0xbe: {  	[sflag:s26] =	ssyncadd.s32 $0xFFFFC000  }
0xbf: {  	[spmem:s2] =	stream.indirect.scatter.add.f32 [tilespmem:s21], [sflag:$0x3], $0x80, s30, s24, $0xb8;
	[tilespmem:$0x1E800] =	vst v63  }
0xc0: {  	_ =	swait.ge [sflag:s22], $0x4000  }
0xc1: {  	[sflag:s22] =	ssyncset.done $0x0  }
0xc2: {  	[sflag:s22] =	ssyncadd.s32 $0xFFFFC000  }
0xc3: {  	_ =	swait.ge [sflag:s28], $0x4000  }
0xc4: {  	[sflag:s28] =	ssyncset.done $0x0  }
0xc5: {  	[sflag:s28] =	ssyncadd.s32 $0xFFFFC000  }
0xc6: {  	[spmem:s2] =	stream.indirect.scatter.add.f32 [tilespmem:s25], [sflag:$0x3], $0x80, s31, s24, $0xb8;
	[tilespmem:$0x1E800] =	vst v63  }
0xc7: {  	_ =	swait.ge [sflag:s22], $0x4000  }
0xc8: {  	[sflag:s22] =	ssyncset.done $0x0  }
0xc9: {  	[sflag:s22] =	ssyncadd.s32 $0xFFFFC000  }
0xca: {  	[bflag:$0x0] =	sbarrier.arrive $0xFFFF  }
0xcb: {  	[tilespmem:s21], [sflag:$0x3] =	stream.linear.gather [spmem:s6], $0x4000, $0x38;
	[tilespmem:$0x1E800] =	vst v63  }
0xcc: {  	_ =	swait.ge [sflag:s22], $0x4000  }
0xcd: {  	[sflag:s22] =	ssyncset.done $0x0  }
0xce: {  	[sflag:s22] =	ssyncadd.s32 $0xFFFFC000  }
0xcf: {  	[hbm4b:s15+s3] =	stream.linear.scatter [tilespmem:s21], [sflag:$0x3], $0x4000, $0x38;
	[tilespmem:$0x1E800] =	vst v63  }
0xd0: {  	_ =	swait.ge [sflag:s22], $0x4000  }
0xd1: {  	[sflag:s22] =	ssyncset.done $0x0  }
0xd2: {  	[sflag:s22] =	ssyncadd.s32 $0xFFFFC000  }
0xd3: {  	[tilespmem:s21], [sflag:$0x3] =	stream.linear.gather [spmem:s7], $0x4000, $0x38;
	[tilespmem:$0x1E800] =	vst v63  }
0xd4: {  	_ =	swait.ge [sflag:s22], $0x4000  }
0xd5: {  	[sflag:s22] =	ssyncset.done $0x0  }
0xd6: {  	[sflag:s22] =	ssyncadd.s32 $0xFFFFC000  }
0xd7: {  	[hbm4b:s16+s3] =	stream.linear.scatter [tilespmem:s21], [sflag:$0x3], $0x4000, $0x38;
	[tilespmem:$0x1E800] =	vst v63  }
0xd8: {  	_ =	swait.ge [sflag:s22], $0x4000  }
0xd9: {  	[sflag:s22] =	ssyncset.done $0x0  }
0xda: {  	[sflag:s22] =	ssyncadd.s32 $0xFFFFC000  }
0xdb: {  	[tilespmem:s21], [sflag:$0x3] =	stream.linear.gather [spmem:s8], $0x4000, $0x38;
	[tilespmem:$0x1E800] =	vst v63  }
0xdc: {  	_ =	swait.ge [sflag:s22], $0x4000  }
0xdd: {  	[sflag:s22] =	ssyncset.done $0x0  }
0xde: {  	[sflag:s22] =	ssyncadd.s32 $0xFFFFC000  }
0xdf: {  	[hbm4b:s17+s3] =	stream.linear.scatter [tilespmem:s21], [sflag:$0x3], $0x4000, $0x38;
	[tilespmem:$0x1E800] =	vst v63  }
0xe0: {  	_ =	swait.ge [sflag:s22], $0x4000  }
0xe1: {  	[sflag:s22] =	ssyncset.done $0x0  }
0xe2: {  	[sflag:s22] =	ssyncadd.s32 $0xFFFFC000  }
0xe3: {  	[tilespmem:s21], [sflag:$0x3] =	stream.linear.gather [spmem:s9], $0x4000, $0x38;
	[tilespmem:$0x1E800] =	vst v63  }
0xe4: {  	_ =	swait.ge [sflag:s22], $0x4000  }
0xe5: {  	[sflag:s22] =	ssyncset.done $0x0  }
0xe6: {  	[sflag:s22] =	ssyncadd.s32 $0xFFFFC000  }
0xe7: {  	[hbm4b:s18+s3] =	stream.linear.scatter [tilespmem:s21], [sflag:$0x3], $0x4000, $0x38;
	[tilespmem:$0x1E800] =	vst v63  }
0xe8: {  	_ =	swait.ge [sflag:s22], $0x4000  }
0xe9: {  	[sflag:s22] =	ssyncset.done $0x0  }
0xea: {  	[sflag:s22] =	ssyncadd.s32 $0xFFFFC000  }
0xeb: {  	[tilespmem:s21], [sflag:$0x3] =	stream.linear.gather [spmem:s10], $0x4000, $0x38;
	[tilespmem:$0x1E800] =	vst v63  }
0xec: {  	s0 =	sadd.s32 $0x1, s0;
	_ =	swait.ge [sflag:s22], $0x4000  }
0xed: {  	p0 =	sne.s32 s0, s20;
	[sflag:s22] =	ssyncset.done $0x0  }
.Ltmp2:
0xee: {  	[sflag:s22] =	ssyncadd.s32 $0xFFFFC000;
	(pc) =	sbr.rel @p0 .LBB2_1-.Ltmp2, $4  }
0xef: {  	[hbm4b:s19+s3] =	stream.linear.scatter [tilespmem:s21], [sflag:$0x3], $0x4000, $0x38;
	[tilespmem:$0x1E800] =	vst v63  }
0xf0: {  	_ =	swait.ge [sflag:s22], $0x4000  }
0xf1: {  	[sflag:s22] =	ssyncset.done $0x0  }
0xf2: {  	[sflag:s22] =	ssyncadd.s32 $0xFFFFC000  }
0xf3: {  	_ =	sfence.sel $0x180000  }
0xf4: {  	[bflag:$0x0] =	sbarrier.arrive $0xFFFF  }
0xf5: {  	_ =	strace $0x9000004D  }
0xf6: {  	s0 =	stileid.u32;
	[bflag:$0x2] =	sbarrier.arrive $0xFFFF  }
0xf7: {  	p0 =	sne.s32 s0, $0x0;
	s0 =	rddreg [dreg:$0x3]  }
0xf8: {  	s0 =	sadd.s32 @!p0 $0x100000, s0  }
0xf9: {  	[sflag:s0] =	ssyncadd.tile.s32 @!p0 $0x1;
	_ =	shalt  }
.Lfunc_end2:
_tile_overlayer_lowered:
.L_overlay_start_2:
0xfa: {  	(tag) =	ssettag $0x2  }
0xfb: {  	s0 =	rddreg [dreg:$0x0];
	s2 =	stileid.u32  }
0xfc: {  	s1 =	rddreg [dreg:$0x1];
	p0 =	sne.s32 s2, $0x0  }
0xfd: {  	s3 =	rddreg [dreg:$0x2];
	[bflag:$0x3] =	sbarrier.arrive $0xFFFF;
	s2 =	simm.s32 @!p0 $0x1C03  }
0xfe: {  	[timem:s3], [sflag:s2] =	dma.local @!p0 [hbm:s0], s1  }
0xff: {  	s0 =	simm.s32 @!p0 $0x3  }
0x100: {  	_ =	swait.ge @!p0 [sflag:s0], s1  }
0x101: {  	s1 =	ssub.s32 @!p0 $0x0, s1;
	[sflag:s0] =	ssyncset.done @!p0 $0x0  }
0x102: {  	[sflag:s0] =	ssyncadd.s32 @!p0 s1  }
0x103: {  	[bflag:$0x3] =	sbarrier.arrive $0xFFFF  }
0x104: {  	_ =	shalt  }

// kernel: kernel.8.cloned.1.call-start
scs
__scs_entry_jumppad:
0x0: {  	(pc) =	sbr.rel $0x88, $3  }
0x1: {  	(tag) =	ssettag $0x0;
	lr =	simm.s32 $0x1  }
0x2: {  	[smem:$0x3F99] =	sst lr;
	_ =	strace $0xD0000000  }
0x3: {  	_ = 	snop  }
0x4: {  	_ = 	snop  }
0x5: {  	_ = 	snop  }
0x6: {  	_ = 	snop  }
0x7: {  	_ = 	snop  }
__scs_overlays_trampoline_lowered:
0x8: {  	[smem:$0x3FA8] =	sst s0  }
0x9: {  	[smem:$0x3FA9] =	sst s1  }
0xa: {  	[smem:$0x3FAA] =	sst s2  }
0xb: {  	[smem:$0x3FAB] =	sst s3  }
0xc: {  	[smem:$0x3FAC] =	sst s4  }
0xd: {  	[smem:$0x3FAD] =	sst s5  }
0xe: {  	[smem:$0x3FAE] =	sst s6  }
0xf: {  	[smem:$0x3FAF] =	sst s7  }
0x10: {  	[smem:$0x3FB0] =	sst s8  }
0x11: {  	[smem:$0x3FB1] =	sst s9;
	s0 =	simm.s32 @!p0 $0x0  }
0x12: {  	s1 =	sld [smem:$0x3F97];
	s0 =	simm.s32 @p0 $0x1  }
0x13: {  	[smem:$0x3FB2] =	sst s0;
	s0 =	simm.s32 @!p1 $0x0  }
0x14: {  	s2 =	sld [smem:$0x3F96];
	s0 =	simm.s32 @p1 $0x1  }
0x15: {  	[smem:$0x3FB3] =	sst s0;
	s0 =	simm.s32 @!p2 $0x0  }
0x16: {  	s3 =	sld [smem:$0x3FDB];
	s0 =	simm.s32 @p2 $0x1  }
0x17: {  	s4 =	simm.s32 $0x1BF5;
	[smem:$0x3FB5] =	sst s0  }
0x18: {  	s0 =	sld [smem:$0x3F98];
	_ =	swait.ge [sflag:s4], $0x0  }
0x19: {  	s7 =	sld [smem:$0x3F99]  }
0x1a: {  	s8 =	sadd.s32 $0xFFFFE003, lr  }
0x1b: {  	s9 =	sadd.s32 $0xFFFFFEF7, lr;
	s5 =	simm.s32 $0xFFFFFFFF;
	p2 =	slt.u32 s8, $0xFFFFF086  }
0x1c: {  	p1 =	slt.u32 s9, $0xF7A;
	s5 =	simm.s32 @!p2 $0x0  }
0x1d: {  	s5 =	simm.s32 @p1 $0x1;
	p0 =	seq.s32 s7, s2  }
0x1e: {  	s7 =	smul.u32 @!p0 $0xF7A, s2;
	p2 =	seq.s32 @!p0 s5, $0x0  }
0x1f: {  	s9 =	smul.u32 $0xF7A, s1;
	s8 =	simm.s32 @!p0 $0x1BF5;
	p2 =	por !p2, p0  }
0x20: {  	[sflag:s8] =	ssyncset.s32 @!p0 $0xFFFFF086;
	s6 =	sadd.s32 @!p0 s3, s7;
	s7 =	simm.s32 @!p0 $0x108  }
0x21: {  	s3 =	sadd.s32 s3, s9;
	s6 =	sadd.s32 @!p0 $0x88, s6;
	s7 =	simm.s32 @p2 $0x1082  }
0x22: {  	[simem:s7], [sflag:s8] =	dma.local @!p0 [hbm:s6], $0xF7A  }
0x23: {  	s9 =	sor.u32 $0xD0000000, s2;
	s6 =	simm.s32 $0x108;
	_ =	swait.ge @!p0 [sflag:s8], $0x0  }
0x24: {  	s3 =	sadd.s32 $0x88, s3;
	s6 =	simm.s32 @!p1 $0x1082;
	[sflag:s4] =	ssyncset.s32 $0xFFFFF086  }
0x25: {  	[simem:s6], [sflag:s4] =	dma.local [hbm:s3], $0xF7A  }
0x26: {  	[smem:$0x3F99] =	sst s1;
	(tag) =	ssettag s2;
	_ =	strace s9  }
0x27: {  	s1 =	sld [smem:$0x3FA9]  }
0x28: {  	s2 =	sld [smem:$0x3FAA]  }
0x29: {  	s4 =	sld [smem:$0x3FAC]  }
0x2a: {  	p0 =	seq.s32 s5, $0x0;
	s5 =	sld [smem:$0x3FAD]  }
0x2b: {  	s6 =	sld [smem:$0x3FAE]  }
0x2c: {  	s7 =	sld [smem:$0x3FAF]  }
0x2d: {  	s3 =	simm.s32 $0x108;
	s8 =	sld [smem:$0x3FB0]  }
0x2e: {  	s3 =	simm.s32 @!p0 $0x1082;
	s9 =	sld [smem:$0x3FB1]  }
0x2f: {  	lr =	sadd.s32 s0, s3;
	s0 =	sld [smem:$0x3FA8]  }
0x30: {  	s3 =	sld [smem:$0x3FAB]  }
0x31: {  	[smem:$0x3FB4] =	sst s10  }
0x32: {  	s10 =	sld [smem:$0x3FB2];
	_ =	sdelay $0x3  }
0x33: {  	p0 =	seq.s32 s10, $0x1;
	s10 =	sld [smem:$0x3FB4];
	_ =	sdelay $0x3  }
0x34: {  	[smem:$0x3FB4] =	sst s10  }
0x35: {  	s10 =	sld [smem:$0x3FB3];
	_ =	sdelay $0x3  }
0x36: {  	p1 =	seq.s32 s10, $0x1;
	s10 =	sld [smem:$0x3FB4];
	_ =	sdelay $0x3  }
0x37: {  	[smem:$0x3FB4] =	sst s10  }
0x38: {  	s10 =	sld [smem:$0x3FB5]  }
0x39: {  	_ = 	snop;
	(pc) =	sbr.ind lr, $3  }
0x3a: {  	_ = 	snop  }
0x3b: {  	_ = 	snop  }
0x3c: {  	p2 =	seq.s32 s10, $0x1;
	s10 =	sld [smem:$0x3FB4]  }
0x3d: {  	_ =	shalt  }
0x3e: {  	_ =	shalt  }
0x3f: {  	_ =	shalt  }
0x40: {  	_ =	shalt  }
0x41: {  	_ =	shalt  }
0x42: {  	_ =	shalt  }
0x43: {  	_ =	shalt  }
0x44: {  	_ =	shalt  }
0x45: {  	_ =	shalt  }
0x46: {  	_ =	shalt  }
0x47: {  	_ =	shalt  }
0x48: {  	_ =	shalt  }
0x49: {  	_ =	shalt  }
0x4a: {  	_ =	shalt  }
0x4b: {  	_ =	shalt  }
0x4c: {  	_ =	shalt  }
0x4d: {  	_ =	shalt  }
0x4e: {  	_ =	shalt  }
0x4f: {  	_ =	shalt  }
0x50: {  	_ =	shalt  }
0x51: {  	_ =	shalt  }
0x52: {  	_ =	shalt  }
0x53: {  	_ =	shalt  }
0x54: {  	_ =	shalt  }
0x55: {  	_ =	shalt  }
0x56: {  	_ =	shalt  }
0x57: {  	_ =	shalt  }
0x58: {  	_ =	shalt  }
0x59: {  	_ =	shalt  }
0x5a: {  	_ =	shalt  }
0x5b: {  	_ =	shalt  }
0x5c: {  	_ =	shalt  }
0x5d: {  	_ =	shalt  }
0x5e: {  	_ =	shalt  }
0x5f: {  	_ =	shalt  }
0x60: {  	_ =	shalt  }
0x61: {  	_ =	shalt  }
0x62: {  	_ =	shalt  }
0x63: {  	_ =	shalt  }
0x64: {  	_ =	shalt  }
0x65: {  	_ =	shalt  }
0x66: {  	_ =	shalt  }
0x67: {  	_ =	shalt  }
0x68: {  	_ =	shalt  }
0x69: {  	_ =	shalt  }
0x6a: {  	_ =	shalt  }
0x6b: {  	_ =	shalt  }
0x6c: {  	_ =	shalt  }
0x6d: {  	_ =	shalt  }
0x6e: {  	_ =	shalt  }
0x6f: {  	_ =	shalt  }
0x70: {  	_ =	shalt  }
0x71: {  	_ =	shalt  }
0x72: {  	_ =	shalt  }
0x73: {  	_ =	shalt  }
0x74: {  	_ =	shalt  }
0x75: {  	_ =	shalt  }
0x76: {  	_ =	shalt  }
0x77: {  	_ =	shalt  }
0x78: {  	_ =	shalt  }
0x79: {  	_ =	shalt  }
0x7a: {  	_ =	shalt  }
0x7b: {  	_ =	shalt  }
0x7c: {  	_ =	shalt  }
0x7d: {  	_ =	shalt  }
0x7e: {  	_ =	shalt  }
0x7f: {  	_ =	shalt  }
0x80: {  	_ =	shalt  }
0x81: {  	_ =	shalt  }
0x82: {  	_ =	shalt  }
0x83: {  	_ =	shalt  }
0x84: {  	_ =	shalt  }
0x85: {  	_ =	shalt  }
0x86: {  	_ =	shalt  }
0x87: {  	_ =	shalt  }
.Lfunc_end0:
.L_simem_size_0:
called_computation_lowered:
.L_overlay_start_0:
0x88: {  	s2 =	sld [smem:$0x3FD9]  }
0x89: {  	s3 =	sld [smem:$0x3FFE];
	_ =	sdelay $0x1  }
0x8a: {  	s1 =	srdreg.scid  }
0x8b: {  	s0 =	sand.u32 $0x1, s1  }
0x8c: {  	s17 =	sshll.u32 s0, $0xA;
	s2 =	sadd.s32 s3, s2  }
0x8d: {  	s2 =	sadd.s32 s2, s17  }
0x8e: {  	[smem:$0x3FC0] =	sst s2  }
0x8f: {  	_ = 	snop  }
0x90: {  	s2 =	sld [smem:$0x3FD0];
	(tm) =	ssettm $0x1  }
0x91: {  	s18 =	sld [smem:$0x3FFB];
	_ =	sdelay $0x3  }
0x92: {  	_ =	strace s18  }
0x93: {  	s3 =	sld [smem:$0x3FFC];
	_ =	sdelay $0x3  }
0x94: {  	_ =	strace s3  }
0x95: {  	s3 =	sld [smem:$0x3FFD];
	_ =	sdelay $0x3  }
0x96: {  	_ =	strace s3  }
0x97: {  	_ =	strace $0x8FFFFFFF  }
0x98: {  	s19 =	sld [smem:$0x3FDB];
	_ =	sdelay $0x1  }
0x99: {  	s4 =	simm.s32 $_scs_section_size  }
0x9a: {  	s5 =	simm.s32 $_size__tile_overlayer_lowered;
	s6 =	simm.s32 $_tile_overlayer_lowered  }
0x9b: {  	s22 =	simm.s32 $0x1BFF;
	s21 =	sshll.u32 s6, $0x1;
	s3 =	sadd.s32 s4, s19  }
0x9c: {  	s7 =	simm.s32 $0x0;
	s20 =	sshll.u32 s5, $0x1;
	s5 =	sadd.s32 s21, s3  }
0x9d: {  	[timem:s7], [sflag:s22] =	dma.local [hbm:s5], s20  }
0x9e: {  	_ =	swait.ge [sflag:s22], s20  }
0x9f: {  	s4 =	ssub.s32 $0x0, s20;
	[sflag:s22] =	ssyncset.done $0x0  }
0xa0: {  	[sflag:s22] =	ssyncadd.s32 s4;
	_ =	sdelay $0x1  }
0xa1: {  	s23 =	simm.s32 $0x1B8B  }
0xa2: {  	_ =	swait.ge [sflag:s23], $0x1  }
0xa3: {  	[sflag:s23] =	ssyncset.done $0x0  }
0xa4: {  	s25 =	simm.s32 $0x1B8E;
	s24 =	sld [smem:$0x3FFE];
	[sflag:s23] =	ssyncadd.s32 $0xFFFFFFFF  }
0xa5: {  	s26 =	simm.s32 $execute0_lowered;
	[smem:$0x3FD2] =	sst s25  }
0xa6: {  	s5 =	sshll.u32 s26, $0x1;
	_ =	strace $0x80000046;
	[dreg:$0x1] =	wrdreg $0xFFFFFFFF  }
0xa7: {  	s28 =	simm.s32 $_size_execute0_lowered;
	s3 =	sadd.s32 s3, s5;
	[dreg:$0x0] =	wrdreg $0x0  }
0xa8: {  	s5 =	sshll.u32 s28, $0x1;
	[dreg:$0x2] =	wrdreg s3  }
0xa9: {  	[dreg:$0x3] =	wrdreg s5  }
0xaa: {  	[dreg:$0x4] =	wrdreg $0xC0  }
0xab: {  	_ =	task [dreg:s7], $0x5FFFF  }
0xac: {  	[dreg:$0x1] =	wrdreg $0xFFFFFFFF  }
0xad: {  	[dreg:$0x0] =	wrdreg $0x60  }
0xae: {  	[dreg:$0x2] =	wrdreg s24  }
0xaf: {  	[dreg:$0x3] =	wrdreg s2  }
0xb0: {  	[dreg:$0x4] =	wrdreg $0xA8000  }
0xb1: {  	[dreg:$0x5] =	wrdreg $0x9  }
0xb2: {  	_ =	task.clear_ibuf [dreg:s7], $0x6FFFF;
	_ =	strace $0x90000046  }
0xb3: {  	s29 =	simm.s32 $0x9;
	_ =	strace $0x80000048  }
0xb4: {  	_ =	swait.ge [sflag:s29], $0x1  }
0xb5: {  	[sflag:s29] =	ssyncadd.s32 $0xFFFFFFFF  }
0xb6: {  	_ =	strace $0x90000048  }
0xb7: {  	_ =	sfence  }
0xb8: {  	s30 =	sld [smem:$0x0];
	_ =	sdelay $0x2  }
0xb9: {  	s31 =	sshll.u32 s1, $0xD;
	s1 =	sshrl.u32 s1, $0x2  }
0xba: {  	s3 =	sand.u32 $0x4000, s31;
	s1 =	sadd.s32 s1, s30  }
0xbb: {  	s0 =	sor.u32 s3, s0;
	s1 =	sshll.u32 s1, $0x11  }
0xbc: {  	s0 =	sor.u32 s1, s0  }
0xbd: {  	s0 =	sadd.s32 $0x8F2B, s0  }
0xbe: {  	[sflag:s0] =	ssyncadd.remote.s32 $0x1  }
0xbf: {  	_ =	sfence.sel $0xFFFF  }
0xc0: {  	[dreg:$0x0] =	wrdreg $0xFFFFFFFF;
	(pc) =	sbr.abs _section_cstart, $3  }
0xc1: {  	[dreg:$0x1] =	wrdreg $0xFFFFFFFF  }
0xc2: {  	_ =	task.clear_ibuf [dreg:s7], $0x2FFFF;
	_ =	strace $0x9FFFFFFF  }
0xc3: {  	(tm) =	ssettm $0x7FFFFFFF  }
tec
execute0_lowered:
.L_overlay_start_1:
0x0: {  	(tag) =	ssettag $0x1  }
0x1: {  	s6 =	rddreg [dreg:$0x0]  }
0x2: {  	s2 =	rddreg [dreg:$0x1]  }
0x3: {  	s0 =	srdreg.scid;
	s3 =	rddreg [dreg:$0x2]  }
0x4: {  	s4 =	simm.s32 $0x0;
	s8 =	sand.u32 $0x1, s0;
	s0 =	stileid.u32  }
0x5: {  	s21 =	simm.s32 $0x80;
	s22 =	simm.s32 $0x0;
	s10 =	smul.u32 $0x280, s0  }
0x6: {  	[smem:$0x7FF] =	sst s4;
	s16 =	sadd.s32 $0xD600, s6;
	s7 =	smul.u32 $0x50000, s0  }
0x7: {  	s1 =	sshll.u32 s8, $0x4;
	s25 =	ssub.s32 $0x2, s8;
	s18 =	smul.u32 $0x2800, s8  }
0x8: {  	s5 =	sor.u32 s0, s1;
	s1 =	rddreg [dreg:$0x3];
	_ =	strace $0x80000047  }
0x9: {  	s9 =	sshrl.u32 s25, $0x1;
	s5 =	smul.u32 $0x500, s5;
	s7 =	sshrl.u32 s7, $0x2  }
0xa: {  	s12 =	sadd.s32 $0x80, s10;
	s17 =	ssub.s32 s25, s9;
	s14 =	sadd.s32 $0x100, s10  }
0xb: {  	s15 =	sadd.s32 $0x180, s10;
	s19 =	sadd.s32 $0x200, s10;
	s20 =	sadd.s32 s10, s18  }
0xc: {  	s26 =	sshll.u32 s12, $0x7;
	s28 =	sshll.u32 s14, $0x7;
	s13 =	sshll.u32 s15, $0x7  }
0xd: {  	s29 =	sshll.u32 s19, $0x7;
	s12 =	sadd.s32 s18, s12;
	s30 =	sshll.u32 s20, $0x4  }
0xe: {  	s14 =	sadd.s32 s18, s14;
	s15 =	sadd.s32 s18, s15;
	s18 =	sadd.s32 s18, s19  }
0xf: {  	s17 =	smax.u32 s17, $0x1;
	s19 =	simm.s32 $0x1;
	s20 =	simm.s32 $0x2800  }
0x10: {  	s11 =	sadd.s32 s5, s6;
	s5 =	sadd.s32 $0xCE00, s6;
	s6 =	sadd.s32 s7, s3  }
0x11: {  	s7 =	sadd.s32 s26, s3;
	s8 =	sadd.s32 s28, s3;
	s9 =	sadd.s32 s13, s3  }
0x12: {  	s10 =	sadd.s32 s29, s3;
	s31 =	sshll.u32 s12, $0x4;
	s12 =	sadd.s32 s16, s30  }
0x13: {  	s14 =	sshll.u32 s14, $0x4;
	s15 =	sshll.u32 s15, $0x4;
	s18 =	sshll.u32 s18, $0x4  }
0x14: {  	s11 =	sadd.s32 $0x2E00, s11;
	s13 =	sadd.s32 s16, s31;
	s14 =	sadd.s32 s16, s14  }
0x15: {  	s15 =	sadd.s32 s16, s15;
	s16 =	sadd.s32 s16, s18;
	s18 =	simm.s32 $0x6800  }
.LBB2_1:
0x16: {  	[tilespmem:s18], [sflag:$0x1] =	stream.linear.gather [hbm4b:s5+s4], $0x4000, $0x38;
	[tilespmem:$0x1E800] =	vst v63  }
0x17: {  	_ =	swait.ge [sflag:s19], $0x4000  }
0x18: {  	[sflag:s19] =	ssyncset.done $0x0  }
0x19: {  	[sflag:s19] =	ssyncadd.s32 $0xFFFFC000  }
0x1a: {  	[spmem:s6] =	stream.linear.scatter [tilespmem:s18], [sflag:$0x1], $0x4000, $0x38;
	[tilespmem:$0x1E800] =	vst v63  }
0x1b: {  	_ =	swait.ge [sflag:s19], $0x4000  }
0x1c: {  	[sflag:s19] =	ssyncset.done $0x0  }
0x1d: {  	[sflag:s19] =	ssyncadd.s32 $0xFFFFC000  }
0x1e: {  	[spmem:s7] =	stream.linear.scatter [tilespmem:s18], [sflag:$0x1], $0x4000, $0x38;
	[tilespmem:$0x1E800] =	vst v63  }
0x1f: {  	_ =	swait.ge [sflag:s19], $0x4000  }
0x20: {  	[sflag:s19] =	ssyncset.done $0x0  }
0x21: {  	[sflag:s19] =	ssyncadd.s32 $0xFFFFC000  }
0x22: {  	[spmem:s8] =	stream.linear.scatter [tilespmem:s18], [sflag:$0x1], $0x4000, $0x38;
	[tilespmem:$0x1E800] =	vst v63  }
0x23: {  	_ =	swait.ge [sflag:s19], $0x4000  }
0x24: {  	[sflag:s19] =	ssyncset.done $0x0  }
0x25: {  	[sflag:s19] =	ssyncadd.s32 $0xFFFFC000  }
0x26: {  	[spmem:s9] =	stream.linear.scatter [tilespmem:s18], [sflag:$0x1], $0x4000, $0x38;
	[tilespmem:$0x1E800] =	vst v63  }
0x27: {  	_ =	swait.ge [sflag:s19], $0x4000  }
0x28: {  	[sflag:s19] =	ssyncset.done $0x0  }
0x29: {  	[sflag:s19] =	ssyncadd.s32 $0xFFFFC000  }
0x2a: {  	[spmem:s10] =	stream.linear.scatter [tilespmem:s18], [sflag:$0x1], $0x4000, $0x38;
	[tilespmem:$0x1E800] =	vst v63  }
0x2b: {  	_ =	swait.ge [sflag:s19], $0x4000  }
0x2c: {  	[sflag:s19] =	ssyncset.done $0x0  }
0x2d: {  	[sflag:s19] =	ssyncadd.s32 $0xFFFFC000  }
0x2e: {  	[tilespmem:s20], [sflag:$0x1] =	stream.linear.gather [hbm4b:s2+s4], $0x4000, $0x38;
	[tilespmem:$0x1E800] =	vst v63  }
0x2f: {  	_ =	swait.ge [sflag:s19], $0x4000  }
0x30: {  	[sflag:s19] =	ssyncset.done $0x0  }
0x31: {  	[sflag:s19] =	ssyncadd.s32 $0xFFFFC000  }
0x32: {  	[tilespmem:s4], [sflag:$0x1] =	stream.linear.gather [hbm4b:s11+s4], $0x2800, $0x38;
	[tilespmem:$0x1E800] =	vst v63  }
0x33: {  	_ =	swait.ge [sflag:s19], $0x2800  }
0x34: {  	[sflag:s19] =	ssyncset.done $0x0  }
0x35: {  	[sflag:s19] =	ssyncadd.s32 $0xFFFFD800  }
0x36: {  	s23 =	simm.s32 $0x0;
	[bflag:$0x0] =	sbarrier.arrive $0xFFFF  }
0x37: {  	[spmem:s3] =	stream.indirect.scatter.add.f32 [tilespmem:s20], [sflag:$0x1], $0x80, s23, s21, $0xb8;
	[tilespmem:$0x1E800] =	vst v63  }
0x38: {  	_ =	swait.ge [sflag:s19], $0x4000  }
0x39: {  	s23 =	simm.s32 $0x200;
	[sflag:s19] =	ssyncset.done $0x0  }
.LBB2_2:
0x3a: {  	s24 =	sshra.s32 s23, $0x2;
	[sflag:s19] =	ssyncadd.s32 $0xFFFFC000;
	p0 =	sne.s32 s23, $0x9E00  }
0x3b: {  	[spmem:s3] =	stream.indirect.scatter.add.f32 [tilespmem:s20], [sflag:$0x1], $0x80, s24, s21, $0xb8;
	[tilespmem:$0x1E800] =	vst v63  }
.Ltmp0:
0x3c: {  	_ = 	snop;
	(pc) =	sbr.rel @p0 .LBB2_2-.Ltmp0, $4  }
0x3d: {  	_ = 	snop  }
0x3e: {  	s23 =	sadd.s32 $0x200, s23  }
0x3f: {  	_ =	swait.ge [sflag:s19], $0x4000  }
0x40: {  	[sflag:s19] =	ssyncset.done $0x0  }
0x41: {  	[sflag:s19] =	ssyncadd.s32 $0xFFFFC000  }
0x42: {  	[bflag:$0x0] =	sbarrier.arrive $0xFFFF  }
0x43: {  	[tilespmem:s18], [sflag:$0x1] =	stream.linear.gather [spmem:s6], $0x4000, $0x38;
	[tilespmem:$0x1E800] =	vst v63  }
0x44: {  	_ =	swait.ge [sflag:s19], $0x4000  }
0x45: {  	[sflag:s19] =	ssyncset.done $0x0  }
0x46: {  	[sflag:s19] =	ssyncadd.s32 $0xFFFFC000  }
0x47: {  	[hbm4b:s12+s4] =	stream.linear.scatter [tilespmem:s18], [sflag:$0x1], $0x4000, $0x38;
	[tilespmem:$0x1E800] =	vst v63  }
0x48: {  	_ =	swait.ge [sflag:s19], $0x4000  }
0x49: {  	[sflag:s19] =	ssyncset.done $0x0  }
0x4a: {  	[sflag:s19] =	ssyncadd.s32 $0xFFFFC000  }
0x4b: {  	[tilespmem:s18], [sflag:$0x1] =	stream.linear.gather [spmem:s7], $0x4000, $0x38;
	[tilespmem:$0x1E800] =	vst v63  }
0x4c: {  	_ =	swait.ge [sflag:s19], $0x4000  }
0x4d: {  	[sflag:s19] =	ssyncset.done $0x0  }
0x4e: {  	[sflag:s19] =	ssyncadd.s32 $0xFFFFC000  }
0x4f: {  	[hbm4b:s13+s4] =	stream.linear.scatter [tilespmem:s18], [sflag:$0x1], $0x4000, $0x38;
	[tilespmem:$0x1E800] =	vst v63  }
0x50: {  	_ =	swait.ge [sflag:s19], $0x4000  }
0x51: {  	[sflag:s19] =	ssyncset.done $0x0  }
0x52: {  	[sflag:s19] =	ssyncadd.s32 $0xFFFFC000  }
0x53: {  	[tilespmem:s18], [sflag:$0x1] =	stream.linear.gather [spmem:s8], $0x4000, $0x38;
	[tilespmem:$0x1E800] =	vst v63  }
0x54: {  	_ =	swait.ge [sflag:s19], $0x4000  }
0x55: {  	[sflag:s19] =	ssyncset.done $0x0  }
0x56: {  	[sflag:s19] =	ssyncadd.s32 $0xFFFFC000  }
0x57: {  	[hbm4b:s14+s4] =	stream.linear.scatter [tilespmem:s18], [sflag:$0x1], $0x4000, $0x38;
	[tilespmem:$0x1E800] =	vst v63  }
0x58: {  	_ =	swait.ge [sflag:s19], $0x4000  }
0x59: {  	[sflag:s19] =	ssyncset.done $0x0  }
0x5a: {  	[sflag:s19] =	ssyncadd.s32 $0xFFFFC000  }
0x5b: {  	[tilespmem:s18], [sflag:$0x1] =	stream.linear.gather [spmem:s9], $0x4000, $0x38;
	[tilespmem:$0x1E800] =	vst v63  }
0x5c: {  	_ =	swait.ge [sflag:s19], $0x4000  }
0x5d: {  	[sflag:s19] =	ssyncset.done $0x0  }
0x5e: {  	[sflag:s19] =	ssyncadd.s32 $0xFFFFC000  }
0x5f: {  	[hbm4b:s15+s4] =	stream.linear.scatter [tilespmem:s18], [sflag:$0x1], $0x4000, $0x38;
	[tilespmem:$0x1E800] =	vst v63  }
0x60: {  	_ =	swait.ge [sflag:s19], $0x4000  }
0x61: {  	[sflag:s19] =	ssyncset.done $0x0  }
0x62: {  	[sflag:s19] =	ssyncadd.s32 $0xFFFFC000  }
0x63: {  	[tilespmem:s18], [sflag:$0x1] =	stream.linear.gather [spmem:s10], $0x4000, $0x38;
	[tilespmem:$0x1E800] =	vst v63  }
0x64: {  	s22 =	sadd.s32 $0x1, s22;
	_ =	swait.ge [sflag:s19], $0x4000  }
0x65: {  	p0 =	sne.s32 s22, s17;
	[sflag:s19] =	ssyncset.done $0x0  }
.Ltmp1:
0x66: {  	[sflag:s19] =	ssyncadd.s32 $0xFFFFC000;
	(pc) =	sbr.rel @p0 .LBB2_1-.Ltmp1, $4  }
0x67: {  	[hbm4b:s16+s4] =	stream.linear.scatter [tilespmem:s18], [sflag:$0x1], $0x4000, $0x38;
	[tilespmem:$0x1E800] =	vst v63  }
0x68: {  	_ =	swait.ge [sflag:s19], $0x4000  }
0x69: {  	[sflag:s19] =	ssyncset.done $0x0  }
0x6a: {  	[sflag:s19] =	ssyncadd.s32 $0xFFFFC000  }
0x6b: {  	_ =	sfence.sel $0x180000  }
0x6c: {  	[bflag:$0x0] =	sbarrier.arrive $0xFFFF  }
0x6d: {  	p0 =	sne.s32 s0, $0x0;
	_ =	strace $0x90000047  }
0x6e: {  	s0 =	sadd.s32 @!p0 $0x100000, s1;
	[bflag:$0x2] =	sbarrier.arrive $0xFFFF  }
0x6f: {  	[sflag:s0] =	ssyncadd.tile.s32 @!p0 $0x1;
	_ =	shalt  }
.Lfunc_end2:
_tile_overlayer_lowered:
.L_overlay_start_2:
0x70: {  	(tag) =	ssettag $0x2  }
0x71: {  	s0 =	rddreg [dreg:$0x0];
	s2 =	stileid.u32  }
0x72: {  	s1 =	rddreg [dreg:$0x1];
	p0 =	sne.s32 s2, $0x0  }
0x73: {  	s3 =	rddreg [dreg:$0x2];
	[bflag:$0x3] =	sbarrier.arrive $0xFFFF;
	s2 =	simm.s32 @!p0 $0x1C01  }
0x74: {  	[timem:s3], [sflag:s2] =	dma.local @!p0 [hbm:s0], s1  }
0x75: {  	s0 =	simm.s32 @!p0 $0x1  }
0x76: {  	_ =	swait.ge @!p0 [sflag:s0], s1  }
0x77: {  	s1 =	ssub.s32 @!p0 $0x0, s1;
	[sflag:s0] =	ssyncset.done @!p0 $0x0  }
0x78: {  	[sflag:s0] =	ssyncadd.s32 @!p0 s1  }
0x79: {  	[bflag:$0x3] =	sbarrier.arrive $0xFFFF  }
0x7a: {  	_ =	shalt  }

</sc_bundles>
